<compile_context>
chip_gen: v7x
topology: tpu7x:2x2x1
jax: 0.10.2.dev20260603
libtpu: 0.0.44.dev20260713+nightly
codegen_flags: <defaults>
</compile_context>

<pallas_src>
import functools

import jax
import jax.numpy as jnp
from jax import lax
from jax.experimental import pallas as pl
from jax.experimental.pallas import tpu as pltpu
from jax.experimental.pallas import tpu_sc as plsc

N_NODES = 10000
N_EDGES = 320000
D = 128
NC = 2
NS = 16
NW = NC * NS
SUB = 128
EPADW = 10240
EPAD = NW * EPADW
QPT = EPADW // SUB
IDXROWS = EPAD // SUB
REALROWS = N_EDGES // SUB
NPAD = 10240
NRCHUNK = N_NODES // 8
RITERS = -(-NRCHUNK // NS)

_mesh = plsc.VectorSubcoreMesh(
    core_axis_name="c", subcore_axis_name="s", num_cores=NC, num_subcores=NS)


@functools.partial(
    pl.kernel,
    out_type=jax.ShapeDtypeStruct((NC, 2, NPAD), jnp.float32),
    mesh=_mesh,
    scratch_types=[
        pltpu.VMEM((QPT, SUB), jnp.int32),
        pltpu.VMEM((QPT, SUB), jnp.int32),
        pltpu.VMEM((SUB,), jnp.float32),
        pltpu.VMEM((640,), jnp.float32),
        pltpu.VMEM_SHARED((NPAD,), jnp.float32),
        pltpu.VMEM_SHARED((NPAD,), jnp.float32),
        pltpu.SemaphoreType.DMA,
        pltpu.SemaphoreType.DMA,
    ],
)
def _degree_kernel(src_hbm, dst_hbm, out_hbm, srcv, dstv, ones_v, zeros_v,
                   hist_s, hist_d, isem, ssem):
    c = lax.axis_index("c")
    s = lax.axis_index("s")
    w = c * NS + s

    pltpu.async_copy(src_hbm.at[pl.ds(w * QPT, QPT)], srcv, isem)
    pltpu.async_copy(dst_hbm.at[pl.ds(w * QPT, QPT)], dstv, isem)

    def fill_zeros(i, _):
        zeros_v[pl.ds(i * 16, 16)] = jnp.zeros((16,), jnp.float32)
        return 0
    lax.fori_loop(0, 640 // 16, fill_zeros, 0)

    def fill_ones(i, _):
        ones_v[pl.ds(i * 16, 16)] = jnp.ones((16,), jnp.float32)
        return 0
    lax.fori_loop(0, SUB // 16, fill_ones, 0)

    pltpu.sync_copy(zeros_v, hist_s.at[pl.ds(s * 640, 640)])
    pltpu.sync_copy(zeros_v, hist_d.at[pl.ds(s * 640, 640)])
    pltpu.make_async_copy(src_hbm.at[pl.ds(w * QPT, QPT)], srcv, isem).wait()
    pltpu.make_async_copy(dst_hbm.at[pl.ds(w * QPT, QPT)], dstv, isem).wait()
    plsc.subcore_barrier()

    def batch(t, _):
        def fire(q_, _2):
            q = t * 8 + q_

            @pl.when(w * QPT + q < REALROWS)
            def _():
                pltpu.async_copy(ones_v, hist_s.at[srcv.at[q]], ssem,
                                 add=True)
                pltpu.async_copy(ones_v, hist_d.at[dstv.at[q]], ssem,
                                 add=True)
            return 0
        lax.fori_loop(0, 8, fire, 0)

        def drain(q_, _2):
            q = t * 8 + q_

            @pl.when(w * QPT + q < REALROWS)
            def _():
                pltpu.make_async_copy(ones_v, hist_s.at[srcv.at[0]],
                                      ssem).wait()
                pltpu.make_async_copy(ones_v, hist_d.at[dstv.at[0]],
                                      ssem).wait()
            return 0
        lax.fori_loop(0, 8, drain, 0)
        return 0
    lax.fori_loop(0, QPT // 8, batch, 0)
    plsc.subcore_barrier()

    pltpu.sync_copy(hist_s.at[pl.ds(s * 640, 640)],
                    out_hbm.at[c, 0, pl.ds(s * 640, 640)])
    pltpu.sync_copy(hist_d.at[pl.ds(s * 640, 640)],
                    out_hbm.at[c, 1, pl.ds(s * 640, 640)])


BROWS = 8
NBLK = QPT // BROWS


@functools.partial(
    pl.kernel,
    out_type=jax.ShapeDtypeStruct((NC, N_NODES, D), jnp.float32),
    mesh=_mesh,
    scratch_types=[
        pltpu.VMEM((2, BROWS, SUB), jnp.int32),
        pltpu.VMEM((2, BROWS, SUB), jnp.int32),
        pltpu.VMEM((2, SUB, D), jnp.float32),
        pltpu.VMEM((8, D), jnp.float32),
        pltpu.VMEM_SHARED((N_NODES, D), jnp.float32),
        pltpu.SemaphoreType.DMA,
        pltpu.SemaphoreType.DMA,
        pltpu.SemaphoreType.DMA,
        pltpu.SemaphoreType.DMA,
    ],
)
def _agg_kernel(y_hbm, src_hbm, dst_hbm, out_hbm, srcb, dstb, rows, zrows,
                agg, isem0, isem1, gsem, ssem):
    c = lax.axis_index("c")
    s = lax.axis_index("s")
    w = c * NS + s
    isems = (isem0, isem1)

    def fire_idx(t, p):
        base = w * QPT + t * BROWS
        pltpu.async_copy(src_hbm.at[pl.ds(base, BROWS)], srcb.at[p], isems[p])
        pltpu.async_copy(dst_hbm.at[pl.ds(base, BROWS)], dstb.at[p], isems[p])

    def wait_idx(p):
        pltpu.make_async_copy(src_hbm.at[pl.ds(0, BROWS)], srcb.at[p],
                              isems[p]).wait()
        pltpu.make_async_copy(dst_hbm.at[pl.ds(0, BROWS)], dstb.at[p],
                              isems[p]).wait()

    fire_idx(0, 0)
    fire_idx(1, 1)

    def fill_zrows(i, _):
        zrows[i // 8, pl.ds((i % 8) * 16, 16)] = jnp.zeros((16,), jnp.float32)
        return 0
    lax.fori_loop(0, 8 * 8, fill_zrows, 0)

    def zero_batch(t, _):
        def fire(i_, _2):
            j = (t * 8 + i_) * NS + s

            @pl.when(j < NRCHUNK)
            def _():
                pltpu.async_copy(zrows, agg.at[pl.ds(j * 8, 8)], ssem)
            return 0
        lax.fori_loop(0, 8, fire, 0)

        def drain(i_, _2):
            j = (t * 8 + i_) * NS + s

            @pl.when(j < NRCHUNK)
            def _():
                pltpu.make_async_copy(zrows, agg.at[pl.ds(0, 8)],
                                      ssem).wait()
            return 0
        lax.fori_loop(0, 8, drain, 0)
        return 0

    wait_idx(0)
    pltpu.async_copy(y_hbm.at[srcb.at[0, 0]], rows.at[0], gsem)
    lax.fori_loop(0, -(-RITERS // 8), zero_batch, 0)
    plsc.subcore_barrier()


    def wait_scat(bb):
        pltpu.make_async_copy(rows.at[bb], agg.at[dstb.at[0, 0]],
                              ssem).wait()

    def sblock(i, _):
        for p in range(2):
            t = i * 2 + p
            for q in range(BROWS):
                bb = q % 2
                rr = w * QPT + t * BROWS + q

                @pl.when(rr < REALROWS)
                def _():
                    pltpu.make_async_copy(y_hbm.at[srcb.at[p, 0]],
                                          rows.at[bb], gsem).wait()
                if q == 0:
                    @pl.when((t > 0) & (rr < REALROWS))
                    def _():
                        wait_scat(1 - bb)
                else:
                    @pl.when(rr < REALROWS)
                    def _():
                        wait_scat(1 - bb)

                @pl.when(rr < REALROWS)
                def _():
                    pltpu.async_copy(rows.at[bb], agg.at[dstb.at[p, q]],
                                     ssem, add=True)
                if q < BROWS - 1:
                    @pl.when(rr + 1 < REALROWS)
                    def _():
                        pltpu.async_copy(y_hbm.at[srcb.at[p, q + 1]],
                                         rows.at[1 - bb], gsem)
                else:
                    @pl.when(t < NBLK - 1)
                    def _():
                        wait_idx(1 - p)

                    @pl.when((t < NBLK - 1) & (rr + 1 < REALROWS))
                    def _():
                        pltpu.async_copy(y_hbm.at[srcb.at[1 - p, 0]],
                                         rows.at[1 - bb], gsem)

            @pl.when(t + 2 < NBLK)
            def _():
                fire_idx(t + 2, p)
        return 0
    lax.fori_loop(0, NBLK // 2, sblock, 0)
    wait_scat(0)
    plsc.subcore_barrier()

    def out_batch(t, _):
        def fire(i_, _2):
            j = (t * 8 + i_) * NS + s

            @pl.when(j < NRCHUNK)
            def _():
                pltpu.async_copy(agg.at[pl.ds(j * 8, 8)],
                                 out_hbm.at[c, pl.ds(j * 8, 8)], gsem)
            return 0
        lax.fori_loop(0, 8, fire, 0)

        def drain(i_, _2):
            j = (t * 8 + i_) * NS + s

            @pl.when(j < NRCHUNK)
            def _():
                pltpu.make_async_copy(agg.at[pl.ds(0, 8)],
                                      out_hbm.at[c, pl.ds(0, 8)],
                                      gsem).wait()
            return 0
        lax.fori_loop(0, 8, drain, 0)
        return 0
    lax.fori_loop(0, -(-RITERS // 8), out_batch, 0)


_RB = 2048


def _prescale_matmul_body(deg_ref, x_ref, w_ref, y_ref):
    d = deg_ref[0, 0, :] + deg_ref[1, 0, :]
    ns = lax.rsqrt(jnp.maximum(d, 1.0))
    y_ref[...] = jnp.dot(x_ref[...] * ns[:, None], w_ref[...],
                         preferred_element_type=jnp.float32)


def _finish_body(deg_ref, b_ref, p_ref, o_ref):
    d = deg_ref[0, 1, :] + deg_ref[1, 1, :]
    nd = lax.rsqrt(jnp.maximum(d, 1.0))
    o_ref[...] = (p_ref[0] + p_ref[1]) * nd[:, None] + b_ref[...]


def kernel(features, edge_index, W, b):
    edge_index = edge_index.astype(jnp.int32)
    pad = jnp.full((EPAD - N_EDGES,), N_NODES, jnp.int32)
    src = jnp.concatenate([edge_index[0], pad]).reshape(IDXROWS, SUB)
    dst = jnp.concatenate([edge_index[1], pad]).reshape(IDXROWS, SUB)

    deg = _degree_kernel(src, dst)

    y = pl.pallas_call(
        _prescale_matmul_body,
        grid=(NPAD // _RB,),
        in_specs=[
            pl.BlockSpec((NC, 2, _RB), lambda i: (0, 0, i)),
            pl.BlockSpec((_RB, D), lambda i: (i, 0)),
            pl.BlockSpec((D, D), lambda i: (0, 0)),
        ],
        out_specs=pl.BlockSpec((_RB, D), lambda i: (i, 0)),
        out_shape=jax.ShapeDtypeStruct((NPAD, D), jnp.float32),
    )(deg, features, W)

    parts = _agg_kernel(y, src, dst)

    out = pl.pallas_call(
        _finish_body,
        grid=(pl.cdiv(N_NODES, _RB),),
        in_specs=[
            pl.BlockSpec((NC, 2, _RB), lambda i: (0, 0, i)),
            pl.BlockSpec((1, D), lambda i: (0, 0)),
            pl.BlockSpec((NC, _RB, D), lambda i: (0, i, 0)),
        ],
        out_specs=pl.BlockSpec((_RB, D), lambda i: (i, 0)),
        out_shape=jax.ShapeDtypeStruct((N_NODES, D), jnp.float32),
    )(deg, b.reshape(1, D), parts)

    return out

# --- scband reference (transcript-rebuilt; emitter-appended) ---
"""Pipeline reference for scband-gcnencoder-44890998178165 (READ-ONLY COPY).

The authoritative reference and input builder live on the scoring server;
editing this copy changes nothing except your own understanding.
"""

import jax, jax.numpy as jnp
import numpy as np

N_NODES = 10000
N_EDGES = 320000
D_IN = 128
D_OUT = 128

def setup_inputs(seed: int = 0) -> dict:
    key = jax.random.key(seed)
    k1, k2, k3, k4 = jax.random.split(key, 4)
    features = jax.random.normal(k1, (N_NODES, D_IN), dtype=jnp.float32)
    edge_index = jax.random.randint(k2, (2, N_EDGES), 0, N_NODES, dtype=jnp.int64)
    # GraphConv linear weight and bias (DGL default: weight=True, bias=True)
    W = jax.random.normal(k3, (D_IN, D_OUT), dtype=jnp.float32) * (1.0 / np.sqrt(D_IN))
    b = jnp.zeros((D_OUT,), dtype=jnp.float32)
    return {"features": features, "edge_index": edge_index, "W": W, "b": b}

def reference(features, edge_index, W, b):
    # DGL GraphConv with norm='both':
    #   h = D_out^{-1/2} * X ; aggregate-sum over edges src->dst ; h = D_in^{-1/2} * h ; h = h @ W + b
    src = edge_index[0]
    dst = edge_index[1]
    n = features.shape[0]
    ones = jnp.ones((src.shape[0],), dtype=features.dtype)
    deg_out = jnp.zeros((n,), dtype=features.dtype).at[src].add(ones)
    deg_in = jnp.zeros((n,), dtype=features.dtype).at[dst].add(ones)
    deg_out = jnp.clip(deg_out, 1.0, None)
    deg_in = jnp.clip(deg_in, 1.0, None)
    norm_src = jax.lax.rsqrt(deg_out)[:, None]
    norm_dst = jax.lax.rsqrt(deg_in)[:, None]
    h = features * norm_src
    msg = jnp.take(h, src, axis=0)
    agg = jax.ops.segment_sum(msg, dst, num_segments=n)
    agg = agg * norm_dst
    out = agg @ W + b
    return out

if __name__ == "__main__":
    import jax
    _d = setup_inputs()
    print(jax.jit(kernel)(*tuple(_d.values())))

</pallas_src>

<mosaic_0001>
#map = affine_map<(d0, d1) -> (0, 0)>
#map1 = affine_map<(d0, d1) -> (0, 0, 0)>
module attributes {stable_mosaic.version = 14 : i64} {
  func.func @_agg_kernel(%arg0: i32, %arg1: i32, %arg2: memref<10240x128xf32, #tpu.memory_space<hbm>>, %arg3: memref<2560x128xi32, #tpu.memory_space<hbm>>, %arg4: memref<2560x128xi32, #tpu.memory_space<hbm>>, %arg5: memref<2x10000x128xf32, #tpu.memory_space<hbm>>, %arg6: memref<2x8x128xi32, #tpu.memory_space<vmem>>, %arg7: memref<2x8x128xi32, #tpu.memory_space<vmem>>, %arg8: memref<2x128x128xf32, #tpu.memory_space<vmem>>, %arg9: memref<8x128xf32, #tpu.memory_space<vmem>>, %arg10: memref<10000x128xf32, #tpu.memory_space<vmem_shared>>, %arg11: memref<!tpu.dma_semaphore, #tpu.memory_space<semaphore_mem>>, %arg12: memref<!tpu.dma_semaphore, #tpu.memory_space<semaphore_mem>>, %arg13: memref<!tpu.dma_semaphore, #tpu.memory_space<semaphore_mem>>, %arg14: memref<!tpu.dma_semaphore, #tpu.memory_space<semaphore_mem>>) attributes {dimension_semantics = [#tpu.dimension_semantics<core_parallel>, #tpu.dimension_semantics<subcore_parallel>], iteration_bounds = array<i64: 2, 16>, scalar_prefetch = 0 : i64, scratch_operands = 9 : i64, tpu.core_type = #tpu.core_type<sc_vector_subcore>, window_params = [{transform_indices = #map}, {transform_indices = #map}, {transform_indices = #map}, {transform_indices = #map1}]} {
    %mul3A = arith.constant 16 : i32
    %mul3A_0 = arith.muli %arg0, %mul3A : i32
    %add3A = arith.addi %mul3A_0, %arg1 : i32
    %mul3A_1 = arith.constant 80 : i32
    %mul3A_2 = arith.muli %add3A, %mul3A_1 : i32
    %add3A_3 = arith.constant 0 : i32
    %add3A_4 = arith.addi %mul3A_2, %add3A_3 : i32
    %dma_start3A = arith.constant 0 : i32
    %dma_start3A_5 = arith.constant 0 : i32
    %dma_start3A_6 = arith.constant 0 : i32
    %dma_start3A_7 = tpu.memref_slice %arg6[%dma_start3A, %dma_start3A_5, %dma_start3A_6] : memref<2x8x128xi32, #tpu.memory_space<vmem>> -> memref<1x8x128xi32, #tpu.memory_space<vmem>>
    %dma_start3A_8 = tpu.memref_squeeze %dma_start3A_7 : memref<1x8x128xi32, #tpu.memory_space<vmem>> -> memref<8x128xi32, #tpu.memory_space<vmem>>
    %dma_start3A_9 = arith.constant 0 : i32
    %dma_start3A_10 = tpu.memref_slice %arg3[%add3A_4, %dma_start3A_9] : memref<2560x128xi32, #tpu.memory_space<hbm>> -> memref<8x128xi32, #tpu.memory_space<hbm>>
    %dma_start3A_11 = arith.constant 0 : i32
    %dma_start3A_12 = arith.constant 0 : i32
    %dma_start3A_13 = tpu.memref_slice %arg6[%dma_start3A, %dma_start3A_11, %dma_start3A_12] : memref<2x8x128xi32, #tpu.memory_space<vmem>> -> memref<1x8x128xi32, #tpu.memory_space<vmem>>
    %dma_start3A_14 = tpu.memref_squeeze %dma_start3A_13 : memref<1x8x128xi32, #tpu.memory_space<vmem>> -> memref<8x128xi32, #tpu.memory_space<vmem>>
    %dma_start3A_15 = arith.constant 0 : i32
    %dma_start3A_16 = tpu.memref_slice %arg3[%add3A_4, %dma_start3A_15] : memref<2560x128xi32, #tpu.memory_space<hbm>> -> memref<8x128xi32, #tpu.memory_space<hbm>>
    tpu.enqueue_dma source(%dma_start3A_16 : memref<8x128xi32, #tpu.memory_space<hbm>>) target(%dma_start3A_14 : memref<8x128xi32, #tpu.memory_space<vmem>>) target_semaphore(%arg11 : memref<!tpu.dma_semaphore, #tpu.memory_space<semaphore_mem>>)
    %dma_start3A_17 = arith.constant 0 : i32
    %dma_start3A_18 = arith.constant 0 : i32
    %dma_start3A_19 = arith.constant 0 : i32
    %dma_start3A_20 = tpu.memref_slice %arg7[%dma_start3A_17, %dma_start3A_18, %dma_start3A_19] : memref<2x8x128xi32, #tpu.memory_space<vmem>> -> memref<1x8x128xi32, #tpu.memory_space<vmem>>
    %dma_start3A_21 = tpu.memref_squeeze %dma_start3A_20 : memref<1x8x128xi32, #tpu.memory_space<vmem>> -> memref<8x128xi32, #tpu.memory_space<vmem>>
    %dma_start3A_22 = arith.constant 0 : i32
    %dma_start3A_23 = tpu.memref_slice %arg4[%add3A_4, %dma_start3A_22] : memref<2560x128xi32, #tpu.memory_space<hbm>> -> memref<8x128xi32, #tpu.memory_space<hbm>>
    %dma_start3A_24 = arith.constant 0 : i32
    %dma_start3A_25 = arith.constant 0 : i32
    %dma_start3A_26 = tpu.memref_slice %arg7[%dma_start3A_17, %dma_start3A_24, %dma_start3A_25] : memref<2x8x128xi32, #tpu.memory_space<vmem>> -> memref<1x8x128xi32, #tpu.memory_space<vmem>>
    %dma_start3A_27 = tpu.memref_squeeze %dma_start3A_26 : memref<1x8x128xi32, #tpu.memory_space<vmem>> -> memref<8x128xi32, #tpu.memory_space<vmem>>
    %dma_start3A_28 = arith.constant 0 : i32
    %dma_start3A_29 = tpu.memref_slice %arg4[%add3A_4, %dma_start3A_28] : memref<2560x128xi32, #tpu.memory_space<hbm>> -> memref<8x128xi32, #tpu.memory_space<hbm>>
    tpu.enqueue_dma source(%dma_start3A_29 : memref<8x128xi32, #tpu.memory_space<hbm>>) target(%dma_start3A_27 : memref<8x128xi32, #tpu.memory_space<vmem>>) target_semaphore(%arg11 : memref<!tpu.dma_semaphore, #tpu.memory_space<semaphore_mem>>)
    %mul3A_30 = arith.constant 80 : i32
    %mul3A_31 = arith.muli %add3A, %mul3A_30 : i32
    %add3A_32 = arith.constant 8 : i32
    %add3A_33 = arith.addi %mul3A_31, %add3A_32 : i32
    %dma_start3A_34 = arith.constant 1 : i32
    %dma_start3A_35 = arith.constant 0 : i32
    %dma_start3A_36 = arith.constant 0 : i32
    %dma_start3A_37 = tpu.memref_slice %arg6[%dma_start3A_34, %dma_start3A_35, %dma_start3A_36] : memref<2x8x128xi32, #tpu.memory_space<vmem>> -> memref<1x8x128xi32, #tpu.memory_space<vmem>>
    %dma_start3A_38 = tpu.memref_squeeze %dma_start3A_37 : memref<1x8x128xi32, #tpu.memory_space<vmem>> -> memref<8x128xi32, #tpu.memory_space<vmem>>
    %dma_start3A_39 = arith.constant 0 : i32
    %dma_start3A_40 = tpu.memref_slice %arg3[%add3A_33, %dma_start3A_39] : memref<2560x128xi32, #tpu.memory_space<hbm>> -> memref<8x128xi32, #tpu.memory_space<hbm>>
    %dma_start3A_41 = arith.constant 0 : i32
    %dma_start3A_42 = arith.constant 0 : i32
    %dma_start3A_43 = tpu.memref_slice %arg6[%dma_start3A_34, %dma_start3A_41, %dma_start3A_42] : memref<2x8x128xi32, #tpu.memory_space<vmem>> -> memref<1x8x128xi32, #tpu.memory_space<vmem>>
    %dma_start3A_44 = tpu.memref_squeeze %dma_start3A_43 : memref<1x8x128xi32, #tpu.memory_space<vmem>> -> memref<8x128xi32, #tpu.memory_space<vmem>>
    %dma_start3A_45 = arith.constant 0 : i32
    %dma_start3A_46 = tpu.memref_slice %arg3[%add3A_33, %dma_start3A_45] : memref<2560x128xi32, #tpu.memory_space<hbm>> -> memref<8x128xi32, #tpu.memory_space<hbm>>
    tpu.enqueue_dma source(%dma_start3A_46 : memref<8x128xi32, #tpu.memory_space<hbm>>) target(%dma_start3A_44 : memref<8x128xi32, #tpu.memory_space<vmem>>) target_semaphore(%arg12 : memref<!tpu.dma_semaphore, #tpu.memory_space<semaphore_mem>>)
    %dma_start3A_47 = arith.constant 1 : i32
    %dma_start3A_48 = arith.constant 0 : i32
    %dma_start3A_49 = arith.constant 0 : i32
    %dma_start3A_50 = tpu.memref_slice %arg7[%dma_start3A_47, %dma_start3A_48, %dma_start3A_49] : memref<2x8x128xi32, #tpu.memory_space<vmem>> -> memref<1x8x128xi32, #tpu.memory_space<vmem>>
    %dma_start3A_51 = tpu.memref_squeeze %dma_start3A_50 : memref<1x8x128xi32, #tpu.memory_space<vmem>> -> memref<8x128xi32, #tpu.memory_space<vmem>>
    %dma_start3A_52 = arith.constant 0 : i32
    %dma_start3A_53 = tpu.memref_slice %arg4[%add3A_33, %dma_start3A_52] : memref<2560x128xi32, #tpu.memory_space<hbm>> -> memref<8x128xi32, #tpu.memory_space<hbm>>
    %dma_start3A_54 = arith.constant 0 : i32
    %dma_start3A_55 = arith.constant 0 : i32
    %dma_start3A_56 = tpu.memref_slice %arg7[%dma_start3A_47, %dma_start3A_54, %dma_start3A_55] : memref<2x8x128xi32, #tpu.memory_space<vmem>> -> memref<1x8x128xi32, #tpu.memory_space<vmem>>
    %dma_start3A_57 = tpu.memref_squeeze %dma_start3A_56 : memref<1x8x128xi32, #tpu.memory_space<vmem>> -> memref<8x128xi32, #tpu.memory_space<vmem>>
    %dma_start3A_58 = arith.constant 0 : i32
    %dma_start3A_59 = tpu.memref_slice %arg4[%add3A_33, %dma_start3A_58] : memref<2560x128xi32, #tpu.memory_space<hbm>> -> memref<8x128xi32, #tpu.memory_space<hbm>>
    tpu.enqueue_dma source(%dma_start3A_59 : memref<8x128xi32, #tpu.memory_space<hbm>>) target(%dma_start3A_57 : memref<8x128xi32, #tpu.memory_space<vmem>>) target_semaphore(%arg12 : memref<!tpu.dma_semaphore, #tpu.memory_space<semaphore_mem>>)
    %scan3A = arith.constant 0 : i32
    %scan3A_60 = arith.constant 0 : i32
    %scan3A_61 = arith.constant 64 : i32
    %scan3A_62 = arith.addi %scan3A_60, %scan3A_61 : i32
    %scan3A_63 = arith.constant 1 : i32
    %scan3A_64 = scf.for %scan3A_143 = %scan3A_60 to %scan3A_62 step %scan3A_63 iter_args(%scan3A_144 = %scan3A) -> (i32)  : i32 {
      %broadcast_in_dim3A = arith.constant 0.000000e+00 : f32
      %broadcast_in_dim3A_145 = vector.broadcast %broadcast_in_dim3A : f32 to vector<16xf32>
      %jit3A = arith.constant 8 : i32
      %div3A = arith.divsi %scan3A_143, %jit3A : i32
      %sign3A = arith.constant 0 : i32
      %sign3A_146 = arith.cmpi sgt, %scan3A_143, %sign3A : i32
      %sign3A_147 = arith.extui %sign3A_146 : i1 to i32
      %sign3A_148 = arith.constant 0 : i32
      %sign3A_149 = arith.cmpi slt, %scan3A_143, %sign3A_148 : i32
      %sign3A_150 = arith.extui %sign3A_149 : i1 to i32
      %sign3A_151 = arith.subi %sign3A_147, %sign3A_150 : i32
      %sign3A_152 = arith.constant 0 : i32
      %sign3A_153 = arith.cmpi sgt, %jit3A, %sign3A_152 : i32
      %sign3A_154 = arith.extui %sign3A_153 : i1 to i32
      %sign3A_155 = arith.constant 0 : i32
      %sign3A_156 = arith.cmpi slt, %jit3A, %sign3A_155 : i32
      %sign3A_157 = arith.extui %sign3A_156 : i1 to i32
      %sign3A_158 = arith.subi %sign3A_154, %sign3A_157 : i32
      %ne3A = arith.cmpi ne, %sign3A_151, %sign3A_158 : i32
      %rem3A = arith.remsi %scan3A_143, %jit3A : i32
      %ne3A_159 = arith.constant 0 : i32
      %ne3A_160 = arith.cmpi ne, %rem3A, %ne3A_159 : i32
      %and3A = arith.andi %ne3A, %ne3A_160 : i1
      %sub3A = arith.constant 1 : i32
      %sub3A_161 = arith.subi %div3A, %sub3A : i32
      %select_n3A = arith.select %and3A, %sub3A_161, %div3A : i32
      %jit3A_162 = arith.constant 8 : i32
      %eq3A = arith.constant 0 : i32
      %eq3A_163 = arith.cmpi eq, %jit3A_162, %eq3A : i32
      %jit3A_164 = arith.constant 1 : i32
      %select_n3A_165 = arith.select %eq3A_163, %jit3A_164, %jit3A_162 : i32
      %rem3A_166 = arith.remsi %scan3A_143, %select_n3A_165 : i32
      %ne3A_167 = arith.constant 0 : i32
      %ne3A_168 = arith.cmpi ne, %rem3A_166, %ne3A_167 : i32
      %lt3A = arith.constant 0 : i32
      %lt3A_169 = arith.cmpi slt, %rem3A_166, %lt3A : i32
      %lt3A_170 = arith.constant 0 : i32
      %lt3A_171 = arith.cmpi slt, %select_n3A_165, %lt3A_170 : i32
      %ne3A_172 = arith.xori %lt3A_169, %lt3A_171 : i1
      %and3A_173 = arith.andi %ne3A_172, %ne3A_168 : i1
      %add3A_174 = arith.addi %rem3A_166, %select_n3A_165 : i32
      %select_n3A_175 = arith.select %and3A_173, %add3A_174, %rem3A_166 : i32
      %mul3A_176 = arith.constant 16 : i32
      %mul3A_177 = arith.muli %select_n3A_175, %mul3A_176 : i32
      %swap3A = arith.index_cast %select_n3A : i32 to index
      %swap3A_178 = arith.index_cast %mul3A_177 : i32 to index
      %swap3A_179 = tpu.vector_load %arg9[%swap3A, %swap3A_178] {strides = array<i32>} : memref<8x128xf32, #tpu.memory_space<vmem>>, vector<1x16xf32>,
      %swap3A_180 = vector.shape_cast %swap3A_179 : vector<1x16xf32> to vector<16xf32>
      %swap3A_181 = vector.shape_cast %broadcast_in_dim3A_145 : vector<16xf32> to vector<1x16xf32>
      tpu.vector_store %arg9[%swap3A, %swap3A_178], %swap3A_181 {strides = array<i32>} : memref<8x128xf32, #tpu.memory_space<vmem>>, vector<1x16xf32>,
      %scan3A_182 = arith.constant 0 : i32
      scf.yield %scan3A_182 : i32
    }
    %scan3A_65 = arith.constant 64 : i32
    %dma_wait3A = arith.constant 0 : i32
    %dma_wait3A_66 = arith.constant 0 : i32
    %dma_wait3A_67 = arith.constant 0 : i32
    %dma_wait3A_68 = tpu.memref_slice %arg6[%dma_wait3A, %dma_wait3A_66, %dma_wait3A_67] : memref<2x8x128xi32, #tpu.memory_space<vmem>> -> memref<1x8x128xi32, #tpu.memory_space<vmem>>
    %dma_wait3A_69 = tpu.memref_squeeze %dma_wait3A_68 : memref<1x8x128xi32, #tpu.memory_space<vmem>> -> memref<8x128xi32, #tpu.memory_space<vmem>>
    %dma_wait3A_70 = arith.constant 0 : i32
    %dma_wait3A_71 = arith.constant 0 : i32
    %dma_wait3A_72 = tpu.memref_slice %arg3[%dma_wait3A_70, %dma_wait3A_71] : memref<2560x128xi32, #tpu.memory_space<hbm>> -> memref<8x128xi32, #tpu.memory_space<hbm>>
    %dma_wait3A_73 = arith.constant 0 : i32
    %dma_wait3A_74 = arith.constant 0 : i32
    %dma_wait3A_75 = tpu.memref_slice %arg6[%dma_wait3A, %dma_wait3A_73, %dma_wait3A_74] : memref<2x8x128xi32, #tpu.memory_space<vmem>> -> memref<1x8x128xi32, #tpu.memory_space<vmem>>
    %dma_wait3A_76 = tpu.memref_squeeze %dma_wait3A_75 : memref<1x8x128xi32, #tpu.memory_space<vmem>> -> memref<8x128xi32, #tpu.memory_space<vmem>>
    %dma_wait3A_77 = arith.constant 0 : i32
    %dma_wait3A_78 = arith.constant 0 : i32
    %dma_wait3A_79 = tpu.memref_slice %arg3[%dma_wait3A_77, %dma_wait3A_78] : memref<2560x128xi32, #tpu.memory_space<hbm>> -> memref<8x128xi32, #tpu.memory_space<hbm>>
    tpu.wait_dma2 semaphore(%arg11 : memref<!tpu.dma_semaphore, #tpu.memory_space<semaphore_mem>>) src(%dma_wait3A_79 : memref<8x128xi32, #tpu.memory_space<hbm>>) dst(%dma_wait3A_76 : memref<8x128xi32, #tpu.memory_space<vmem>>)
    %dma_wait3A_80 = arith.constant 0 : i32
    %dma_wait3A_81 = arith.constant 0 : i32
    %dma_wait3A_82 = arith.constant 0 : i32
    %dma_wait3A_83 = tpu.memref_slice %arg7[%dma_wait3A_80, %dma_wait3A_81, %dma_wait3A_82] : memref<2x8x128xi32, #tpu.memory_space<vmem>> -> memref<1x8x128xi32, #tpu.memory_space<vmem>>
    %dma_wait3A_84 = tpu.memref_squeeze %dma_wait3A_83 : memref<1x8x128xi32, #tpu.memory_space<vmem>> -> memref<8x128xi32, #tpu.memory_space<vmem>>
    %dma_wait3A_85 = arith.constant 0 : i32
    %dma_wait3A_86 = arith.constant 0 : i32
    %dma_wait3A_87 = tpu.memref_slice %arg4[%dma_wait3A_85, %dma_wait3A_86] : memref<2560x128xi32, #tpu.memory_space<hbm>> -> memref<8x128xi32, #tpu.memory_space<hbm>>
    %dma_wait3A_88 = arith.constant 0 : i32
    %dma_wait3A_89 = arith.constant 0 : i32
    %dma_wait3A_90 = tpu.memref_slice %arg7[%dma_wait3A_80, %dma_wait3A_88, %dma_wait3A_89] : memref<2x8x128xi32, #tpu.memory_space<vmem>> -> memref<1x8x128xi32, #tpu.memory_space<vmem>>
    %dma_wait3A_91 = tpu.memref_squeeze %dma_wait3A_90 : memref<1x8x128xi32, #tpu.memory_space<vmem>> -> memref<8x128xi32, #tpu.memory_space<vmem>>
    %dma_wait3A_92 = arith.constant 0 : i32
    %dma_wait3A_93 = arith.constant 0 : i32
    %dma_wait3A_94 = tpu.memref_slice %arg4[%dma_wait3A_92, %dma_wait3A_93] : memref<2560x128xi32, #tpu.memory_space<hbm>> -> memref<8x128xi32, #tpu.memory_space<hbm>>
    tpu.wait_dma2 semaphore(%arg11 : memref<!tpu.dma_semaphore, #tpu.memory_space<semaphore_mem>>) src(%dma_wait3A_94 : memref<8x128xi32, #tpu.memory_space<hbm>>) dst(%dma_wait3A_91 : memref<8x128xi32, #tpu.memory_space<vmem>>)
    %dma_start3A_95 = arith.constant 0 : i32
    %dma_start3A_96 = arith.constant 0 : i32
    %dma_start3A_97 = arith.constant 0 : i32
    %dma_start3A_98 = arith.constant 0 : i32
    %dma_start3A_99 = arith.constant 0 : i32
    %dma_start3A_100 = tpu.memref_slice %arg8[%dma_start3A_97, %dma_start3A_98, %dma_start3A_99] : memref<2x128x128xf32, #tpu.memory_space<vmem>> -> memref<1x128x128xf32, #tpu.memory_space<vmem>>
    %dma_start3A_101 = tpu.memref_squeeze %dma_start3A_100 : memref<1x128x128xf32, #tpu.memory_space<vmem>> -> memref<128x128xf32, #tpu.memory_space<vmem>>
    %dma_start3A_102 = arith.constant 0 : i32
    %dma_start3A_103 = tpu.memref_slice %arg6[%dma_start3A_95, %dma_start3A_96, %dma_start3A_102] : memref<2x8x128xi32, #tpu.memory_space<vmem>> -> memref<1x1x128xi32, #tpu.memory_space<vmem>>
    %dma_start3A_104 = tpu.memref_squeeze %dma_start3A_103 : memref<1x1x128xi32, #tpu.memory_space<vmem>> -> memref<128xi32, #tpu.memory_space<vmem>>
    %dma_start3A_105 = arith.constant 0 : i32
    %dma_start3A_106 = arith.constant 0 : i32
    %dma_start3A_107 = tpu.memref_slice %arg2[%dma_start3A_105, %dma_start3A_106] : memref<10240x128xf32, #tpu.memory_space<hbm>> -> memref<10240x128xf32, #tpu.memory_space<hbm>>
    tpu.enqueue_indirect_dma source(%dma_start3A_107 : memref<10240x128xf32, #tpu.memory_space<hbm>>) target(%dma_start3A_101 : memref<128x128xf32, #tpu.memory_space<vmem>>) offsets(%dma_start3A_104 : memref<128xi32, #tpu.memory_space<vmem>>) semaphore(%arg13 : memref<!tpu.dma_semaphore, #tpu.memory_space<semaphore_mem>>)
    %scan3A_108 = arith.constant 0 : i32
    %scan3A_109 = arith.constant 0 : i32
    %scan3A_110 = arith.constant 10 : i32
    %scan3A_111 = arith.addi %scan3A_109, %scan3A_110 : i32
    %scan3A_112 = arith.constant 1 : i32
    %scan3A_113 = scf.for %scan3A_143 = %scan3A_109 to %scan3A_111 step %scan3A_112 iter_args(%scan3A_144 = %scan3A_108) -> (i32)  : i32 {
      %scan3A_145 = arith.constant 0 : i32
      %scan3A_146 = arith.constant 0 : i32
      %scan3A_147 = arith.constant 8 : i32
      %scan3A_148 = arith.addi %scan3A_146, %scan3A_147 : i32
      %scan3A_149 = arith.constant 1 : i32
      %scan3A_150 = scf.for %scan3A_160 = %scan3A_146 to %scan3A_148 step %scan3A_149 iter_args(%scan3A_161 = %scan3A_145) -> (i32)  : i32 {
        %mul3A_162 = arith.constant 8 : i32
        %mul3A_163 = arith.muli %scan3A_143, %mul3A_162 : i32
        %add3A_164 = arith.addi %mul3A_163, %scan3A_160 : i32
        %mul3A_165 = arith.constant 16 : i32
        %mul3A_166 = arith.muli %add3A_164, %mul3A_165 : i32
        %add3A_167 = arith.addi %mul3A_166, %arg1 : i32
        %lt3A = arith.constant 1250 : i32
        %lt3A_168 = arith.cmpi slt, %add3A_167, %lt3A : i32
        %convert_element_type3A = arith.extui %lt3A_168 : i1 to i32
        %cond3A = arith.constant 0 : i32
        %cond3A_169 = arith.cmpi ne, %convert_element_type3A, %cond3A : i32
        scf.if %cond3A_169 {
          %mul3A_171 = arith.constant 8 : i32
          %mul3A_172 = arith.muli %add3A_167, %mul3A_171 : i32
          %dma_start3A_173 = arith.constant 0 : i32
          %dma_start3A_174 = tpu.memref_slice %arg10[%mul3A_172, %dma_start3A_173] : memref<10000x128xf32, #tpu.memory_space<vmem_shared>> -> memref<8x128xf32, #tpu.memory_space<vmem_shared>>
          %dma_start3A_175 = arith.constant 0 : i32
          %dma_start3A_176 = tpu.memref_slice %arg10[%mul3A_172, %dma_start3A_175] : memref<10000x128xf32, #tpu.memory_space<vmem_shared>> -> memref<8x128xf32, #tpu.memory_space<vmem_shared>>
          tpu.enqueue_dma source(%arg9 : memref<8x128xf32, #tpu.memory_space<vmem>>) target(%dma_start3A_176 : memref<8x128xf32, #tpu.memory_space<vmem_shared>>) target_semaphore(%arg14 : memref<!tpu.dma_semaphore, #tpu.memory_space<semaphore_mem>>)
        } else {
        }
        %scan3A_170 = arith.constant 0 : i32
        scf.yield %scan3A_170 : i32
      }
      %scan3A_151 = arith.constant 8 : i32
      %scan3A_152 = arith.constant 0 : i32
      %scan3A_153 = arith.constant 0 : i32
      %scan3A_154 = arith.constant 8 : i32
      %scan3A_155 = arith.addi %scan3A_153, %scan3A_154 : i32
      %scan3A_156 = arith.constant 1 : i32
      %scan3A_157 = scf.for %scan3A_160 = %scan3A_153 to %scan3A_155 step %scan3A_156 iter_args(%scan3A_161 = %scan3A_152) -> (i32)  : i32 {
        %mul3A_162 = arith.constant 8 : i32
        %mul3A_163 = arith.muli %scan3A_143, %mul3A_162 : i32
        %add3A_164 = arith.addi %mul3A_163, %scan3A_160 : i32
        %mul3A_165 = arith.constant 16 : i32
        %mul3A_166 = arith.muli %add3A_164, %mul3A_165 : i32
        %add3A_167 = arith.addi %mul3A_166, %arg1 : i32
        %lt3A = arith.constant 1250 : i32
        %lt3A_168 = arith.cmpi slt, %add3A_167, %lt3A : i32
        %convert_element_type3A = arith.extui %lt3A_168 : i1 to i32
        %cond3A = arith.constant 0 : i32
        %cond3A_169 = arith.cmpi ne, %convert_element_type3A, %cond3A : i32
        scf.if %cond3A_169 {
          %dma_wait3A_171 = arith.constant 0 : i32
          %dma_wait3A_172 = arith.constant 0 : i32
          %dma_wait3A_173 = tpu.memref_slice %arg10[%dma_wait3A_171, %dma_wait3A_172] : memref<10000x128xf32, #tpu.memory_space<vmem_shared>> -> memref<8x128xf32, #tpu.memory_space<vmem_shared>>
          %dma_wait3A_174 = arith.constant 0 : i32
          %dma_wait3A_175 = arith.constant 0 : i32
          %dma_wait3A_176 = tpu.memref_slice %arg10[%dma_wait3A_174, %dma_wait3A_175] : memref<10000x128xf32, #tpu.memory_space<vmem_shared>> -> memref<8x128xf32, #tpu.memory_space<vmem_shared>>
          tpu.wait_dma2 semaphore(%arg14 : memref<!tpu.dma_semaphore, #tpu.memory_space<semaphore_mem>>) src(%arg9 : memref<8x128xf32, #tpu.memory_space<vmem>>) dst(%dma_wait3A_176 : memref<8x128xf32, #tpu.memory_space<vmem_shared>>)
        } else {
        }
        %scan3A_170 = arith.constant 0 : i32
        scf.yield %scan3A_170 : i32
      }
      %scan3A_158 = arith.constant 8 : i32
      %scan3A_159 = arith.constant 0 : i32
      scf.yield %scan3A_159 : i32
    }
    %scan3A_114 = arith.constant 10 : i32
    %barrier3A = arith.constant 0 : index
    tpu.barrier barrier_id(%barrier3A)
    %scan3A_115 = arith.constant 0 : i32
    %scan3A_116 = arith.constant 0 : i32
    %scan3A_117 = arith.constant 5 : i32
    %scan3A_118 = arith.addi %scan3A_116, %scan3A_117 : i32
    %scan3A_119 = arith.constant 1 : i32
    %scan3A_120 = scf.for %scan3A_143 = %scan3A_116 to %scan3A_118 step %scan3A_119 iter_args(%scan3A_144 = %scan3A_115) -> (i32)  : i32 {
      %mul3A_145 = arith.constant 2 : i32
      %mul3A_146 = arith.muli %scan3A_143, %mul3A_145 : i32
      %add3A_147 = arith.constant 0 : i32
      %add3A_148 = arith.addi %mul3A_146, %add3A_147 : i32
      %mul3A_149 = arith.constant 80 : i32
      %mul3A_150 = arith.muli %add3A, %mul3A_149 : i32
      %mul3A_151 = arith.constant 8 : i32
      %mul3A_152 = arith.muli %add3A_148, %mul3A_151 : i32
      %add3A_153 = arith.addi %mul3A_150, %mul3A_152 : i32
      %add3A_154 = arith.constant 0 : i32
      %add3A_155 = arith.addi %add3A_153, %add3A_154 : i32
      %lt3A = arith.constant 2500 : i32
      %lt3A_156 = arith.cmpi slt, %add3A_155, %lt3A : i32
      %convert_element_type3A = arith.extui %lt3A_156 : i1 to i32
      %cond3A = arith.constant 0 : i32
      %cond3A_157 = arith.cmpi ne, %convert_element_type3A, %cond3A : i32
      scf.if %cond3A_157 {
        %dma_wait3A_649 = arith.constant 0 : i32
        %dma_wait3A_650 = arith.constant 0 : i32
        %dma_wait3A_651 = arith.constant 0 : i32
        %dma_wait3A_652 = arith.constant 0 : i32
        %dma_wait3A_653 = arith.constant 0 : i32
        %dma_wait3A_654 = tpu.memref_slice %arg8[%dma_wait3A_651, %dma_wait3A_652, %dma_wait3A_653] : memref<2x128x128xf32, #tpu.memory_space<vmem>> -> memref<1x128x128xf32, #tpu.memory_space<vmem>>
        %dma_wait3A_655 = tpu.memref_squeeze %dma_wait3A_654 : memref<1x128x128xf32, #tpu.memory_space<vmem>> -> memref<128x128xf32, #tpu.memory_space<vmem>>
        %dma_wait3A_656 = arith.constant 0 : i32
        %dma_wait3A_657 = tpu.memref_slice %arg6[%dma_wait3A_649, %dma_wait3A_650, %dma_wait3A_656] : memref<2x8x128xi32, #tpu.memory_space<vmem>> -> memref<1x1x128xi32, #tpu.memory_space<vmem>>
        %dma_wait3A_658 = tpu.memref_squeeze %dma_wait3A_657 : memref<1x1x128xi32, #tpu.memory_space<vmem>> -> memref<128xi32, #tpu.memory_space<vmem>>
        %dma_wait3A_659 = arith.constant 0 : i32
        %dma_wait3A_660 = arith.constant 0 : i32
        %dma_wait3A_661 = tpu.memref_slice %arg2[%dma_wait3A_659, %dma_wait3A_660] : memref<10240x128xf32, #tpu.memory_space<hbm>> -> memref<10240x128xf32, #tpu.memory_space<hbm>>
        tpu.wait_indirect_dma semaphore(%arg13 : memref<!tpu.dma_semaphore, #tpu.memory_space<semaphore_mem>>) src(%dma_wait3A_661 : memref<10240x128xf32, #tpu.memory_space<hbm>>) dst(%dma_wait3A_655 : memref<128x128xf32, #tpu.memory_space<vmem>>)
      } else {
      }
      %gt3A = arith.constant 0 : i32
      %gt3A_158 = arith.cmpi sgt, %add3A_148, %gt3A : i32
      %lt3A_159 = arith.constant 2500 : i32
      %lt3A_160 = arith.cmpi slt, %add3A_155, %lt3A_159 : i32
      %and3A = arith.andi %gt3A_158, %lt3A_160 : i1
      %convert_element_type3A_161 = arith.extui %and3A : i1 to i32
      %cond3A_162 = arith.constant 0 : i32
      %cond3A_163 = arith.cmpi ne, %convert_element_type3A_161, %cond3A_162 : i32
      scf.if %cond3A_163 {
        %dma_wait3A_649 = arith.constant 1 : i32
        %dma_wait3A_650 = arith.constant 0 : i32
        %dma_wait3A_651 = arith.constant 0 : i32
        %dma_wait3A_652 = arith.constant 0 : i32
        %dma_wait3A_653 = arith.constant 0 : i32
        %dma_wait3A_654 = tpu.memref_slice %arg8[%dma_wait3A_649, %dma_wait3A_652, %dma_wait3A_653] : memref<2x128x128xf32, #tpu.memory_space<vmem>> -> memref<1x128x128xf32, #tpu.memory_space<vmem>>
        %dma_wait3A_655 = tpu.memref_squeeze %dma_wait3A_654 : memref<1x128x128xf32, #tpu.memory_space<vmem>> -> memref<128x128xf32, #tpu.memory_space<vmem>>
        %dma_wait3A_656 = arith.constant 0 : i32
        %dma_wait3A_657 = tpu.memref_slice %arg7[%dma_wait3A_650, %dma_wait3A_651, %dma_wait3A_656] : memref<2x8x128xi32, #tpu.memory_space<vmem>> -> memref<1x1x128xi32, #tpu.memory_space<vmem>>
        %dma_wait3A_658 = tpu.memref_squeeze %dma_wait3A_657 : memref<1x1x128xi32, #tpu.memory_space<vmem>> -> memref<128xi32, #tpu.memory_space<vmem>>
        %dma_wait3A_659 = arith.constant 0 : i32
        %dma_wait3A_660 = arith.constant 0 : i32
        %dma_wait3A_661 = tpu.memref_slice %arg10[%dma_wait3A_659, %dma_wait3A_660] : memref<10000x128xf32, #tpu.memory_space<vmem_shared>> -> memref<10000x128xf32, #tpu.memory_space<vmem_shared>>
        tpu.wait_indirect_dma semaphore(%arg14 : memref<!tpu.dma_semaphore, #tpu.memory_space<semaphore_mem>>) src(%dma_wait3A_655 : memref<128x128xf32, #tpu.memory_space<vmem>>) dst(%dma_wait3A_661 : memref<10000x128xf32, #tpu.memory_space<vmem_shared>>)
      } else {
      }
      %lt3A_164 = arith.constant 2500 : i32
      %lt3A_165 = arith.cmpi slt, %add3A_155, %lt3A_164 : i32
      %convert_element_type3A_166 = arith.extui %lt3A_165 : i1 to i32
      %cond3A_167 = arith.constant 0 : i32
      %cond3A_168 = arith.cmpi ne, %convert_element_type3A_166, %cond3A_167 : i32
      scf.if %cond3A_168 {
        %dma_start3A_649 = arith.constant 0 : i32
        %dma_start3A_650 = arith.constant 0 : i32
        %dma_start3A_651 = arith.constant 0 : i32
        %dma_start3A_652 = arith.constant 0 : i32
        %dma_start3A_653 = arith.constant 0 : i32
        %dma_start3A_654 = tpu.memref_slice %arg8[%dma_start3A_649, %dma_start3A_652, %dma_start3A_653] : memref<2x128x128xf32, #tpu.memory_space<vmem>> -> memref<1x128x128xf32, #tpu.memory_space<vmem>>
        %dma_start3A_655 = tpu.memref_squeeze %dma_start3A_654 : memref<1x128x128xf32, #tpu.memory_space<vmem>> -> memref<128x128xf32, #tpu.memory_space<vmem>>
        %dma_start3A_656 = arith.constant 0 : i32
        %dma_start3A_657 = tpu.memref_slice %arg7[%dma_start3A_650, %dma_start3A_651, %dma_start3A_656] : memref<2x8x128xi32, #tpu.memory_space<vmem>> -> memref<1x1x128xi32, #tpu.memory_space<vmem>>
        %dma_start3A_658 = tpu.memref_squeeze %dma_start3A_657 : memref<1x1x128xi32, #tpu.memory_space<vmem>> -> memref<128xi32, #tpu.memory_space<vmem>>
        %dma_start3A_659 = arith.constant 0 : i32
        %dma_start3A_660 = arith.constant 0 : i32
        %dma_start3A_661 = tpu.memref_slice %arg10[%dma_start3A_659, %dma_start3A_660] : memref<10000x128xf32, #tpu.memory_space<vmem_shared>> -> memref<10000x128xf32, #tpu.memory_space<vmem_shared>>
        tpu.enqueue_indirect_dma source(%dma_start3A_655 : memref<128x128xf32, #tpu.memory_space<vmem>>) target(%dma_start3A_661 : memref<10000x128xf32, #tpu.memory_space<vmem_shared>>) offsets(%dma_start3A_658 : memref<128xi32, #tpu.memory_space<vmem>>) semaphore(%arg14 : memref<!tpu.dma_semaphore, #tpu.memory_space<semaphore_mem>>) {add = true}
      } else {
      }
      %add3A_169 = arith.constant 1 : i32
      %add3A_170 = arith.addi %add3A_155, %add3A_169 : i32
      %lt3A_171 = arith.constant 2500 : i32
      %lt3A_172 = arith.cmpi slt, %add3A_170, %lt3A_171 : i32
      %convert_element_type3A_173 = arith.extui %lt3A_172 : i1 to i32
      %cond3A_174 = arith.constant 0 : i32
      %cond3A_175 = arith.cmpi ne, %convert_element_type3A_173, %cond3A_174 : i32
      scf.if %cond3A_175 {
        %dma_start3A_649 = arith.constant 0 : i32
        %dma_start3A_650 = arith.constant 1 : i32
        %dma_start3A_651 = arith.constant 1 : i32
        %dma_start3A_652 = arith.constant 0 : i32
        %dma_start3A_653 = arith.constant 0 : i32
        %dma_start3A_654 = tpu.memref_slice %arg8[%dma_start3A_651, %dma_start3A_652, %dma_start3A_653] : memref<2x128x128xf32, #tpu.memory_space<vmem>> -> memref<1x128x128xf32, #tpu.memory_space<vmem>>
        %dma_start3A_655 = tpu.memref_squeeze %dma_start3A_654 : memref<1x128x128xf32, #tpu.memory_space<vmem>> -> memref<128x128xf32, #tpu.memory_space<vmem>>
        %dma_start3A_656 = arith.constant 0 : i32
        %dma_start3A_657 = tpu.memref_slice %arg6[%dma_start3A_649, %dma_start3A_650, %dma_start3A_656] : memref<2x8x128xi32, #tpu.memory_space<vmem>> -> memref<1x1x128xi32, #tpu.memory_space<vmem>>
        %dma_start3A_658 = tpu.memref_squeeze %dma_start3A_657 : memref<1x1x128xi32, #tpu.memory_space<vmem>> -> memref<128xi32, #tpu.memory_space<vmem>>
        %dma_start3A_659 = arith.constant 0 : i32
        %dma_start3A_660 = arith.constant 0 : i32
        %dma_start3A_661 = tpu.memref_slice %arg2[%dma_start3A_659, %dma_start3A_660] : memref<10240x128xf32, #tpu.memory_space<hbm>> -> memref<10240x128xf32, #tpu.memory_space<hbm>>
        tpu.enqueue_indirect_dma source(%dma_start3A_661 : memref<10240x128xf32, #tpu.memory_space<hbm>>) target(%dma_start3A_655 : memref<128x128xf32, #tpu.memory_space<vmem>>) offsets(%dma_start3A_658 : memref<128xi32, #tpu.memory_space<vmem>>) semaphore(%arg13 : memref<!tpu.dma_semaphore, #tpu.memory_space<semaphore_mem>>)
      } else {
      }
      %mul3A_176 = arith.constant 80 : i32
      %mul3A_177 = arith.muli %add3A, %mul3A_176 : i32
      %mul3A_178 = arith.constant 8 : i32
      %mul3A_179 = arith.muli %add3A_148, %mul3A_178 : i32
      %add3A_180 = arith.addi %mul3A_177, %mul3A_179 : i32
      %add3A_181 = arith.constant 1 : i32
      %add3A_182 = arith.addi %add3A_180, %add3A_181 : i32
      %lt3A_183 = arith.constant 2500 : i32
      %lt3A_184 = arith.cmpi slt, %add3A_182, %lt3A_183 : i32
      %convert_element_type3A_185 = arith.extui %lt3A_184 : i1 to i32
      %cond3A_186 = arith.constant 0 : i32
      %cond3A_187 = arith.cmpi ne, %convert_element_type3A_185, %cond3A_186 : i32
      scf.if %cond3A_187 {
        %dma_wait3A_649 = arith.constant 0 : i32
        %dma_wait3A_650 = arith.constant 0 : i32
        %dma_wait3A_651 = arith.constant 1 : i32
        %dma_wait3A_652 = arith.constant 0 : i32
        %dma_wait3A_653 = arith.constant 0 : i32
        %dma_wait3A_654 = tpu.memref_slice %arg8[%dma_wait3A_651, %dma_wait3A_652, %dma_wait3A_653] : memref<2x128x128xf32, #tpu.memory_space<vmem>> -> memref<1x128x128xf32, #tpu.memory_space<vmem>>
        %dma_wait3A_655 = tpu.memref_squeeze %dma_wait3A_654 : memref<1x128x128xf32, #tpu.memory_space<vmem>> -> memref<128x128xf32, #tpu.memory_space<vmem>>
        %dma_wait3A_656 = arith.constant 0 : i32
        %dma_wait3A_657 = tpu.memref_slice %arg6[%dma_wait3A_649, %dma_wait3A_650, %dma_wait3A_656] : memref<2x8x128xi32, #tpu.memory_space<vmem>> -> memref<1x1x128xi32, #tpu.memory_space<vmem>>
        %dma_wait3A_658 = tpu.memref_squeeze %dma_wait3A_657 : memref<1x1x128xi32, #tpu.memory_space<vmem>> -> memref<128xi32, #tpu.memory_space<vmem>>
        %dma_wait3A_659 = arith.constant 0 : i32
        %dma_wait3A_660 = arith.constant 0 : i32
        %dma_wait3A_661 = tpu.memref_slice %arg2[%dma_wait3A_659, %dma_wait3A_660] : memref<10240x128xf32, #tpu.memory_space<hbm>> -> memref<10240x128xf32, #tpu.memory_space<hbm>>
        tpu.wait_indirect_dma semaphore(%arg13 : memref<!tpu.dma_semaphore, #tpu.memory_space<semaphore_mem>>) src(%dma_wait3A_661 : memref<10240x128xf32, #tpu.memory_space<hbm>>) dst(%dma_wait3A_655 : memref<128x128xf32, #tpu.memory_space<vmem>>)
      } else {
      }
      %lt3A_188 = arith.constant 2500 : i32
      %lt3A_189 = arith.cmpi slt, %add3A_182, %lt3A_188 : i32
      %convert_element_type3A_190 = arith.extui %lt3A_189 : i1 to i32
      %cond3A_191 = arith.constant 0 : i32
      %cond3A_192 = arith.cmpi ne, %convert_element_type3A_190, %cond3A_191 : i32
      scf.if %cond3A_192 {
        %dma_wait3A_649 = arith.constant 0 : i32
        %dma_wait3A_650 = arith.constant 0 : i32
        %dma_wait3A_651 = arith.constant 0 : i32
        %dma_wait3A_652 = arith.constant 0 : i32
        %dma_wait3A_653 = arith.constant 0 : i32
        %dma_wait3A_654 = tpu.memref_slice %arg8[%dma_wait3A_649, %dma_wait3A_652, %dma_wait3A_653] : memref<2x128x128xf32, #tpu.memory_space<vmem>> -> memref<1x128x128xf32, #tpu.memory_space<vmem>>
        %dma_wait3A_655 = tpu.memref_squeeze %dma_wait3A_654 : memref<1x128x128xf32, #tpu.memory_space<vmem>> -> memref<128x128xf32, #tpu.memory_space<vmem>>
        %dma_wait3A_656 = arith.constant 0 : i32
        %dma_wait3A_657 = tpu.memref_slice %arg7[%dma_wait3A_650, %dma_wait3A_651, %dma_wait3A_656] : memref<2x8x128xi32, #tpu.memory_space<vmem>> -> memref<1x1x128xi32, #tpu.memory_space<vmem>>
        %dma_wait3A_658 = tpu.memref_squeeze %dma_wait3A_657 : memref<1x1x128xi32, #tpu.memory_space<vmem>> -> memref<128xi32, #tpu.memory_space<vmem>>
        %dma_wait3A_659 = arith.constant 0 : i32
        %dma_wait3A_660 = arith.constant 0 : i32
        %dma_wait3A_661 = tpu.memref_slice %arg10[%dma_wait3A_659, %dma_wait3A_660] : memref<10000x128xf32, #tpu.memory_space<vmem_shared>> -> memref<10000x128xf32, #tpu.memory_space<vmem_shared>>
        tpu.wait_indirect_dma semaphore(%arg14 : memref<!tpu.dma_semaphore, #tpu.memory_space<semaphore_mem>>) src(%dma_wait3A_655 : memref<128x128xf32, #tpu.memory_space<vmem>>) dst(%dma_wait3A_661 : memref<10000x128xf32, #tpu.memory_space<vmem_shared>>)
      } else {
      }
      %lt3A_193 = arith.constant 2500 : i32
      %lt3A_194 = arith.cmpi slt, %add3A_182, %lt3A_193 : i32
      %convert_element_type3A_195 = arith.extui %lt3A_194 : i1 to i32
      %cond3A_196 = arith.constant 0 : i32
      %cond3A_197 = arith.cmpi ne, %convert_element_type3A_195, %cond3A_196 : i32
      scf.if %cond3A_197 {
        %dma_start3A_649 = arith.constant 1 : i32
        %dma_start3A_650 = arith.constant 0 : i32
        %dma_start3A_651 = arith.constant 1 : i32
        %dma_start3A_652 = arith.constant 0 : i32
        %dma_start3A_653 = arith.constant 0 : i32
        %dma_start3A_654 = tpu.memref_slice %arg8[%dma_start3A_649, %dma_start3A_652, %dma_start3A_653] : memref<2x128x128xf32, #tpu.memory_space<vmem>> -> memref<1x128x128xf32, #tpu.memory_space<vmem>>
        %dma_start3A_655 = tpu.memref_squeeze %dma_start3A_654 : memref<1x128x128xf32, #tpu.memory_space<vmem>> -> memref<128x128xf32, #tpu.memory_space<vmem>>
        %dma_start3A_656 = arith.constant 0 : i32
        %dma_start3A_657 = tpu.memref_slice %arg7[%dma_start3A_650, %dma_start3A_651, %dma_start3A_656] : memref<2x8x128xi32, #tpu.memory_space<vmem>> -> memref<1x1x128xi32, #tpu.memory_space<vmem>>
        %dma_start3A_658 = tpu.memref_squeeze %dma_start3A_657 : memref<1x1x128xi32, #tpu.memory_space<vmem>> -> memref<128xi32, #tpu.memory_space<vmem>>
        %dma_start3A_659 = arith.constant 0 : i32
        %dma_start3A_660 = arith.constant 0 : i32
        %dma_start3A_661 = tpu.memref_slice %arg10[%dma_start3A_659, %dma_start3A_660] : memref<10000x128xf32, #tpu.memory_space<vmem_shared>> -> memref<10000x128xf32, #tpu.memory_space<vmem_shared>>
        tpu.enqueue_indirect_dma source(%dma_start3A_655 : memref<128x128xf32, #tpu.memory_space<vmem>>) target(%dma_start3A_661 : memref<10000x128xf32, #tpu.memory_space<vmem_shared>>) offsets(%dma_start3A_658 : memref<128xi32, #tpu.memory_space<vmem>>) semaphore(%arg14 : memref<!tpu.dma_semaphore, #tpu.memory_space<semaphore_mem>>) {add = true}
      } else {
      }
      %add3A_198 = arith.constant 1 : i32
      %add3A_199 = arith.addi %add3A_182, %add3A_198 : i32
      %lt3A_200 = arith.constant 2500 : i32
      %lt3A_201 = arith.cmpi slt, %add3A_199, %lt3A_200 : i32
      %convert_element_type3A_202 = arith.extui %lt3A_201 : i1 to i32
      %cond3A_203 = arith.constant 0 : i32
      %cond3A_204 = arith.cmpi ne, %convert_element_type3A_202, %cond3A_203 : i32
      scf.if %cond3A_204 {
        %dma_start3A_649 = arith.constant 0 : i32
        %dma_start3A_650 = arith.constant 2 : i32
        %dma_start3A_651 = arith.constant 0 : i32
        %dma_start3A_652 = arith.constant 0 : i32
        %dma_start3A_653 = arith.constant 0 : i32
        %dma_start3A_654 = tpu.memref_slice %arg8[%dma_start3A_651, %dma_start3A_652, %dma_start3A_653] : memref<2x128x128xf32, #tpu.memory_space<vmem>> -> memref<1x128x128xf32, #tpu.memory_space<vmem>>
        %dma_start3A_655 = tpu.memref_squeeze %dma_start3A_654 : memref<1x128x128xf32, #tpu.memory_space<vmem>> -> memref<128x128xf32, #tpu.memory_space<vmem>>
        %dma_start3A_656 = arith.constant 0 : i32
        %dma_start3A_657 = tpu.memref_slice %arg6[%dma_start3A_649, %dma_start3A_650, %dma_start3A_656] : memref<2x8x128xi32, #tpu.memory_space<vmem>> -> memref<1x1x128xi32, #tpu.memory_space<vmem>>
        %dma_start3A_658 = tpu.memref_squeeze %dma_start3A_657 : memref<1x1x128xi32, #tpu.memory_space<vmem>> -> memref<128xi32, #tpu.memory_space<vmem>>
        %dma_start3A_659 = arith.constant 0 : i32
        %dma_start3A_660 = arith.constant 0 : i32
        %dma_start3A_661 = tpu.memref_slice %arg2[%dma_start3A_659, %dma_start3A_660] : memref<10240x128xf32, #tpu.memory_space<hbm>> -> memref<10240x128xf32, #tpu.memory_space<hbm>>
        tpu.enqueue_indirect_dma source(%dma_start3A_661 : memref<10240x128xf32, #tpu.memory_space<hbm>>) target(%dma_start3A_655 : memref<128x128xf32, #tpu.memory_space<vmem>>) offsets(%dma_start3A_658 : memref<128xi32, #tpu.memory_space<vmem>>) semaphore(%arg13 : memref<!tpu.dma_semaphore, #tpu.memory_space<semaphore_mem>>)
      } else {
      }
      %mul3A_205 = arith.constant 80 : i32
      %mul3A_206 = arith.muli %add3A, %mul3A_205 : i32
      %mul3A_207 = arith.constant 8 : i32
      %mul3A_208 = arith.muli %add3A_148, %mul3A_207 : i32
      %add3A_209 = arith.addi %mul3A_206, %mul3A_208 : i32
      %add3A_210 = arith.constant 2 : i32
      %add3A_211 = arith.addi %add3A_209, %add3A_210 : i32
      %lt3A_212 = arith.constant 2500 : i32
      %lt3A_213 = arith.cmpi slt, %add3A_211, %lt3A_212 : i32
      %convert_element_type3A_214 = arith.extui %lt3A_213 : i1 to i32
      %cond3A_215 = arith.constant 0 : i32
      %cond3A_216 = arith.cmpi ne, %convert_element_type3A_214, %cond3A_215 : i32
      scf.if %cond3A_216 {
        %dma_wait3A_649 = arith.constant 0 : i32
        %dma_wait3A_650 = arith.constant 0 : i32
        %dma_wait3A_651 = arith.constant 0 : i32
        %dma_wait3A_652 = arith.constant 0 : i32
        %dma_wait3A_653 = arith.constant 0 : i32
        %dma_wait3A_654 = tpu.memref_slice %arg8[%dma_wait3A_651, %dma_wait3A_652, %dma_wait3A_653] : memref<2x128x128xf32, #tpu.memory_space<vmem>> -> memref<1x128x128xf32, #tpu.memory_space<vmem>>
        %dma_wait3A_655 = tpu.memref_squeeze %dma_wait3A_654 : memref<1x128x128xf32, #tpu.memory_space<vmem>> -> memref<128x128xf32, #tpu.memory_space<vmem>>
        %dma_wait3A_656 = arith.constant 0 : i32
        %dma_wait3A_657 = tpu.memref_slice %arg6[%dma_wait3A_649, %dma_wait3A_650, %dma_wait3A_656] : memref<2x8x128xi32, #tpu.memory_space<vmem>> -> memref<1x1x128xi32, #tpu.memory_space<vmem>>
        %dma_wait3A_658 = tpu.memref_squeeze %dma_wait3A_657 : memref<1x1x128xi32, #tpu.memory_space<vmem>> -> memref<128xi32, #tpu.memory_space<vmem>>
        %dma_wait3A_659 = arith.constant 0 : i32
        %dma_wait3A_660 = arith.constant 0 : i32
        %dma_wait3A_661 = tpu.memref_slice %arg2[%dma_wait3A_659, %dma_wait3A_660] : memref<10240x128xf32, #tpu.memory_space<hbm>> -> memref<10240x128xf32, #tpu.memory_space<hbm>>
        tpu.wait_indirect_dma semaphore(%arg13 : memref<!tpu.dma_semaphore, #tpu.memory_space<semaphore_mem>>) src(%dma_wait3A_661 : memref<10240x128xf32, #tpu.memory_space<hbm>>) dst(%dma_wait3A_655 : memref<128x128xf32, #tpu.memory_space<vmem>>)
      } else {
      }
      %lt3A_217 = arith.constant 2500 : i32
      %lt3A_218 = arith.cmpi slt, %add3A_211, %lt3A_217 : i32
      %convert_element_type3A_219 = arith.extui %lt3A_218 : i1 to i32
      %cond3A_220 = arith.constant 0 : i32
      %cond3A_221 = arith.cmpi ne, %convert_element_type3A_219, %cond3A_220 : i32
      scf.if %cond3A_221 {
        %dma_wait3A_649 = arith.constant 1 : i32
        %dma_wait3A_650 = arith.constant 0 : i32
        %dma_wait3A_651 = arith.constant 0 : i32
        %dma_wait3A_652 = arith.constant 0 : i32
        %dma_wait3A_653 = arith.constant 0 : i32
        %dma_wait3A_654 = tpu.memref_slice %arg8[%dma_wait3A_649, %dma_wait3A_652, %dma_wait3A_653] : memref<2x128x128xf32, #tpu.memory_space<vmem>> -> memref<1x128x128xf32, #tpu.memory_space<vmem>>
        %dma_wait3A_655 = tpu.memref_squeeze %dma_wait3A_654 : memref<1x128x128xf32, #tpu.memory_space<vmem>> -> memref<128x128xf32, #tpu.memory_space<vmem>>
        %dma_wait3A_656 = arith.constant 0 : i32
        %dma_wait3A_657 = tpu.memref_slice %arg7[%dma_wait3A_650, %dma_wait3A_651, %dma_wait3A_656] : memref<2x8x128xi32, #tpu.memory_space<vmem>> -> memref<1x1x128xi32, #tpu.memory_space<vmem>>
        %dma_wait3A_658 = tpu.memref_squeeze %dma_wait3A_657 : memref<1x1x128xi32, #tpu.memory_space<vmem>> -> memref<128xi32, #tpu.memory_space<vmem>>
        %dma_wait3A_659 = arith.constant 0 : i32
        %dma_wait3A_660 = arith.constant 0 : i32
        %dma_wait3A_661 = tpu.memref_slice %arg10[%dma_wait3A_659, %dma_wait3A_660] : memref<10000x128xf32, #tpu.memory_space<vmem_shared>> -> memref<10000x128xf32, #tpu.memory_space<vmem_shared>>
        tpu.wait_indirect_dma semaphore(%arg14 : memref<!tpu.dma_semaphore, #tpu.memory_space<semaphore_mem>>) src(%dma_wait3A_655 : memref<128x128xf32, #tpu.memory_space<vmem>>) dst(%dma_wait3A_661 : memref<10000x128xf32, #tpu.memory_space<vmem_shared>>)
      } else {
      }
      %lt3A_222 = arith.constant 2500 : i32
      %lt3A_223 = arith.cmpi slt, %add3A_211, %lt3A_222 : i32
      %convert_element_type3A_224 = arith.extui %lt3A_223 : i1 to i32
      %cond3A_225 = arith.constant 0 : i32
      %cond3A_226 = arith.cmpi ne, %convert_element_type3A_224, %cond3A_225 : i32
      scf.if %cond3A_226 {
        %dma_start3A_649 = arith.constant 0 : i32
        %dma_start3A_650 = arith.constant 0 : i32
        %dma_start3A_651 = arith.constant 2 : i32
        %dma_start3A_652 = arith.constant 0 : i32
        %dma_start3A_653 = arith.constant 0 : i32
        %dma_start3A_654 = tpu.memref_slice %arg8[%dma_start3A_649, %dma_start3A_652, %dma_start3A_653] : memref<2x128x128xf32, #tpu.memory_space<vmem>> -> memref<1x128x128xf32, #tpu.memory_space<vmem>>
        %dma_start3A_655 = tpu.memref_squeeze %dma_start3A_654 : memref<1x128x128xf32, #tpu.memory_space<vmem>> -> memref<128x128xf32, #tpu.memory_space<vmem>>
        %dma_start3A_656 = arith.constant 0 : i32
        %dma_start3A_657 = tpu.memref_slice %arg7[%dma_start3A_650, %dma_start3A_651, %dma_start3A_656] : memref<2x8x128xi32, #tpu.memory_space<vmem>> -> memref<1x1x128xi32, #tpu.memory_space<vmem>>
        %dma_start3A_658 = tpu.memref_squeeze %dma_start3A_657 : memref<1x1x128xi32, #tpu.memory_space<vmem>> -> memref<128xi32, #tpu.memory_space<vmem>>
        %dma_start3A_659 = arith.constant 0 : i32
        %dma_start3A_660 = arith.constant 0 : i32
        %dma_start3A_661 = tpu.memref_slice %arg10[%dma_start3A_659, %dma_start3A_660] : memref<10000x128xf32, #tpu.memory_space<vmem_shared>> -> memref<10000x128xf32, #tpu.memory_space<vmem_shared>>
        tpu.enqueue_indirect_dma source(%dma_start3A_655 : memref<128x128xf32, #tpu.memory_space<vmem>>) target(%dma_start3A_661 : memref<10000x128xf32, #tpu.memory_space<vmem_shared>>) offsets(%dma_start3A_658 : memref<128xi32, #tpu.memory_space<vmem>>) semaphore(%arg14 : memref<!tpu.dma_semaphore, #tpu.memory_space<semaphore_mem>>) {add = true}
      } else {
      }
      %add3A_227 = arith.constant 1 : i32
      %add3A_228 = arith.addi %add3A_211, %add3A_227 : i32
      %lt3A_229 = arith.constant 2500 : i32
      %lt3A_230 = arith.cmpi slt, %add3A_228, %lt3A_229 : i32
      %convert_element_type3A_231 = arith.extui %lt3A_230 : i1 to i32
      %cond3A_232 = arith.constant 0 : i32
      %cond3A_233 = arith.cmpi ne, %convert_element_type3A_231, %cond3A_232 : i32
      scf.if %cond3A_233 {
        %dma_start3A_649 = arith.constant 0 : i32
        %dma_start3A_650 = arith.constant 3 : i32
        %dma_start3A_651 = arith.constant 1 : i32
        %dma_start3A_652 = arith.constant 0 : i32
        %dma_start3A_653 = arith.constant 0 : i32
        %dma_start3A_654 = tpu.memref_slice %arg8[%dma_start3A_651, %dma_start3A_652, %dma_start3A_653] : memref<2x128x128xf32, #tpu.memory_space<vmem>> -> memref<1x128x128xf32, #tpu.memory_space<vmem>>
        %dma_start3A_655 = tpu.memref_squeeze %dma_start3A_654 : memref<1x128x128xf32, #tpu.memory_space<vmem>> -> memref<128x128xf32, #tpu.memory_space<vmem>>
        %dma_start3A_656 = arith.constant 0 : i32
        %dma_start3A_657 = tpu.memref_slice %arg6[%dma_start3A_649, %dma_start3A_650, %dma_start3A_656] : memref<2x8x128xi32, #tpu.memory_space<vmem>> -> memref<1x1x128xi32, #tpu.memory_space<vmem>>
        %dma_start3A_658 = tpu.memref_squeeze %dma_start3A_657 : memref<1x1x128xi32, #tpu.memory_space<vmem>> -> memref<128xi32, #tpu.memory_space<vmem>>
        %dma_start3A_659 = arith.constant 0 : i32
        %dma_start3A_660 = arith.constant 0 : i32
        %dma_start3A_661 = tpu.memref_slice %arg2[%dma_start3A_659, %dma_start3A_660] : memref<10240x128xf32, #tpu.memory_space<hbm>> -> memref<10240x128xf32, #tpu.memory_space<hbm>>
        tpu.enqueue_indirect_dma source(%dma_start3A_661 : memref<10240x128xf32, #tpu.memory_space<hbm>>) target(%dma_start3A_655 : memref<128x128xf32, #tpu.memory_space<vmem>>) offsets(%dma_start3A_658 : memref<128xi32, #tpu.memory_space<vmem>>) semaphore(%arg13 : memref<!tpu.dma_semaphore, #tpu.memory_space<semaphore_mem>>)
      } else {
      }
      %mul3A_234 = arith.constant 80 : i32
      %mul3A_235 = arith.muli %add3A, %mul3A_234 : i32
      %mul3A_236 = arith.constant 8 : i32
      %mul3A_237 = arith.muli %add3A_148, %mul3A_236 : i32
      %add3A_238 = arith.addi %mul3A_235, %mul3A_237 : i32
      %add3A_239 = arith.constant 3 : i32
      %add3A_240 = arith.addi %add3A_238, %add3A_239 : i32
      %lt3A_241 = arith.constant 2500 : i32
      %lt3A_242 = arith.cmpi slt, %add3A_240, %lt3A_241 : i32
      %convert_element_type3A_243 = arith.extui %lt3A_242 : i1 to i32
      %cond3A_244 = arith.constant 0 : i32
      %cond3A_245 = arith.cmpi ne, %convert_element_type3A_243, %cond3A_244 : i32
      scf.if %cond3A_245 {
        %dma_wait3A_649 = arith.constant 0 : i32
        %dma_wait3A_650 = arith.constant 0 : i32
        %dma_wait3A_651 = arith.constant 1 : i32
        %dma_wait3A_652 = arith.constant 0 : i32
        %dma_wait3A_653 = arith.constant 0 : i32
        %dma_wait3A_654 = tpu.memref_slice %arg8[%dma_wait3A_651, %dma_wait3A_652, %dma_wait3A_653] : memref<2x128x128xf32, #tpu.memory_space<vmem>> -> memref<1x128x128xf32, #tpu.memory_space<vmem>>
        %dma_wait3A_655 = tpu.memref_squeeze %dma_wait3A_654 : memref<1x128x128xf32, #tpu.memory_space<vmem>> -> memref<128x128xf32, #tpu.memory_space<vmem>>
        %dma_wait3A_656 = arith.constant 0 : i32
        %dma_wait3A_657 = tpu.memref_slice %arg6[%dma_wait3A_649, %dma_wait3A_650, %dma_wait3A_656] : memref<2x8x128xi32, #tpu.memory_space<vmem>> -> memref<1x1x128xi32, #tpu.memory_space<vmem>>
        %dma_wait3A_658 = tpu.memref_squeeze %dma_wait3A_657 : memref<1x1x128xi32, #tpu.memory_space<vmem>> -> memref<128xi32, #tpu.memory_space<vmem>>
        %dma_wait3A_659 = arith.constant 0 : i32
        %dma_wait3A_660 = arith.constant 0 : i32
        %dma_wait3A_661 = tpu.memref_slice %arg2[%dma_wait3A_659, %dma_wait3A_660] : memref<10240x128xf32, #tpu.memory_space<hbm>> -> memref<10240x128xf32, #tpu.memory_space<hbm>>
        tpu.wait_indirect_dma semaphore(%arg13 : memref<!tpu.dma_semaphore, #tpu.memory_space<semaphore_mem>>) src(%dma_wait3A_661 : memref<10240x128xf32, #tpu.memory_space<hbm>>) dst(%dma_wait3A_655 : memref<128x128xf32, #tpu.memory_space<vmem>>)
      } else {
      }
      %lt3A_246 = arith.constant 2500 : i32
      %lt3A_247 = arith.cmpi slt, %add3A_240, %lt3A_246 : i32
      %convert_element_type3A_248 = arith.extui %lt3A_247 : i1 to i32
      %cond3A_249 = arith.constant 0 : i32
      %cond3A_250 = arith.cmpi ne, %convert_element_type3A_248, %cond3A_249 : i32
      scf.if %cond3A_250 {
        %dma_wait3A_649 = arith.constant 0 : i32
        %dma_wait3A_650 = arith.constant 0 : i32
        %dma_wait3A_651 = arith.constant 0 : i32
        %dma_wait3A_652 = arith.constant 0 : i32
        %dma_wait3A_653 = arith.constant 0 : i32
        %dma_wait3A_654 = tpu.memref_slice %arg8[%dma_wait3A_649, %dma_wait3A_652, %dma_wait3A_653] : memref<2x128x128xf32, #tpu.memory_space<vmem>> -> memref<1x128x128xf32, #tpu.memory_space<vmem>>
        %dma_wait3A_655 = tpu.memref_squeeze %dma_wait3A_654 : memref<1x128x128xf32, #tpu.memory_space<vmem>> -> memref<128x128xf32, #tpu.memory_space<vmem>>
        %dma_wait3A_656 = arith.constant 0 : i32
        %dma_wait3A_657 = tpu.memref_slice %arg7[%dma_wait3A_650, %dma_wait3A_651, %dma_wait3A_656] : memref<2x8x128xi32, #tpu.memory_space<vmem>> -> memref<1x1x128xi32, #tpu.memory_space<vmem>>
        %dma_wait3A_658 = tpu.memref_squeeze %dma_wait3A_657 : memref<1x1x128xi32, #tpu.memory_space<vmem>> -> memref<128xi32, #tpu.memory_space<vmem>>
        %dma_wait3A_659 = arith.constant 0 : i32
        %dma_wait3A_660 = arith.constant 0 : i32
        %dma_wait3A_661 = tpu.memref_slice %arg10[%dma_wait3A_659, %dma_wait3A_660] : memref<10000x128xf32, #tpu.memory_space<vmem_shared>> -> memref<10000x128xf32, #tpu.memory_space<vmem_shared>>
        tpu.wait_indirect_dma semaphore(%arg14 : memref<!tpu.dma_semaphore, #tpu.memory_space<semaphore_mem>>) src(%dma_wait3A_655 : memref<128x128xf32, #tpu.memory_space<vmem>>) dst(%dma_wait3A_661 : memref<10000x128xf32, #tpu.memory_space<vmem_shared>>)
      } else {
      }
      %lt3A_251 = arith.constant 2500 : i32
      %lt3A_252 = arith.cmpi slt, %add3A_240, %lt3A_251 : i32
      %convert_element_type3A_253 = arith.extui %lt3A_252 : i1 to i32
      %cond3A_254 = arith.constant 0 : i32
      %cond3A_255 = arith.cmpi ne, %convert_element_type3A_253, %cond3A_254 : i32
      scf.if %cond3A_255 {
        %dma_start3A_649 = arith.constant 1 : i32
        %dma_start3A_650 = arith.constant 0 : i32
        %dma_start3A_651 = arith.constant 3 : i32
        %dma_start3A_652 = arith.constant 0 : i32
        %dma_start3A_653 = arith.constant 0 : i32
        %dma_start3A_654 = tpu.memref_slice %arg8[%dma_start3A_649, %dma_start3A_652, %dma_start3A_653] : memref<2x128x128xf32, #tpu.memory_space<vmem>> -> memref<1x128x128xf32, #tpu.memory_space<vmem>>
        %dma_start3A_655 = tpu.memref_squeeze %dma_start3A_654 : memref<1x128x128xf32, #tpu.memory_space<vmem>> -> memref<128x128xf32, #tpu.memory_space<vmem>>
        %dma_start3A_656 = arith.constant 0 : i32
        %dma_start3A_657 = tpu.memref_slice %arg7[%dma_start3A_650, %dma_start3A_651, %dma_start3A_656] : memref<2x8x128xi32, #tpu.memory_space<vmem>> -> memref<1x1x128xi32, #tpu.memory_space<vmem>>
        %dma_start3A_658 = tpu.memref_squeeze %dma_start3A_657 : memref<1x1x128xi32, #tpu.memory_space<vmem>> -> memref<128xi32, #tpu.memory_space<vmem>>
        %dma_start3A_659 = arith.constant 0 : i32
        %dma_start3A_660 = arith.constant 0 : i32
        %dma_start3A_661 = tpu.memref_slice %arg10[%dma_start3A_659, %dma_start3A_660] : memref<10000x128xf32, #tpu.memory_space<vmem_shared>> -> memref<10000x128xf32, #tpu.memory_space<vmem_shared>>
        tpu.enqueue_indirect_dma source(%dma_start3A_655 : memref<128x128xf32, #tpu.memory_space<vmem>>) target(%dma_start3A_661 : memref<10000x128xf32, #tpu.memory_space<vmem_shared>>) offsets(%dma_start3A_658 : memref<128xi32, #tpu.memory_space<vmem>>) semaphore(%arg14 : memref<!tpu.dma_semaphore, #tpu.memory_space<semaphore_mem>>) {add = true}
      } else {
      }
      %add3A_256 = arith.constant 1 : i32
      %add3A_257 = arith.addi %add3A_240, %add3A_256 : i32
      %lt3A_258 = arith.constant 2500 : i32
      %lt3A_259 = arith.cmpi slt, %add3A_257, %lt3A_258 : i32
      %convert_element_type3A_260 = arith.extui %lt3A_259 : i1 to i32
      %cond3A_261 = arith.constant 0 : i32
      %cond3A_262 = arith.cmpi ne, %convert_element_type3A_260, %cond3A_261 : i32
      scf.if %cond3A_262 {
        %dma_start3A_649 = arith.constant 0 : i32
        %dma_start3A_650 = arith.constant 4 : i32
        %dma_start3A_651 = arith.constant 0 : i32
        %dma_start3A_652 = arith.constant 0 : i32
        %dma_start3A_653 = arith.constant 0 : i32
        %dma_start3A_654 = tpu.memref_slice %arg8[%dma_start3A_651, %dma_start3A_652, %dma_start3A_653] : memref<2x128x128xf32, #tpu.memory_space<vmem>> -> memref<1x128x128xf32, #tpu.memory_space<vmem>>
        %dma_start3A_655 = tpu.memref_squeeze %dma_start3A_654 : memref<1x128x128xf32, #tpu.memory_space<vmem>> -> memref<128x128xf32, #tpu.memory_space<vmem>>
        %dma_start3A_656 = arith.constant 0 : i32
        %dma_start3A_657 = tpu.memref_slice %arg6[%dma_start3A_649, %dma_start3A_650, %dma_start3A_656] : memref<2x8x128xi32, #tpu.memory_space<vmem>> -> memref<1x1x128xi32, #tpu.memory_space<vmem>>
        %dma_start3A_658 = tpu.memref_squeeze %dma_start3A_657 : memref<1x1x128xi32, #tpu.memory_space<vmem>> -> memref<128xi32, #tpu.memory_space<vmem>>
        %dma_start3A_659 = arith.constant 0 : i32
        %dma_start3A_660 = arith.constant 0 : i32
        %dma_start3A_661 = tpu.memref_slice %arg2[%dma_start3A_659, %dma_start3A_660] : memref<10240x128xf32, #tpu.memory_space<hbm>> -> memref<10240x128xf32, #tpu.memory_space<hbm>>
        tpu.enqueue_indirect_dma source(%dma_start3A_661 : memref<10240x128xf32, #tpu.memory_space<hbm>>) target(%dma_start3A_655 : memref<128x128xf32, #tpu.memory_space<vmem>>) offsets(%dma_start3A_658 : memref<128xi32, #tpu.memory_space<vmem>>) semaphore(%arg13 : memref<!tpu.dma_semaphore, #tpu.memory_space<semaphore_mem>>)
      } else {
      }
      %mul3A_263 = arith.constant 80 : i32
      %mul3A_264 = arith.muli %add3A, %mul3A_263 : i32
      %mul3A_265 = arith.constant 8 : i32
      %mul3A_266 = arith.muli %add3A_148, %mul3A_265 : i32
      %add3A_267 = arith.addi %mul3A_264, %mul3A_266 : i32
      %add3A_268 = arith.constant 4 : i32
      %add3A_269 = arith.addi %add3A_267, %add3A_268 : i32
      %lt3A_270 = arith.constant 2500 : i32
      %lt3A_271 = arith.cmpi slt, %add3A_269, %lt3A_270 : i32
      %convert_element_type3A_272 = arith.extui %lt3A_271 : i1 to i32
      %cond3A_273 = arith.constant 0 : i32
      %cond3A_274 = arith.cmpi ne, %convert_element_type3A_272, %cond3A_273 : i32
      scf.if %cond3A_274 {
        %dma_wait3A_649 = arith.constant 0 : i32
        %dma_wait3A_650 = arith.constant 0 : i32
        %dma_wait3A_651 = arith.constant 0 : i32
        %dma_wait3A_652 = arith.constant 0 : i32
        %dma_wait3A_653 = arith.constant 0 : i32
        %dma_wait3A_654 = tpu.memref_slice %arg8[%dma_wait3A_651, %dma_wait3A_652, %dma_wait3A_653] : memref<2x128x128xf32, #tpu.memory_space<vmem>> -> memref<1x128x128xf32, #tpu.memory_space<vmem>>
        %dma_wait3A_655 = tpu.memref_squeeze %dma_wait3A_654 : memref<1x128x128xf32, #tpu.memory_space<vmem>> -> memref<128x128xf32, #tpu.memory_space<vmem>>
        %dma_wait3A_656 = arith.constant 0 : i32
        %dma_wait3A_657 = tpu.memref_slice %arg6[%dma_wait3A_649, %dma_wait3A_650, %dma_wait3A_656] : memref<2x8x128xi32, #tpu.memory_space<vmem>> -> memref<1x1x128xi32, #tpu.memory_space<vmem>>
        %dma_wait3A_658 = tpu.memref_squeeze %dma_wait3A_657 : memref<1x1x128xi32, #tpu.memory_space<vmem>> -> memref<128xi32, #tpu.memory_space<vmem>>
        %dma_wait3A_659 = arith.constant 0 : i32
        %dma_wait3A_660 = arith.constant 0 : i32
        %dma_wait3A_661 = tpu.memref_slice %arg2[%dma_wait3A_659, %dma_wait3A_660] : memref<10240x128xf32, #tpu.memory_space<hbm>> -> memref<10240x128xf32, #tpu.memory_space<hbm>>
        tpu.wait_indirect_dma semaphore(%arg13 : memref<!tpu.dma_semaphore, #tpu.memory_space<semaphore_mem>>) src(%dma_wait3A_661 : memref<10240x128xf32, #tpu.memory_space<hbm>>) dst(%dma_wait3A_655 : memref<128x128xf32, #tpu.memory_space<vmem>>)
      } else {
      }
      %lt3A_275 = arith.constant 2500 : i32
      %lt3A_276 = arith.cmpi slt, %add3A_269, %lt3A_275 : i32
      %convert_element_type3A_277 = arith.extui %lt3A_276 : i1 to i32
      %cond3A_278 = arith.constant 0 : i32
      %cond3A_279 = arith.cmpi ne, %convert_element_type3A_277, %cond3A_278 : i32
      scf.if %cond3A_279 {
        %dma_wait3A_649 = arith.constant 1 : i32
        %dma_wait3A_650 = arith.constant 0 : i32
        %dma_wait3A_651 = arith.constant 0 : i32
        %dma_wait3A_652 = arith.constant 0 : i32
        %dma_wait3A_653 = arith.constant 0 : i32
        %dma_wait3A_654 = tpu.memref_slice %arg8[%dma_wait3A_649, %dma_wait3A_652, %dma_wait3A_653] : memref<2x128x128xf32, #tpu.memory_space<vmem>> -> memref<1x128x128xf32, #tpu.memory_space<vmem>>
        %dma_wait3A_655 = tpu.memref_squeeze %dma_wait3A_654 : memref<1x128x128xf32, #tpu.memory_space<vmem>> -> memref<128x128xf32, #tpu.memory_space<vmem>>
        %dma_wait3A_656 = arith.constant 0 : i32
        %dma_wait3A_657 = tpu.memref_slice %arg7[%dma_wait3A_650, %dma_wait3A_651, %dma_wait3A_656] : memref<2x8x128xi32, #tpu.memory_space<vmem>> -> memref<1x1x128xi32, #tpu.memory_space<vmem>>
        %dma_wait3A_658 = tpu.memref_squeeze %dma_wait3A_657 : memref<1x1x128xi32, #tpu.memory_space<vmem>> -> memref<128xi32, #tpu.memory_space<vmem>>
        %dma_wait3A_659 = arith.constant 0 : i32
        %dma_wait3A_660 = arith.constant 0 : i32
        %dma_wait3A_661 = tpu.memref_slice %arg10[%dma_wait3A_659, %dma_wait3A_660] : memref<10000x128xf32, #tpu.memory_space<vmem_shared>> -> memref<10000x128xf32, #tpu.memory_space<vmem_shared>>
        tpu.wait_indirect_dma semaphore(%arg14 : memref<!tpu.dma_semaphore, #tpu.memory_space<semaphore_mem>>) src(%dma_wait3A_655 : memref<128x128xf32, #tpu.memory_space<vmem>>) dst(%dma_wait3A_661 : memref<10000x128xf32, #tpu.memory_space<vmem_shared>>)
      } else {
      }
      %lt3A_280 = arith.constant 2500 : i32
      %lt3A_281 = arith.cmpi slt, %add3A_269, %lt3A_280 : i32
      %convert_element_type3A_282 = arith.extui %lt3A_281 : i1 to i32
      %cond3A_283 = arith.constant 0 : i32
      %cond3A_284 = arith.cmpi ne, %convert_element_type3A_282, %cond3A_283 : i32
      scf.if %cond3A_284 {
        %dma_start3A_649 = arith.constant 0 : i32
        %dma_start3A_650 = arith.constant 0 : i32
        %dma_start3A_651 = arith.constant 4 : i32
        %dma_start3A_652 = arith.constant 0 : i32
        %dma_start3A_653 = arith.constant 0 : i32
        %dma_start3A_654 = tpu.memref_slice %arg8[%dma_start3A_649, %dma_start3A_652, %dma_start3A_653] : memref<2x128x128xf32, #tpu.memory_space<vmem>> -> memref<1x128x128xf32, #tpu.memory_space<vmem>>
        %dma_start3A_655 = tpu.memref_squeeze %dma_start3A_654 : memref<1x128x128xf32, #tpu.memory_space<vmem>> -> memref<128x128xf32, #tpu.memory_space<vmem>>
        %dma_start3A_656 = arith.constant 0 : i32
        %dma_start3A_657 = tpu.memref_slice %arg7[%dma_start3A_650, %dma_start3A_651, %dma_start3A_656] : memref<2x8x128xi32, #tpu.memory_space<vmem>> -> memref<1x1x128xi32, #tpu.memory_space<vmem>>
        %dma_start3A_658 = tpu.memref_squeeze %dma_start3A_657 : memref<1x1x128xi32, #tpu.memory_space<vmem>> -> memref<128xi32, #tpu.memory_space<vmem>>
        %dma_start3A_659 = arith.constant 0 : i32
        %dma_start3A_660 = arith.constant 0 : i32
        %dma_start3A_661 = tpu.memref_slice %arg10[%dma_start3A_659, %dma_start3A_660] : memref<10000x128xf32, #tpu.memory_space<vmem_shared>> -> memref<10000x128xf32, #tpu.memory_space<vmem_shared>>
        tpu.enqueue_indirect_dma source(%dma_start3A_655 : memref<128x128xf32, #tpu.memory_space<vmem>>) target(%dma_start3A_661 : memref<10000x128xf32, #tpu.memory_space<vmem_shared>>) offsets(%dma_start3A_658 : memref<128xi32, #tpu.memory_space<vmem>>) semaphore(%arg14 : memref<!tpu.dma_semaphore, #tpu.memory_space<semaphore_mem>>) {add = true}
      } else {
      }
      %add3A_285 = arith.constant 1 : i32
      %add3A_286 = arith.addi %add3A_269, %add3A_285 : i32
      %lt3A_287 = arith.constant 2500 : i32
      %lt3A_288 = arith.cmpi slt, %add3A_286, %lt3A_287 : i32
      %convert_element_type3A_289 = arith.extui %lt3A_288 : i1 to i32
      %cond3A_290 = arith.constant 0 : i32
      %cond3A_291 = arith.cmpi ne, %convert_element_type3A_289, %cond3A_290 : i32
      scf.if %cond3A_291 {
        %dma_start3A_649 = arith.constant 0 : i32
        %dma_start3A_650 = arith.constant 5 : i32
        %dma_start3A_651 = arith.constant 1 : i32
        %dma_start3A_652 = arith.constant 0 : i32
        %dma_start3A_653 = arith.constant 0 : i32
        %dma_start3A_654 = tpu.memref_slice %arg8[%dma_start3A_651, %dma_start3A_652, %dma_start3A_653] : memref<2x128x128xf32, #tpu.memory_space<vmem>> -> memref<1x128x128xf32, #tpu.memory_space<vmem>>
        %dma_start3A_655 = tpu.memref_squeeze %dma_start3A_654 : memref<1x128x128xf32, #tpu.memory_space<vmem>> -> memref<128x128xf32, #tpu.memory_space<vmem>>
        %dma_start3A_656 = arith.constant 0 : i32
        %dma_start3A_657 = tpu.memref_slice %arg6[%dma_start3A_649, %dma_start3A_650, %dma_start3A_656] : memref<2x8x128xi32, #tpu.memory_space<vmem>> -> memref<1x1x128xi32, #tpu.memory_space<vmem>>
        %dma_start3A_658 = tpu.memref_squeeze %dma_start3A_657 : memref<1x1x128xi32, #tpu.memory_space<vmem>> -> memref<128xi32, #tpu.memory_space<vmem>>
        %dma_start3A_659 = arith.constant 0 : i32
        %dma_start3A_660 = arith.constant 0 : i32
        %dma_start3A_661 = tpu.memref_slice %arg2[%dma_start3A_659, %dma_start3A_660] : memref<10240x128xf32, #tpu.memory_space<hbm>> -> memref<10240x128xf32, #tpu.memory_space<hbm>>
        tpu.enqueue_indirect_dma source(%dma_start3A_661 : memref<10240x128xf32, #tpu.memory_space<hbm>>) target(%dma_start3A_655 : memref<128x128xf32, #tpu.memory_space<vmem>>) offsets(%dma_start3A_658 : memref<128xi32, #tpu.memory_space<vmem>>) semaphore(%arg13 : memref<!tpu.dma_semaphore, #tpu.memory_space<semaphore_mem>>)
      } else {
      }
      %mul3A_292 = arith.constant 80 : i32
      %mul3A_293 = arith.muli %add3A, %mul3A_292 : i32
      %mul3A_294 = arith.constant 8 : i32
      %mul3A_295 = arith.muli %add3A_148, %mul3A_294 : i32
      %add3A_296 = arith.addi %mul3A_293, %mul3A_295 : i32
      %add3A_297 = arith.constant 5 : i32
      %add3A_298 = arith.addi %add3A_296, %add3A_297 : i32
      %lt3A_299 = arith.constant 2500 : i32
      %lt3A_300 = arith.cmpi slt, %add3A_298, %lt3A_299 : i32
      %convert_element_type3A_301 = arith.extui %lt3A_300 : i1 to i32
      %cond3A_302 = arith.constant 0 : i32
      %cond3A_303 = arith.cmpi ne, %convert_element_type3A_301, %cond3A_302 : i32
      scf.if %cond3A_303 {
        %dma_wait3A_649 = arith.constant 0 : i32
        %dma_wait3A_650 = arith.constant 0 : i32
        %dma_wait3A_651 = arith.constant 1 : i32
        %dma_wait3A_652 = arith.constant 0 : i32
        %dma_wait3A_653 = arith.constant 0 : i32
        %dma_wait3A_654 = tpu.memref_slice %arg8[%dma_wait3A_651, %dma_wait3A_652, %dma_wait3A_653] : memref<2x128x128xf32, #tpu.memory_space<vmem>> -> memref<1x128x128xf32, #tpu.memory_space<vmem>>
        %dma_wait3A_655 = tpu.memref_squeeze %dma_wait3A_654 : memref<1x128x128xf32, #tpu.memory_space<vmem>> -> memref<128x128xf32, #tpu.memory_space<vmem>>
        %dma_wait3A_656 = arith.constant 0 : i32
        %dma_wait3A_657 = tpu.memref_slice %arg6[%dma_wait3A_649, %dma_wait3A_650, %dma_wait3A_656] : memref<2x8x128xi32, #tpu.memory_space<vmem>> -> memref<1x1x128xi32, #tpu.memory_space<vmem>>
        %dma_wait3A_658 = tpu.memref_squeeze %dma_wait3A_657 : memref<1x1x128xi32, #tpu.memory_space<vmem>> -> memref<128xi32, #tpu.memory_space<vmem>>
        %dma_wait3A_659 = arith.constant 0 : i32
        %dma_wait3A_660 = arith.constant 0 : i32
        %dma_wait3A_661 = tpu.memref_slice %arg2[%dma_wait3A_659, %dma_wait3A_660] : memref<10240x128xf32, #tpu.memory_space<hbm>> -> memref<10240x128xf32, #tpu.memory_space<hbm>>
        tpu.wait_indirect_dma semaphore(%arg13 : memref<!tpu.dma_semaphore, #tpu.memory_space<semaphore_mem>>) src(%dma_wait3A_661 : memref<10240x128xf32, #tpu.memory_space<hbm>>) dst(%dma_wait3A_655 : memref<128x128xf32, #tpu.memory_space<vmem>>)
      } else {
      }
      %lt3A_304 = arith.constant 2500 : i32
      %lt3A_305 = arith.cmpi slt, %add3A_298, %lt3A_304 : i32
      %convert_element_type3A_306 = arith.extui %lt3A_305 : i1 to i32
      %cond3A_307 = arith.constant 0 : i32
      %cond3A_308 = arith.cmpi ne, %convert_element_type3A_306, %cond3A_307 : i32
      scf.if %cond3A_308 {
        %dma_wait3A_649 = arith.constant 0 : i32
        %dma_wait3A_650 = arith.constant 0 : i32
        %dma_wait3A_651 = arith.constant 0 : i32
        %dma_wait3A_652 = arith.constant 0 : i32
        %dma_wait3A_653 = arith.constant 0 : i32
        %dma_wait3A_654 = tpu.memref_slice %arg8[%dma_wait3A_649, %dma_wait3A_652, %dma_wait3A_653] : memref<2x128x128xf32, #tpu.memory_space<vmem>> -> memref<1x128x128xf32, #tpu.memory_space<vmem>>
        %dma_wait3A_655 = tpu.memref_squeeze %dma_wait3A_654 : memref<1x128x128xf32, #tpu.memory_space<vmem>> -> memref<128x128xf32, #tpu.memory_space<vmem>>
        %dma_wait3A_656 = arith.constant 0 : i32
        %dma_wait3A_657 = tpu.memref_slice %arg7[%dma_wait3A_650, %dma_wait3A_651, %dma_wait3A_656] : memref<2x8x128xi32, #tpu.memory_space<vmem>> -> memref<1x1x128xi32, #tpu.memory_space<vmem>>
        %dma_wait3A_658 = tpu.memref_squeeze %dma_wait3A_657 : memref<1x1x128xi32, #tpu.memory_space<vmem>> -> memref<128xi32, #tpu.memory_space<vmem>>
        %dma_wait3A_659 = arith.constant 0 : i32
        %dma_wait3A_660 = arith.constant 0 : i32
        %dma_wait3A_661 = tpu.memref_slice %arg10[%dma_wait3A_659, %dma_wait3A_660] : memref<10000x128xf32, #tpu.memory_space<vmem_shared>> -> memref<10000x128xf32, #tpu.memory_space<vmem_shared>>
        tpu.wait_indirect_dma semaphore(%arg14 : memref<!tpu.dma_semaphore, #tpu.memory_space<semaphore_mem>>) src(%dma_wait3A_655 : memref<128x128xf32, #tpu.memory_space<vmem>>) dst(%dma_wait3A_661 : memref<10000x128xf32, #tpu.memory_space<vmem_shared>>)
      } else {
      }
      %lt3A_309 = arith.constant 2500 : i32
      %lt3A_310 = arith.cmpi slt, %add3A_298, %lt3A_309 : i32
      %convert_element_type3A_311 = arith.extui %lt3A_310 : i1 to i32
      %cond3A_312 = arith.constant 0 : i32
      %cond3A_313 = arith.cmpi ne, %convert_element_type3A_311, %cond3A_312 : i32
      scf.if %cond3A_313 {
        %dma_start3A_649 = arith.constant 1 : i32
        %dma_start3A_650 = arith.constant 0 : i32
        %dma_start3A_651 = arith.constant 5 : i32
        %dma_start3A_652 = arith.constant 0 : i32
        %dma_start3A_653 = arith.constant 0 : i32
        %dma_start3A_654 = tpu.memref_slice %arg8[%dma_start3A_649, %dma_start3A_652, %dma_start3A_653] : memref<2x128x128xf32, #tpu.memory_space<vmem>> -> memref<1x128x128xf32, #tpu.memory_space<vmem>>
        %dma_start3A_655 = tpu.memref_squeeze %dma_start3A_654 : memref<1x128x128xf32, #tpu.memory_space<vmem>> -> memref<128x128xf32, #tpu.memory_space<vmem>>
        %dma_start3A_656 = arith.constant 0 : i32
        %dma_start3A_657 = tpu.memref_slice %arg7[%dma_start3A_650, %dma_start3A_651, %dma_start3A_656] : memref<2x8x128xi32, #tpu.memory_space<vmem>> -> memref<1x1x128xi32, #tpu.memory_space<vmem>>
        %dma_start3A_658 = tpu.memref_squeeze %dma_start3A_657 : memref<1x1x128xi32, #tpu.memory_space<vmem>> -> memref<128xi32, #tpu.memory_space<vmem>>
        %dma_start3A_659 = arith.constant 0 : i32
        %dma_start3A_660 = arith.constant 0 : i32
        %dma_start3A_661 = tpu.memref_slice %arg10[%dma_start3A_659, %dma_start3A_660] : memref<10000x128xf32, #tpu.memory_space<vmem_shared>> -> memref<10000x128xf32, #tpu.memory_space<vmem_shared>>
        tpu.enqueue_indirect_dma source(%dma_start3A_655 : memref<128x128xf32, #tpu.memory_space<vmem>>) target(%dma_start3A_661 : memref<10000x128xf32, #tpu.memory_space<vmem_shared>>) offsets(%dma_start3A_658 : memref<128xi32, #tpu.memory_space<vmem>>) semaphore(%arg14 : memref<!tpu.dma_semaphore, #tpu.memory_space<semaphore_mem>>) {add = true}
      } else {
      }
      %add3A_314 = arith.constant 1 : i32
      %add3A_315 = arith.addi %add3A_298, %add3A_314 : i32
      %lt3A_316 = arith.constant 2500 : i32
      %lt3A_317 = arith.cmpi slt, %add3A_315, %lt3A_316 : i32
      %convert_element_type3A_318 = arith.extui %lt3A_317 : i1 to i32
      %cond3A_319 = arith.constant 0 : i32
      %cond3A_320 = arith.cmpi ne, %convert_element_type3A_318, %cond3A_319 : i32
      scf.if %cond3A_320 {
        %dma_start3A_649 = arith.constant 0 : i32
        %dma_start3A_650 = arith.constant 6 : i32
        %dma_start3A_651 = arith.constant 0 : i32
        %dma_start3A_652 = arith.constant 0 : i32
        %dma_start3A_653 = arith.constant 0 : i32
        %dma_start3A_654 = tpu.memref_slice %arg8[%dma_start3A_651, %dma_start3A_652, %dma_start3A_653] : memref<2x128x128xf32, #tpu.memory_space<vmem>> -> memref<1x128x128xf32, #tpu.memory_space<vmem>>
        %dma_start3A_655 = tpu.memref_squeeze %dma_start3A_654 : memref<1x128x128xf32, #tpu.memory_space<vmem>> -> memref<128x128xf32, #tpu.memory_space<vmem>>
        %dma_start3A_656 = arith.constant 0 : i32
        %dma_start3A_657 = tpu.memref_slice %arg6[%dma_start3A_649, %dma_start3A_650, %dma_start3A_656] : memref<2x8x128xi32, #tpu.memory_space<vmem>> -> memref<1x1x128xi32, #tpu.memory_space<vmem>>
        %dma_start3A_658 = tpu.memref_squeeze %dma_start3A_657 : memref<1x1x128xi32, #tpu.memory_space<vmem>> -> memref<128xi32, #tpu.memory_space<vmem>>
        %dma_start3A_659 = arith.constant 0 : i32
        %dma_start3A_660 = arith.constant 0 : i32
        %dma_start3A_661 = tpu.memref_slice %arg2[%dma_start3A_659, %dma_start3A_660] : memref<10240x128xf32, #tpu.memory_space<hbm>> -> memref<10240x128xf32, #tpu.memory_space<hbm>>
        tpu.enqueue_indirect_dma source(%dma_start3A_661 : memref<10240x128xf32, #tpu.memory_space<hbm>>) target(%dma_start3A_655 : memref<128x128xf32, #tpu.memory_space<vmem>>) offsets(%dma_start3A_658 : memref<128xi32, #tpu.memory_space<vmem>>) semaphore(%arg13 : memref<!tpu.dma_semaphore, #tpu.memory_space<semaphore_mem>>)
      } else {
      }
      %mul3A_321 = arith.constant 80 : i32
      %mul3A_322 = arith.muli %add3A, %mul3A_321 : i32
      %mul3A_323 = arith.constant 8 : i32
      %mul3A_324 = arith.muli %add3A_148, %mul3A_323 : i32
      %add3A_325 = arith.addi %mul3A_322, %mul3A_324 : i32
      %add3A_326 = arith.constant 6 : i32
      %add3A_327 = arith.addi %add3A_325, %add3A_326 : i32
      %lt3A_328 = arith.constant 2500 : i32
      %lt3A_329 = arith.cmpi slt, %add3A_327, %lt3A_328 : i32
      %convert_element_type3A_330 = arith.extui %lt3A_329 : i1 to i32
      %cond3A_331 = arith.constant 0 : i32
      %cond3A_332 = arith.cmpi ne, %convert_element_type3A_330, %cond3A_331 : i32
      scf.if %cond3A_332 {
        %dma_wait3A_649 = arith.constant 0 : i32
        %dma_wait3A_650 = arith.constant 0 : i32
        %dma_wait3A_651 = arith.constant 0 : i32
        %dma_wait3A_652 = arith.constant 0 : i32
        %dma_wait3A_653 = arith.constant 0 : i32
        %dma_wait3A_654 = tpu.memref_slice %arg8[%dma_wait3A_651, %dma_wait3A_652, %dma_wait3A_653] : memref<2x128x128xf32, #tpu.memory_space<vmem>> -> memref<1x128x128xf32, #tpu.memory_space<vmem>>
        %dma_wait3A_655 = tpu.memref_squeeze %dma_wait3A_654 : memref<1x128x128xf32, #tpu.memory_space<vmem>> -> memref<128x128xf32, #tpu.memory_space<vmem>>
        %dma_wait3A_656 = arith.constant 0 : i32
        %dma_wait3A_657 = tpu.memref_slice %arg6[%dma_wait3A_649, %dma_wait3A_650, %dma_wait3A_656] : memref<2x8x128xi32, #tpu.memory_space<vmem>> -> memref<1x1x128xi32, #tpu.memory_space<vmem>>
        %dma_wait3A_658 = tpu.memref_squeeze %dma_wait3A_657 : memref<1x1x128xi32, #tpu.memory_space<vmem>> -> memref<128xi32, #tpu.memory_space<vmem>>
        %dma_wait3A_659 = arith.constant 0 : i32
        %dma_wait3A_660 = arith.constant 0 : i32
        %dma_wait3A_661 = tpu.memref_slice %arg2[%dma_wait3A_659, %dma_wait3A_660] : memref<10240x128xf32, #tpu.memory_space<hbm>> -> memref<10240x128xf32, #tpu.memory_space<hbm>>
        tpu.wait_indirect_dma semaphore(%arg13 : memref<!tpu.dma_semaphore, #tpu.memory_space<semaphore_mem>>) src(%dma_wait3A_661 : memref<10240x128xf32, #tpu.memory_space<hbm>>) dst(%dma_wait3A_655 : memref<128x128xf32, #tpu.memory_space<vmem>>)
      } else {
      }
      %lt3A_333 = arith.constant 2500 : i32
      %lt3A_334 = arith.cmpi slt, %add3A_327, %lt3A_333 : i32
      %convert_element_type3A_335 = arith.extui %lt3A_334 : i1 to i32
      %cond3A_336 = arith.constant 0 : i32
      %cond3A_337 = arith.cmpi ne, %convert_element_type3A_335, %cond3A_336 : i32
      scf.if %cond3A_337 {
        %dma_wait3A_649 = arith.constant 1 : i32
        %dma_wait3A_650 = arith.constant 0 : i32
        %dma_wait3A_651 = arith.constant 0 : i32
        %dma_wait3A_652 = arith.constant 0 : i32
        %dma_wait3A_653 = arith.constant 0 : i32
        %dma_wait3A_654 = tpu.memref_slice %arg8[%dma_wait3A_649, %dma_wait3A_652, %dma_wait3A_653] : memref<2x128x128xf32, #tpu.memory_space<vmem>> -> memref<1x128x128xf32, #tpu.memory_space<vmem>>
        %dma_wait3A_655 = tpu.memref_squeeze %dma_wait3A_654 : memref<1x128x128xf32, #tpu.memory_space<vmem>> -> memref<128x128xf32, #tpu.memory_space<vmem>>
        %dma_wait3A_656 = arith.constant 0 : i32
        %dma_wait3A_657 = tpu.memref_slice %arg7[%dma_wait3A_650, %dma_wait3A_651, %dma_wait3A_656] : memref<2x8x128xi32, #tpu.memory_space<vmem>> -> memref<1x1x128xi32, #tpu.memory_space<vmem>>
        %dma_wait3A_658 = tpu.memref_squeeze %dma_wait3A_657 : memref<1x1x128xi32, #tpu.memory_space<vmem>> -> memref<128xi32, #tpu.memory_space<vmem>>
        %dma_wait3A_659 = arith.constant 0 : i32
        %dma_wait3A_660 = arith.constant 0 : i32
        %dma_wait3A_661 = tpu.memref_slice %arg10[%dma_wait3A_659, %dma_wait3A_660] : memref<10000x128xf32, #tpu.memory_space<vmem_shared>> -> memref<10000x128xf32, #tpu.memory_space<vmem_shared>>
        tpu.wait_indirect_dma semaphore(%arg14 : memref<!tpu.dma_semaphore, #tpu.memory_space<semaphore_mem>>) src(%dma_wait3A_655 : memref<128x128xf32, #tpu.memory_space<vmem>>) dst(%dma_wait3A_661 : memref<10000x128xf32, #tpu.memory_space<vmem_shared>>)
      } else {
      }
      %lt3A_338 = arith.constant 2500 : i32
      %lt3A_339 = arith.cmpi slt, %add3A_327, %lt3A_338 : i32
      %convert_element_type3A_340 = arith.extui %lt3A_339 : i1 to i32
      %cond3A_341 = arith.constant 0 : i32
      %cond3A_342 = arith.cmpi ne, %convert_element_type3A_340, %cond3A_341 : i32
      scf.if %cond3A_342 {
        %dma_start3A_649 = arith.constant 0 : i32
        %dma_start3A_650 = arith.constant 0 : i32
        %dma_start3A_651 = arith.constant 6 : i32
        %dma_start3A_652 = arith.constant 0 : i32
        %dma_start3A_653 = arith.constant 0 : i32
        %dma_start3A_654 = tpu.memref_slice %arg8[%dma_start3A_649, %dma_start3A_652, %dma_start3A_653] : memref<2x128x128xf32, #tpu.memory_space<vmem>> -> memref<1x128x128xf32, #tpu.memory_space<vmem>>
        %dma_start3A_655 = tpu.memref_squeeze %dma_start3A_654 : memref<1x128x128xf32, #tpu.memory_space<vmem>> -> memref<128x128xf32, #tpu.memory_space<vmem>>
        %dma_start3A_656 = arith.constant 0 : i32
        %dma_start3A_657 = tpu.memref_slice %arg7[%dma_start3A_650, %dma_start3A_651, %dma_start3A_656] : memref<2x8x128xi32, #tpu.memory_space<vmem>> -> memref<1x1x128xi32, #tpu.memory_space<vmem>>
        %dma_start3A_658 = tpu.memref_squeeze %dma_start3A_657 : memref<1x1x128xi32, #tpu.memory_space<vmem>> -> memref<128xi32, #tpu.memory_space<vmem>>
        %dma_start3A_659 = arith.constant 0 : i32
        %dma_start3A_660 = arith.constant 0 : i32
        %dma_start3A_661 = tpu.memref_slice %arg10[%dma_start3A_659, %dma_start3A_660] : memref<10000x128xf32, #tpu.memory_space<vmem_shared>> -> memref<10000x128xf32, #tpu.memory_space<vmem_shared>>
        tpu.enqueue_indirect_dma source(%dma_start3A_655 : memref<128x128xf32, #tpu.memory_space<vmem>>) target(%dma_start3A_661 : memref<10000x128xf32, #tpu.memory_space<vmem_shared>>) offsets(%dma_start3A_658 : memref<128xi32, #tpu.memory_space<vmem>>) semaphore(%arg14 : memref<!tpu.dma_semaphore, #tpu.memory_space<semaphore_mem>>) {add = true}
      } else {
      }
      %add3A_343 = arith.constant 1 : i32
      %add3A_344 = arith.addi %add3A_327, %add3A_343 : i32
      %lt3A_345 = arith.constant 2500 : i32
      %lt3A_346 = arith.cmpi slt, %add3A_344, %lt3A_345 : i32
      %convert_element_type3A_347 = arith.extui %lt3A_346 : i1 to i32
      %cond3A_348 = arith.constant 0 : i32
      %cond3A_349 = arith.cmpi ne, %convert_element_type3A_347, %cond3A_348 : i32
      scf.if %cond3A_349 {
        %dma_start3A_649 = arith.constant 0 : i32
        %dma_start3A_650 = arith.constant 7 : i32
        %dma_start3A_651 = arith.constant 1 : i32
        %dma_start3A_652 = arith.constant 0 : i32
        %dma_start3A_653 = arith.constant 0 : i32
        %dma_start3A_654 = tpu.memref_slice %arg8[%dma_start3A_651, %dma_start3A_652, %dma_start3A_653] : memref<2x128x128xf32, #tpu.memory_space<vmem>> -> memref<1x128x128xf32, #tpu.memory_space<vmem>>
        %dma_start3A_655 = tpu.memref_squeeze %dma_start3A_654 : memref<1x128x128xf32, #tpu.memory_space<vmem>> -> memref<128x128xf32, #tpu.memory_space<vmem>>
        %dma_start3A_656 = arith.constant 0 : i32
        %dma_start3A_657 = tpu.memref_slice %arg6[%dma_start3A_649, %dma_start3A_650, %dma_start3A_656] : memref<2x8x128xi32, #tpu.memory_space<vmem>> -> memref<1x1x128xi32, #tpu.memory_space<vmem>>
        %dma_start3A_658 = tpu.memref_squeeze %dma_start3A_657 : memref<1x1x128xi32, #tpu.memory_space<vmem>> -> memref<128xi32, #tpu.memory_space<vmem>>
        %dma_start3A_659 = arith.constant 0 : i32
        %dma_start3A_660 = arith.constant 0 : i32
        %dma_start3A_661 = tpu.memref_slice %arg2[%dma_start3A_659, %dma_start3A_660] : memref<10240x128xf32, #tpu.memory_space<hbm>> -> memref<10240x128xf32, #tpu.memory_space<hbm>>
        tpu.enqueue_indirect_dma source(%dma_start3A_661 : memref<10240x128xf32, #tpu.memory_space<hbm>>) target(%dma_start3A_655 : memref<128x128xf32, #tpu.memory_space<vmem>>) offsets(%dma_start3A_658 : memref<128xi32, #tpu.memory_space<vmem>>) semaphore(%arg13 : memref<!tpu.dma_semaphore, #tpu.memory_space<semaphore_mem>>)
      } else {
      }
      %mul3A_350 = arith.constant 80 : i32
      %mul3A_351 = arith.muli %add3A, %mul3A_350 : i32
      %mul3A_352 = arith.constant 8 : i32
      %mul3A_353 = arith.muli %add3A_148, %mul3A_352 : i32
      %add3A_354 = arith.addi %mul3A_351, %mul3A_353 : i32
      %add3A_355 = arith.constant 7 : i32
      %add3A_356 = arith.addi %add3A_354, %add3A_355 : i32
      %lt3A_357 = arith.constant 2500 : i32
      %lt3A_358 = arith.cmpi slt, %add3A_356, %lt3A_357 : i32
      %convert_element_type3A_359 = arith.extui %lt3A_358 : i1 to i32
      %cond3A_360 = arith.constant 0 : i32
      %cond3A_361 = arith.cmpi ne, %convert_element_type3A_359, %cond3A_360 : i32
      scf.if %cond3A_361 {
        %dma_wait3A_649 = arith.constant 0 : i32
        %dma_wait3A_650 = arith.constant 0 : i32
        %dma_wait3A_651 = arith.constant 1 : i32
        %dma_wait3A_652 = arith.constant 0 : i32
        %dma_wait3A_653 = arith.constant 0 : i32
        %dma_wait3A_654 = tpu.memref_slice %arg8[%dma_wait3A_651, %dma_wait3A_652, %dma_wait3A_653] : memref<2x128x128xf32, #tpu.memory_space<vmem>> -> memref<1x128x128xf32, #tpu.memory_space<vmem>>
        %dma_wait3A_655 = tpu.memref_squeeze %dma_wait3A_654 : memref<1x128x128xf32, #tpu.memory_space<vmem>> -> memref<128x128xf32, #tpu.memory_space<vmem>>
        %dma_wait3A_656 = arith.constant 0 : i32
        %dma_wait3A_657 = tpu.memref_slice %arg6[%dma_wait3A_649, %dma_wait3A_650, %dma_wait3A_656] : memref<2x8x128xi32, #tpu.memory_space<vmem>> -> memref<1x1x128xi32, #tpu.memory_space<vmem>>
        %dma_wait3A_658 = tpu.memref_squeeze %dma_wait3A_657 : memref<1x1x128xi32, #tpu.memory_space<vmem>> -> memref<128xi32, #tpu.memory_space<vmem>>
        %dma_wait3A_659 = arith.constant 0 : i32
        %dma_wait3A_660 = arith.constant 0 : i32
        %dma_wait3A_661 = tpu.memref_slice %arg2[%dma_wait3A_659, %dma_wait3A_660] : memref<10240x128xf32, #tpu.memory_space<hbm>> -> memref<10240x128xf32, #tpu.memory_space<hbm>>
        tpu.wait_indirect_dma semaphore(%arg13 : memref<!tpu.dma_semaphore, #tpu.memory_space<semaphore_mem>>) src(%dma_wait3A_661 : memref<10240x128xf32, #tpu.memory_space<hbm>>) dst(%dma_wait3A_655 : memref<128x128xf32, #tpu.memory_space<vmem>>)
      } else {
      }
      %lt3A_362 = arith.constant 2500 : i32
      %lt3A_363 = arith.cmpi slt, %add3A_356, %lt3A_362 : i32
      %convert_element_type3A_364 = arith.extui %lt3A_363 : i1 to i32
      %cond3A_365 = arith.constant 0 : i32
      %cond3A_366 = arith.cmpi ne, %convert_element_type3A_364, %cond3A_365 : i32
      scf.if %cond3A_366 {
        %dma_wait3A_649 = arith.constant 0 : i32
        %dma_wait3A_650 = arith.constant 0 : i32
        %dma_wait3A_651 = arith.constant 0 : i32
        %dma_wait3A_652 = arith.constant 0 : i32
        %dma_wait3A_653 = arith.constant 0 : i32
        %dma_wait3A_654 = tpu.memref_slice %arg8[%dma_wait3A_649, %dma_wait3A_652, %dma_wait3A_653] : memref<2x128x128xf32, #tpu.memory_space<vmem>> -> memref<1x128x128xf32, #tpu.memory_space<vmem>>
        %dma_wait3A_655 = tpu.memref_squeeze %dma_wait3A_654 : memref<1x128x128xf32, #tpu.memory_space<vmem>> -> memref<128x128xf32, #tpu.memory_space<vmem>>
        %dma_wait3A_656 = arith.constant 0 : i32
        %dma_wait3A_657 = tpu.memref_slice %arg7[%dma_wait3A_650, %dma_wait3A_651, %dma_wait3A_656] : memref<2x8x128xi32, #tpu.memory_space<vmem>> -> memref<1x1x128xi32, #tpu.memory_space<vmem>>
        %dma_wait3A_658 = tpu.memref_squeeze %dma_wait3A_657 : memref<1x1x128xi32, #tpu.memory_space<vmem>> -> memref<128xi32, #tpu.memory_space<vmem>>
        %dma_wait3A_659 = arith.constant 0 : i32
        %dma_wait3A_660 = arith.constant 0 : i32
        %dma_wait3A_661 = tpu.memref_slice %arg10[%dma_wait3A_659, %dma_wait3A_660] : memref<10000x128xf32, #tpu.memory_space<vmem_shared>> -> memref<10000x128xf32, #tpu.memory_space<vmem_shared>>
        tpu.wait_indirect_dma semaphore(%arg14 : memref<!tpu.dma_semaphore, #tpu.memory_space<semaphore_mem>>) src(%dma_wait3A_655 : memref<128x128xf32, #tpu.memory_space<vmem>>) dst(%dma_wait3A_661 : memref<10000x128xf32, #tpu.memory_space<vmem_shared>>)
      } else {
      }
      %lt3A_367 = arith.constant 2500 : i32
      %lt3A_368 = arith.cmpi slt, %add3A_356, %lt3A_367 : i32
      %convert_element_type3A_369 = arith.extui %lt3A_368 : i1 to i32
      %cond3A_370 = arith.constant 0 : i32
      %cond3A_371 = arith.cmpi ne, %convert_element_type3A_369, %cond3A_370 : i32
      scf.if %cond3A_371 {
        %dma_start3A_649 = arith.constant 1 : i32
        %dma_start3A_650 = arith.constant 0 : i32
        %dma_start3A_651 = arith.constant 7 : i32
        %dma_start3A_652 = arith.constant 0 : i32
        %dma_start3A_653 = arith.constant 0 : i32
        %dma_start3A_654 = tpu.memref_slice %arg8[%dma_start3A_649, %dma_start3A_652, %dma_start3A_653] : memref<2x128x128xf32, #tpu.memory_space<vmem>> -> memref<1x128x128xf32, #tpu.memory_space<vmem>>
        %dma_start3A_655 = tpu.memref_squeeze %dma_start3A_654 : memref<1x128x128xf32, #tpu.memory_space<vmem>> -> memref<128x128xf32, #tpu.memory_space<vmem>>
        %dma_start3A_656 = arith.constant 0 : i32
        %dma_start3A_657 = tpu.memref_slice %arg7[%dma_start3A_650, %dma_start3A_651, %dma_start3A_656] : memref<2x8x128xi32, #tpu.memory_space<vmem>> -> memref<1x1x128xi32, #tpu.memory_space<vmem>>
        %dma_start3A_658 = tpu.memref_squeeze %dma_start3A_657 : memref<1x1x128xi32, #tpu.memory_space<vmem>> -> memref<128xi32, #tpu.memory_space<vmem>>
        %dma_start3A_659 = arith.constant 0 : i32
        %dma_start3A_660 = arith.constant 0 : i32
        %dma_start3A_661 = tpu.memref_slice %arg10[%dma_start3A_659, %dma_start3A_660] : memref<10000x128xf32, #tpu.memory_space<vmem_shared>> -> memref<10000x128xf32, #tpu.memory_space<vmem_shared>>
        tpu.enqueue_indirect_dma source(%dma_start3A_655 : memref<128x128xf32, #tpu.memory_space<vmem>>) target(%dma_start3A_661 : memref<10000x128xf32, #tpu.memory_space<vmem_shared>>) offsets(%dma_start3A_658 : memref<128xi32, #tpu.memory_space<vmem>>) semaphore(%arg14 : memref<!tpu.dma_semaphore, #tpu.memory_space<semaphore_mem>>) {add = true}
      } else {
      }
      %lt3A_372 = arith.constant 9 : i32
      %lt3A_373 = arith.cmpi slt, %add3A_148, %lt3A_372 : i32
      %convert_element_type3A_374 = arith.extui %lt3A_373 : i1 to i32
      %cond3A_375 = arith.constant 0 : i32
      %cond3A_376 = arith.cmpi ne, %convert_element_type3A_374, %cond3A_375 : i32
      scf.if %cond3A_376 {
        %dma_wait3A_649 = arith.constant 1 : i32
        %dma_wait3A_650 = arith.constant 0 : i32
        %dma_wait3A_651 = arith.constant 0 : i32
        %dma_wait3A_652 = tpu.memref_slice %arg6[%dma_wait3A_649, %dma_wait3A_650, %dma_wait3A_651] : memref<2x8x128xi32, #tpu.memory_space<vmem>> -> memref<1x8x128xi32, #tpu.memory_space<vmem>>
        %dma_wait3A_653 = tpu.memref_squeeze %dma_wait3A_652 : memref<1x8x128xi32, #tpu.memory_space<vmem>> -> memref<8x128xi32, #tpu.memory_space<vmem>>
        %dma_wait3A_654 = arith.constant 0 : i32
        %dma_wait3A_655 = arith.constant 0 : i32
        %dma_wait3A_656 = tpu.memref_slice %arg3[%dma_wait3A_654, %dma_wait3A_655] : memref<2560x128xi32, #tpu.memory_space<hbm>> -> memref<8x128xi32, #tpu.memory_space<hbm>>
        %dma_wait3A_657 = arith.constant 0 : i32
        %dma_wait3A_658 = arith.constant 0 : i32
        %dma_wait3A_659 = tpu.memref_slice %arg6[%dma_wait3A_649, %dma_wait3A_657, %dma_wait3A_658] : memref<2x8x128xi32, #tpu.memory_space<vmem>> -> memref<1x8x128xi32, #tpu.memory_space<vmem>>
        %dma_wait3A_660 = tpu.memref_squeeze %dma_wait3A_659 : memref<1x8x128xi32, #tpu.memory_space<vmem>> -> memref<8x128xi32, #tpu.memory_space<vmem>>
        %dma_wait3A_661 = arith.constant 0 : i32
        %dma_wait3A_662 = arith.constant 0 : i32
        %dma_wait3A_663 = tpu.memref_slice %arg3[%dma_wait3A_661, %dma_wait3A_662] : memref<2560x128xi32, #tpu.memory_space<hbm>> -> memref<8x128xi32, #tpu.memory_space<hbm>>
        tpu.wait_dma2 semaphore(%arg12 : memref<!tpu.dma_semaphore, #tpu.memory_space<semaphore_mem>>) src(%dma_wait3A_663 : memref<8x128xi32, #tpu.memory_space<hbm>>) dst(%dma_wait3A_660 : memref<8x128xi32, #tpu.memory_space<vmem>>)
        %dma_wait3A_664 = arith.constant 1 : i32
        %dma_wait3A_665 = arith.constant 0 : i32
        %dma_wait3A_666 = arith.constant 0 : i32
        %dma_wait3A_667 = tpu.memref_slice %arg7[%dma_wait3A_664, %dma_wait3A_665, %dma_wait3A_666] : memref<2x8x128xi32, #tpu.memory_space<vmem>> -> memref<1x8x128xi32, #tpu.memory_space<vmem>>
        %dma_wait3A_668 = tpu.memref_squeeze %dma_wait3A_667 : memref<1x8x128xi32, #tpu.memory_space<vmem>> -> memref<8x128xi32, #tpu.memory_space<vmem>>
        %dma_wait3A_669 = arith.constant 0 : i32
        %dma_wait3A_670 = arith.constant 0 : i32
        %dma_wait3A_671 = tpu.memref_slice %arg4[%dma_wait3A_669, %dma_wait3A_670] : memref<2560x128xi32, #tpu.memory_space<hbm>> -> memref<8x128xi32, #tpu.memory_space<hbm>>
        %dma_wait3A_672 = arith.constant 0 : i32
        %dma_wait3A_673 = arith.constant 0 : i32
        %dma_wait3A_674 = tpu.memref_slice %arg7[%dma_wait3A_664, %dma_wait3A_672, %dma_wait3A_673] : memref<2x8x128xi32, #tpu.memory_space<vmem>> -> memref<1x8x128xi32, #tpu.memory_space<vmem>>
        %dma_wait3A_675 = tpu.memref_squeeze %dma_wait3A_674 : memref<1x8x128xi32, #tpu.memory_space<vmem>> -> memref<8x128xi32, #tpu.memory_space<vmem>>
        %dma_wait3A_676 = arith.constant 0 : i32
        %dma_wait3A_677 = arith.constant 0 : i32
        %dma_wait3A_678 = tpu.memref_slice %arg4[%dma_wait3A_676, %dma_wait3A_677] : memref<2560x128xi32, #tpu.memory_space<hbm>> -> memref<8x128xi32, #tpu.memory_space<hbm>>
        tpu.wait_dma2 semaphore(%arg12 : memref<!tpu.dma_semaphore, #tpu.memory_space<semaphore_mem>>) src(%dma_wait3A_678 : memref<8x128xi32, #tpu.memory_space<hbm>>) dst(%dma_wait3A_675 : memref<8x128xi32, #tpu.memory_space<vmem>>)
      } else {
      }
      %lt3A_377 = arith.constant 9 : i32
      %lt3A_378 = arith.cmpi slt, %add3A_148, %lt3A_377 : i32
      %add3A_379 = arith.constant 1 : i32
      %add3A_380 = arith.addi %add3A_356, %add3A_379 : i32
      %lt3A_381 = arith.constant 2500 : i32
      %lt3A_382 = arith.cmpi slt, %add3A_380, %lt3A_381 : i32
      %and3A_383 = arith.andi %lt3A_378, %lt3A_382 : i1
      %convert_element_type3A_384 = arith.extui %and3A_383 : i1 to i32
      %cond3A_385 = arith.constant 0 : i32
      %cond3A_386 = arith.cmpi ne, %convert_element_type3A_384, %cond3A_385 : i32
      scf.if %cond3A_386 {
        %dma_start3A_649 = arith.constant 1 : i32
        %dma_start3A_650 = arith.constant 0 : i32
        %dma_start3A_651 = arith.constant 0 : i32
        %dma_start3A_652 = arith.constant 0 : i32
        %dma_start3A_653 = arith.constant 0 : i32
        %dma_start3A_654 = tpu.memref_slice %arg8[%dma_start3A_651, %dma_start3A_652, %dma_start3A_653] : memref<2x128x128xf32, #tpu.memory_space<vmem>> -> memref<1x128x128xf32, #tpu.memory_space<vmem>>
        %dma_start3A_655 = tpu.memref_squeeze %dma_start3A_654 : memref<1x128x128xf32, #tpu.memory_space<vmem>> -> memref<128x128xf32, #tpu.memory_space<vmem>>
        %dma_start3A_656 = arith.constant 0 : i32
        %dma_start3A_657 = tpu.memref_slice %arg6[%dma_start3A_649, %dma_start3A_650, %dma_start3A_656] : memref<2x8x128xi32, #tpu.memory_space<vmem>> -> memref<1x1x128xi32, #tpu.memory_space<vmem>>
        %dma_start3A_658 = tpu.memref_squeeze %dma_start3A_657 : memref<1x1x128xi32, #tpu.memory_space<vmem>> -> memref<128xi32, #tpu.memory_space<vmem>>
        %dma_start3A_659 = arith.constant 0 : i32
        %dma_start3A_660 = arith.constant 0 : i32
        %dma_start3A_661 = tpu.memref_slice %arg2[%dma_start3A_659, %dma_start3A_660] : memref<10240x128xf32, #tpu.memory_space<hbm>> -> memref<10240x128xf32, #tpu.memory_space<hbm>>
        tpu.enqueue_indirect_dma source(%dma_start3A_661 : memref<10240x128xf32, #tpu.memory_space<hbm>>) target(%dma_start3A_655 : memref<128x128xf32, #tpu.memory_space<vmem>>) offsets(%dma_start3A_658 : memref<128xi32, #tpu.memory_space<vmem>>) semaphore(%arg13 : memref<!tpu.dma_semaphore, #tpu.memory_space<semaphore_mem>>)
      } else {
      }
      %add3A_387 = arith.constant 2 : i32
      %add3A_388 = arith.addi %add3A_148, %add3A_387 : i32
      %lt3A_389 = arith.constant 10 : i32
      %lt3A_390 = arith.cmpi slt, %add3A_388, %lt3A_389 : i32
      %convert_element_type3A_391 = arith.extui %lt3A_390 : i1 to i32
      %cond3A_392 = arith.constant 0 : i32
      %cond3A_393 = arith.cmpi ne, %convert_element_type3A_391, %cond3A_392 : i32
      scf.if %cond3A_393 {
        %add3A_649 = arith.constant 2 : i32
        %add3A_650 = arith.addi %add3A_148, %add3A_649 : i32
        %mul3A_651 = arith.constant 80 : i32
        %mul3A_652 = arith.muli %add3A, %mul3A_651 : i32
        %mul3A_653 = arith.constant 8 : i32
        %mul3A_654 = arith.muli %add3A_650, %mul3A_653 : i32
        %add3A_655 = arith.addi %mul3A_652, %mul3A_654 : i32
        %dma_start3A_656 = arith.constant 0 : i32
        %dma_start3A_657 = arith.constant 0 : i32
        %dma_start3A_658 = arith.constant 0 : i32
        %dma_start3A_659 = tpu.memref_slice %arg6[%dma_start3A_656, %dma_start3A_657, %dma_start3A_658] : memref<2x8x128xi32, #tpu.memory_space<vmem>> -> memref<1x8x128xi32, #tpu.memory_space<vmem>>
        %dma_start3A_660 = tpu.memref_squeeze %dma_start3A_659 : memref<1x8x128xi32, #tpu.memory_space<vmem>> -> memref<8x128xi32, #tpu.memory_space<vmem>>
        %dma_start3A_661 = arith.constant 0 : i32
        %dma_start3A_662 = tpu.memref_slice %arg3[%add3A_655, %dma_start3A_661] : memref<2560x128xi32, #tpu.memory_space<hbm>> -> memref<8x128xi32, #tpu.memory_space<hbm>>
        %dma_start3A_663 = arith.constant 0 : i32
        %dma_start3A_664 = arith.constant 0 : i32
        %dma_start3A_665 = tpu.memref_slice %arg6[%dma_start3A_656, %dma_start3A_663, %dma_start3A_664] : memref<2x8x128xi32, #tpu.memory_space<vmem>> -> memref<1x8x128xi32, #tpu.memory_space<vmem>>
        %dma_start3A_666 = tpu.memref_squeeze %dma_start3A_665 : memref<1x8x128xi32, #tpu.memory_space<vmem>> -> memref<8x128xi32, #tpu.memory_space<vmem>>
        %dma_start3A_667 = arith.constant 0 : i32
        %dma_start3A_668 = tpu.memref_slice %arg3[%add3A_655, %dma_start3A_667] : memref<2560x128xi32, #tpu.memory_space<hbm>> -> memref<8x128xi32, #tpu.memory_space<hbm>>
        tpu.enqueue_dma source(%dma_start3A_668 : memref<8x128xi32, #tpu.memory_space<hbm>>) target(%dma_start3A_666 : memref<8x128xi32, #tpu.memory_space<vmem>>) target_semaphore(%arg11 : memref<!tpu.dma_semaphore, #tpu.memory_space<semaphore_mem>>)
        %dma_start3A_669 = arith.constant 0 : i32
        %dma_start3A_670 = arith.constant 0 : i32
        %dma_start3A_671 = arith.constant 0 : i32
        %dma_start3A_672 = tpu.memref_slice %arg7[%dma_start3A_669, %dma_start3A_670, %dma_start3A_671] : memref<2x8x128xi32, #tpu.memory_space<vmem>> -> memref<1x8x128xi32, #tpu.memory_space<vmem>>
        %dma_start3A_673 = tpu.memref_squeeze %dma_start3A_672 : memref<1x8x128xi32, #tpu.memory_space<vmem>> -> memref<8x128xi32, #tpu.memory_space<vmem>>
        %dma_start3A_674 = arith.constant 0 : i32
        %dma_start3A_675 = tpu.memref_slice %arg4[%add3A_655, %dma_start3A_674] : memref<2560x128xi32, #tpu.memory_space<hbm>> -> memref<8x128xi32, #tpu.memory_space<hbm>>
        %dma_start3A_676 = arith.constant 0 : i32
        %dma_start3A_677 = arith.constant 0 : i32
        %dma_start3A_678 = tpu.memref_slice %arg7[%dma_start3A_669, %dma_start3A_676, %dma_start3A_677] : memref<2x8x128xi32, #tpu.memory_space<vmem>> -> memref<1x8x128xi32, #tpu.memory_space<vmem>>
        %dma_start3A_679 = tpu.memref_squeeze %dma_start3A_678 : memref<1x8x128xi32, #tpu.memory_space<vmem>> -> memref<8x128xi32, #tpu.memory_space<vmem>>
        %dma_start3A_680 = arith.constant 0 : i32
        %dma_start3A_681 = tpu.memref_slice %arg4[%add3A_655, %dma_start3A_680] : memref<2560x128xi32, #tpu.memory_space<hbm>> -> memref<8x128xi32, #tpu.memory_space<hbm>>
        tpu.enqueue_dma source(%dma_start3A_681 : memref<8x128xi32, #tpu.memory_space<hbm>>) target(%dma_start3A_679 : memref<8x128xi32, #tpu.memory_space<vmem>>) target_semaphore(%arg11 : memref<!tpu.dma_semaphore, #tpu.memory_space<semaphore_mem>>)
      } else {
      }
      %mul3A_394 = arith.constant 2 : i32
      %mul3A_395 = arith.muli %scan3A_143, %mul3A_394 : i32
      %add3A_396 = arith.constant 1 : i32
      %add3A_397 = arith.addi %mul3A_395, %add3A_396 : i32
      %mul3A_398 = arith.constant 80 : i32
      %mul3A_399 = arith.muli %add3A, %mul3A_398 : i32
      %mul3A_400 = arith.constant 8 : i32
      %mul3A_401 = arith.muli %add3A_397, %mul3A_400 : i32
      %add3A_402 = arith.addi %mul3A_399, %mul3A_401 : i32
      %add3A_403 = arith.constant 0 : i32
      %add3A_404 = arith.addi %add3A_402, %add3A_403 : i32
      %lt3A_405 = arith.constant 2500 : i32
      %lt3A_406 = arith.cmpi slt, %add3A_404, %lt3A_405 : i32
      %convert_element_type3A_407 = arith.extui %lt3A_406 : i1 to i32
      %cond3A_408 = arith.constant 0 : i32
      %cond3A_409 = arith.cmpi ne, %convert_element_type3A_407, %cond3A_408 : i32
      scf.if %cond3A_409 {
        %dma_wait3A_649 = arith.constant 1 : i32
        %dma_wait3A_650 = arith.constant 0 : i32
        %dma_wait3A_651 = arith.constant 0 : i32
        %dma_wait3A_652 = arith.constant 0 : i32
        %dma_wait3A_653 = arith.constant 0 : i32
        %dma_wait3A_654 = tpu.memref_slice %arg8[%dma_wait3A_651, %dma_wait3A_652, %dma_wait3A_653] : memref<2x128x128xf32, #tpu.memory_space<vmem>> -> memref<1x128x128xf32, #tpu.memory_space<vmem>>
        %dma_wait3A_655 = tpu.memref_squeeze %dma_wait3A_654 : memref<1x128x128xf32, #tpu.memory_space<vmem>> -> memref<128x128xf32, #tpu.memory_space<vmem>>
        %dma_wait3A_656 = arith.constant 0 : i32
        %dma_wait3A_657 = tpu.memref_slice %arg6[%dma_wait3A_649, %dma_wait3A_650, %dma_wait3A_656] : memref<2x8x128xi32, #tpu.memory_space<vmem>> -> memref<1x1x128xi32, #tpu.memory_space<vmem>>
        %dma_wait3A_658 = tpu.memref_squeeze %dma_wait3A_657 : memref<1x1x128xi32, #tpu.memory_space<vmem>> -> memref<128xi32, #tpu.memory_space<vmem>>
        %dma_wait3A_659 = arith.constant 0 : i32
        %dma_wait3A_660 = arith.constant 0 : i32
        %dma_wait3A_661 = tpu.memref_slice %arg2[%dma_wait3A_659, %dma_wait3A_660] : memref<10240x128xf32, #tpu.memory_space<hbm>> -> memref<10240x128xf32, #tpu.memory_space<hbm>>
        tpu.wait_indirect_dma semaphore(%arg13 : memref<!tpu.dma_semaphore, #tpu.memory_space<semaphore_mem>>) src(%dma_wait3A_661 : memref<10240x128xf32, #tpu.memory_space<hbm>>) dst(%dma_wait3A_655 : memref<128x128xf32, #tpu.memory_space<vmem>>)
      } else {
      }
      %gt3A_410 = arith.constant 0 : i32
      %gt3A_411 = arith.cmpi sgt, %add3A_397, %gt3A_410 : i32
      %lt3A_412 = arith.constant 2500 : i32
      %lt3A_413 = arith.cmpi slt, %add3A_404, %lt3A_412 : i32
      %and3A_414 = arith.andi %gt3A_411, %lt3A_413 : i1
      %convert_element_type3A_415 = arith.extui %and3A_414 : i1 to i32
      %cond3A_416 = arith.constant 0 : i32
      %cond3A_417 = arith.cmpi ne, %convert_element_type3A_415, %cond3A_416 : i32
      scf.if %cond3A_417 {
        %dma_wait3A_649 = arith.constant 1 : i32
        %dma_wait3A_650 = arith.constant 0 : i32
        %dma_wait3A_651 = arith.constant 0 : i32
        %dma_wait3A_652 = arith.constant 0 : i32
        %dma_wait3A_653 = arith.constant 0 : i32
        %dma_wait3A_654 = tpu.memref_slice %arg8[%dma_wait3A_649, %dma_wait3A_652, %dma_wait3A_653] : memref<2x128x128xf32, #tpu.memory_space<vmem>> -> memref<1x128x128xf32, #tpu.memory_space<vmem>>
        %dma_wait3A_655 = tpu.memref_squeeze %dma_wait3A_654 : memref<1x128x128xf32, #tpu.memory_space<vmem>> -> memref<128x128xf32, #tpu.memory_space<vmem>>
        %dma_wait3A_656 = arith.constant 0 : i32
        %dma_wait3A_657 = tpu.memref_slice %arg7[%dma_wait3A_650, %dma_wait3A_651, %dma_wait3A_656] : memref<2x8x128xi32, #tpu.memory_space<vmem>> -> memref<1x1x128xi32, #tpu.memory_space<vmem>>
        %dma_wait3A_658 = tpu.memref_squeeze %dma_wait3A_657 : memref<1x1x128xi32, #tpu.memory_space<vmem>> -> memref<128xi32, #tpu.memory_space<vmem>>
        %dma_wait3A_659 = arith.constant 0 : i32
        %dma_wait3A_660 = arith.constant 0 : i32
        %dma_wait3A_661 = tpu.memref_slice %arg10[%dma_wait3A_659, %dma_wait3A_660] : memref<10000x128xf32, #tpu.memory_space<vmem_shared>> -> memref<10000x128xf32, #tpu.memory_space<vmem_shared>>
        tpu.wait_indirect_dma semaphore(%arg14 : memref<!tpu.dma_semaphore, #tpu.memory_space<semaphore_mem>>) src(%dma_wait3A_655 : memref<128x128xf32, #tpu.memory_space<vmem>>) dst(%dma_wait3A_661 : memref<10000x128xf32, #tpu.memory_space<vmem_shared>>)
      } else {
      }
      %lt3A_418 = arith.constant 2500 : i32
      %lt3A_419 = arith.cmpi slt, %add3A_404, %lt3A_418 : i32
      %convert_element_type3A_420 = arith.extui %lt3A_419 : i1 to i32
      %cond3A_421 = arith.constant 0 : i32
      %cond3A_422 = arith.cmpi ne, %convert_element_type3A_420, %cond3A_421 : i32
      scf.if %cond3A_422 {
        %dma_start3A_649 = arith.constant 0 : i32
        %dma_start3A_650 = arith.constant 1 : i32
        %dma_start3A_651 = arith.constant 0 : i32
        %dma_start3A_652 = arith.constant 0 : i32
        %dma_start3A_653 = arith.constant 0 : i32
        %dma_start3A_654 = tpu.memref_slice %arg8[%dma_start3A_649, %dma_start3A_652, %dma_start3A_653] : memref<2x128x128xf32, #tpu.memory_space<vmem>> -> memref<1x128x128xf32, #tpu.memory_space<vmem>>
        %dma_start3A_655 = tpu.memref_squeeze %dma_start3A_654 : memref<1x128x128xf32, #tpu.memory_space<vmem>> -> memref<128x128xf32, #tpu.memory_space<vmem>>
        %dma_start3A_656 = arith.constant 0 : i32
        %dma_start3A_657 = tpu.memref_slice %arg7[%dma_start3A_650, %dma_start3A_651, %dma_start3A_656] : memref<2x8x128xi32, #tpu.memory_space<vmem>> -> memref<1x1x128xi32, #tpu.memory_space<vmem>>
        %dma_start3A_658 = tpu.memref_squeeze %dma_start3A_657 : memref<1x1x128xi32, #tpu.memory_space<vmem>> -> memref<128xi32, #tpu.memory_space<vmem>>
        %dma_start3A_659 = arith.constant 0 : i32
        %dma_start3A_660 = arith.constant 0 : i32
        %dma_start3A_661 = tpu.memref_slice %arg10[%dma_start3A_659, %dma_start3A_660] : memref<10000x128xf32, #tpu.memory_space<vmem_shared>> -> memref<10000x128xf32, #tpu.memory_space<vmem_shared>>
        tpu.enqueue_indirect_dma source(%dma_start3A_655 : memref<128x128xf32, #tpu.memory_space<vmem>>) target(%dma_start3A_661 : memref<10000x128xf32, #tpu.memory_space<vmem_shared>>) offsets(%dma_start3A_658 : memref<128xi32, #tpu.memory_space<vmem>>) semaphore(%arg14 : memref<!tpu.dma_semaphore, #tpu.memory_space<semaphore_mem>>) {add = true}
      } else {
      }
      %add3A_423 = arith.constant 1 : i32
      %add3A_424 = arith.addi %add3A_404, %add3A_423 : i32
      %lt3A_425 = arith.constant 2500 : i32
      %lt3A_426 = arith.cmpi slt, %add3A_424, %lt3A_425 : i32
      %convert_element_type3A_427 = arith.extui %lt3A_426 : i1 to i32
      %cond3A_428 = arith.constant 0 : i32
      %cond3A_429 = arith.cmpi ne, %convert_element_type3A_427, %cond3A_428 : i32
      scf.if %cond3A_429 {
        %dma_start3A_649 = arith.constant 1 : i32
        %dma_start3A_650 = arith.constant 1 : i32
        %dma_start3A_651 = arith.constant 1 : i32
        %dma_start3A_652 = arith.constant 0 : i32
        %dma_start3A_653 = arith.constant 0 : i32
        %dma_start3A_654 = tpu.memref_slice %arg8[%dma_start3A_651, %dma_start3A_652, %dma_start3A_653] : memref<2x128x128xf32, #tpu.memory_space<vmem>> -> memref<1x128x128xf32, #tpu.memory_space<vmem>>
        %dma_start3A_655 = tpu.memref_squeeze %dma_start3A_654 : memref<1x128x128xf32, #tpu.memory_space<vmem>> -> memref<128x128xf32, #tpu.memory_space<vmem>>
        %dma_start3A_656 = arith.constant 0 : i32
        %dma_start3A_657 = tpu.memref_slice %arg6[%dma_start3A_649, %dma_start3A_650, %dma_start3A_656] : memref<2x8x128xi32, #tpu.memory_space<vmem>> -> memref<1x1x128xi32, #tpu.memory_space<vmem>>
        %dma_start3A_658 = tpu.memref_squeeze %dma_start3A_657 : memref<1x1x128xi32, #tpu.memory_space<vmem>> -> memref<128xi32, #tpu.memory_space<vmem>>
        %dma_start3A_659 = arith.constant 0 : i32
        %dma_start3A_660 = arith.constant 0 : i32
        %dma_start3A_661 = tpu.memref_slice %arg2[%dma_start3A_659, %dma_start3A_660] : memref<10240x128xf32, #tpu.memory_space<hbm>> -> memref<10240x128xf32, #tpu.memory_space<hbm>>
        tpu.enqueue_indirect_dma source(%dma_start3A_661 : memref<10240x128xf32, #tpu.memory_space<hbm>>) target(%dma_start3A_655 : memref<128x128xf32, #tpu.memory_space<vmem>>) offsets(%dma_start3A_658 : memref<128xi32, #tpu.memory_space<vmem>>) semaphore(%arg13 : memref<!tpu.dma_semaphore, #tpu.memory_space<semaphore_mem>>)
      } else {
      }
      %mul3A_430 = arith.constant 80 : i32
      %mul3A_431 = arith.muli %add3A, %mul3A_430 : i32
      %mul3A_432 = arith.constant 8 : i32
      %mul3A_433 = arith.muli %add3A_397, %mul3A_432 : i32
      %add3A_434 = arith.addi %mul3A_431, %mul3A_433 : i32
      %add3A_435 = arith.constant 1 : i32
      %add3A_436 = arith.addi %add3A_434, %add3A_435 : i32
      %lt3A_437 = arith.constant 2500 : i32
      %lt3A_438 = arith.cmpi slt, %add3A_436, %lt3A_437 : i32
      %convert_element_type3A_439 = arith.extui %lt3A_438 : i1 to i32
      %cond3A_440 = arith.constant 0 : i32
      %cond3A_441 = arith.cmpi ne, %convert_element_type3A_439, %cond3A_440 : i32
      scf.if %cond3A_441 {
        %dma_wait3A_649 = arith.constant 1 : i32
        %dma_wait3A_650 = arith.constant 0 : i32
        %dma_wait3A_651 = arith.constant 1 : i32
        %dma_wait3A_652 = arith.constant 0 : i32
        %dma_wait3A_653 = arith.constant 0 : i32
        %dma_wait3A_654 = tpu.memref_slice %arg8[%dma_wait3A_651, %dma_wait3A_652, %dma_wait3A_653] : memref<2x128x128xf32, #tpu.memory_space<vmem>> -> memref<1x128x128xf32, #tpu.memory_space<vmem>>
        %dma_wait3A_655 = tpu.memref_squeeze %dma_wait3A_654 : memref<1x128x128xf32, #tpu.memory_space<vmem>> -> memref<128x128xf32, #tpu.memory_space<vmem>>
        %dma_wait3A_656 = arith.constant 0 : i32
        %dma_wait3A_657 = tpu.memref_slice %arg6[%dma_wait3A_649, %dma_wait3A_650, %dma_wait3A_656] : memref<2x8x128xi32, #tpu.memory_space<vmem>> -> memref<1x1x128xi32, #tpu.memory_space<vmem>>
        %dma_wait3A_658 = tpu.memref_squeeze %dma_wait3A_657 : memref<1x1x128xi32, #tpu.memory_space<vmem>> -> memref<128xi32, #tpu.memory_space<vmem>>
        %dma_wait3A_659 = arith.constant 0 : i32
        %dma_wait3A_660 = arith.constant 0 : i32
        %dma_wait3A_661 = tpu.memref_slice %arg2[%dma_wait3A_659, %dma_wait3A_660] : memref<10240x128xf32, #tpu.memory_space<hbm>> -> memref<10240x128xf32, #tpu.memory_space<hbm>>
        tpu.wait_indirect_dma semaphore(%arg13 : memref<!tpu.dma_semaphore, #tpu.memory_space<semaphore_mem>>) src(%dma_wait3A_661 : memref<10240x128xf32, #tpu.memory_space<hbm>>) dst(%dma_wait3A_655 : memref<128x128xf32, #tpu.memory_space<vmem>>)
      } else {
      }
      %lt3A_442 = arith.constant 2500 : i32
      %lt3A_443 = arith.cmpi slt, %add3A_436, %lt3A_442 : i32
      %convert_element_type3A_444 = arith.extui %lt3A_443 : i1 to i32
      %cond3A_445 = arith.constant 0 : i32
      %cond3A_446 = arith.cmpi ne, %convert_element_type3A_444, %cond3A_445 : i32
      scf.if %cond3A_446 {
        %dma_wait3A_649 = arith.constant 0 : i32
        %dma_wait3A_650 = arith.constant 0 : i32
        %dma_wait3A_651 = arith.constant 0 : i32
        %dma_wait3A_652 = arith.constant 0 : i32
        %dma_wait3A_653 = arith.constant 0 : i32
        %dma_wait3A_654 = tpu.memref_slice %arg8[%dma_wait3A_649, %dma_wait3A_652, %dma_wait3A_653] : memref<2x128x128xf32, #tpu.memory_space<vmem>> -> memref<1x128x128xf32, #tpu.memory_space<vmem>>
        %dma_wait3A_655 = tpu.memref_squeeze %dma_wait3A_654 : memref<1x128x128xf32, #tpu.memory_space<vmem>> -> memref<128x128xf32, #tpu.memory_space<vmem>>
        %dma_wait3A_656 = arith.constant 0 : i32
        %dma_wait3A_657 = tpu.memref_slice %arg7[%dma_wait3A_650, %dma_wait3A_651, %dma_wait3A_656] : memref<2x8x128xi32, #tpu.memory_space<vmem>> -> memref<1x1x128xi32, #tpu.memory_space<vmem>>
        %dma_wait3A_658 = tpu.memref_squeeze %dma_wait3A_657 : memref<1x1x128xi32, #tpu.memory_space<vmem>> -> memref<128xi32, #tpu.memory_space<vmem>>
        %dma_wait3A_659 = arith.constant 0 : i32
        %dma_wait3A_660 = arith.constant 0 : i32
        %dma_wait3A_661 = tpu.memref_slice %arg10[%dma_wait3A_659, %dma_wait3A_660] : memref<10000x128xf32, #tpu.memory_space<vmem_shared>> -> memref<10000x128xf32, #tpu.memory_space<vmem_shared>>
        tpu.wait_indirect_dma semaphore(%arg14 : memref<!tpu.dma_semaphore, #tpu.memory_space<semaphore_mem>>) src(%dma_wait3A_655 : memref<128x128xf32, #tpu.memory_space<vmem>>) dst(%dma_wait3A_661 : memref<10000x128xf32, #tpu.memory_space<vmem_shared>>)
      } else {
      }
      %lt3A_447 = arith.constant 2500 : i32
      %lt3A_448 = arith.cmpi slt, %add3A_436, %lt3A_447 : i32
      %convert_element_type3A_449 = arith.extui %lt3A_448 : i1 to i32
      %cond3A_450 = arith.constant 0 : i32
      %cond3A_451 = arith.cmpi ne, %convert_element_type3A_449, %cond3A_450 : i32
      scf.if %cond3A_451 {
        %dma_start3A_649 = arith.constant 1 : i32
        %dma_start3A_650 = arith.constant 1 : i32
        %dma_start3A_651 = arith.constant 1 : i32
        %dma_start3A_652 = arith.constant 0 : i32
        %dma_start3A_653 = arith.constant 0 : i32
        %dma_start3A_654 = tpu.memref_slice %arg8[%dma_start3A_649, %dma_start3A_652, %dma_start3A_653] : memref<2x128x128xf32, #tpu.memory_space<vmem>> -> memref<1x128x128xf32, #tpu.memory_space<vmem>>
        %dma_start3A_655 = tpu.memref_squeeze %dma_start3A_654 : memref<1x128x128xf32, #tpu.memory_space<vmem>> -> memref<128x128xf32, #tpu.memory_space<vmem>>
        %dma_start3A_656 = arith.constant 0 : i32
        %dma_start3A_657 = tpu.memref_slice %arg7[%dma_start3A_650, %dma_start3A_651, %dma_start3A_656] : memref<2x8x128xi32, #tpu.memory_space<vmem>> -> memref<1x1x128xi32, #tpu.memory_space<vmem>>
        %dma_start3A_658 = tpu.memref_squeeze %dma_start3A_657 : memref<1x1x128xi32, #tpu.memory_space<vmem>> -> memref<128xi32, #tpu.memory_space<vmem>>
        %dma_start3A_659 = arith.constant 0 : i32
        %dma_start3A_660 = arith.constant 0 : i32
        %dma_start3A_661 = tpu.memref_slice %arg10[%dma_start3A_659, %dma_start3A_660] : memref<10000x128xf32, #tpu.memory_space<vmem_shared>> -> memref<10000x128xf32, #tpu.memory_space<vmem_shared>>
        tpu.enqueue_indirect_dma source(%dma_start3A_655 : memref<128x128xf32, #tpu.memory_space<vmem>>) target(%dma_start3A_661 : memref<10000x128xf32, #tpu.memory_space<vmem_shared>>) offsets(%dma_start3A_658 : memref<128xi32, #tpu.memory_space<vmem>>) semaphore(%arg14 : memref<!tpu.dma_semaphore, #tpu.memory_space<semaphore_mem>>) {add = true}
      } else {
      }
      %add3A_452 = arith.constant 1 : i32
      %add3A_453 = arith.addi %add3A_436, %add3A_452 : i32
      %lt3A_454 = arith.constant 2500 : i32
      %lt3A_455 = arith.cmpi slt, %add3A_453, %lt3A_454 : i32
      %convert_element_type3A_456 = arith.extui %lt3A_455 : i1 to i32
      %cond3A_457 = arith.constant 0 : i32
      %cond3A_458 = arith.cmpi ne, %convert_element_type3A_456, %cond3A_457 : i32
      scf.if %cond3A_458 {
        %dma_start3A_649 = arith.constant 1 : i32
        %dma_start3A_650 = arith.constant 2 : i32
        %dma_start3A_651 = arith.constant 0 : i32
        %dma_start3A_652 = arith.constant 0 : i32
        %dma_start3A_653 = arith.constant 0 : i32
        %dma_start3A_654 = tpu.memref_slice %arg8[%dma_start3A_651, %dma_start3A_652, %dma_start3A_653] : memref<2x128x128xf32, #tpu.memory_space<vmem>> -> memref<1x128x128xf32, #tpu.memory_space<vmem>>
        %dma_start3A_655 = tpu.memref_squeeze %dma_start3A_654 : memref<1x128x128xf32, #tpu.memory_space<vmem>> -> memref<128x128xf32, #tpu.memory_space<vmem>>
        %dma_start3A_656 = arith.constant 0 : i32
        %dma_start3A_657 = tpu.memref_slice %arg6[%dma_start3A_649, %dma_start3A_650, %dma_start3A_656] : memref<2x8x128xi32, #tpu.memory_space<vmem>> -> memref<1x1x128xi32, #tpu.memory_space<vmem>>
        %dma_start3A_658 = tpu.memref_squeeze %dma_start3A_657 : memref<1x1x128xi32, #tpu.memory_space<vmem>> -> memref<128xi32, #tpu.memory_space<vmem>>
        %dma_start3A_659 = arith.constant 0 : i32
        %dma_start3A_660 = arith.constant 0 : i32
        %dma_start3A_661 = tpu.memref_slice %arg2[%dma_start3A_659, %dma_start3A_660] : memref<10240x128xf32, #tpu.memory_space<hbm>> -> memref<10240x128xf32, #tpu.memory_space<hbm>>
        tpu.enqueue_indirect_dma source(%dma_start3A_661 : memref<10240x128xf32, #tpu.memory_space<hbm>>) target(%dma_start3A_655 : memref<128x128xf32, #tpu.memory_space<vmem>>) offsets(%dma_start3A_658 : memref<128xi32, #tpu.memory_space<vmem>>) semaphore(%arg13 : memref<!tpu.dma_semaphore, #tpu.memory_space<semaphore_mem>>)
      } else {
      }
      %mul3A_459 = arith.constant 80 : i32
      %mul3A_460 = arith.muli %add3A, %mul3A_459 : i32
      %mul3A_461 = arith.constant 8 : i32
      %mul3A_462 = arith.muli %add3A_397, %mul3A_461 : i32
      %add3A_463 = arith.addi %mul3A_460, %mul3A_462 : i32
      %add3A_464 = arith.constant 2 : i32
      %add3A_465 = arith.addi %add3A_463, %add3A_464 : i32
      %lt3A_466 = arith.constant 2500 : i32
      %lt3A_467 = arith.cmpi slt, %add3A_465, %lt3A_466 : i32
      %convert_element_type3A_468 = arith.extui %lt3A_467 : i1 to i32
      %cond3A_469 = arith.constant 0 : i32
      %cond3A_470 = arith.cmpi ne, %convert_element_type3A_468, %cond3A_469 : i32
      scf.if %cond3A_470 {
        %dma_wait3A_649 = arith.constant 1 : i32
        %dma_wait3A_650 = arith.constant 0 : i32
        %dma_wait3A_651 = arith.constant 0 : i32
        %dma_wait3A_652 = arith.constant 0 : i32
        %dma_wait3A_653 = arith.constant 0 : i32
        %dma_wait3A_654 = tpu.memref_slice %arg8[%dma_wait3A_651, %dma_wait3A_652, %dma_wait3A_653] : memref<2x128x128xf32, #tpu.memory_space<vmem>> -> memref<1x128x128xf32, #tpu.memory_space<vmem>>
        %dma_wait3A_655 = tpu.memref_squeeze %dma_wait3A_654 : memref<1x128x128xf32, #tpu.memory_space<vmem>> -> memref<128x128xf32, #tpu.memory_space<vmem>>
        %dma_wait3A_656 = arith.constant 0 : i32
        %dma_wait3A_657 = tpu.memref_slice %arg6[%dma_wait3A_649, %dma_wait3A_650, %dma_wait3A_656] : memref<2x8x128xi32, #tpu.memory_space<vmem>> -> memref<1x1x128xi32, #tpu.memory_space<vmem>>
        %dma_wait3A_658 = tpu.memref_squeeze %dma_wait3A_657 : memref<1x1x128xi32, #tpu.memory_space<vmem>> -> memref<128xi32, #tpu.memory_space<vmem>>
        %dma_wait3A_659 = arith.constant 0 : i32
        %dma_wait3A_660 = arith.constant 0 : i32
        %dma_wait3A_661 = tpu.memref_slice %arg2[%dma_wait3A_659, %dma_wait3A_660] : memref<10240x128xf32, #tpu.memory_space<hbm>> -> memref<10240x128xf32, #tpu.memory_space<hbm>>
        tpu.wait_indirect_dma semaphore(%arg13 : memref<!tpu.dma_semaphore, #tpu.memory_space<semaphore_mem>>) src(%dma_wait3A_661 : memref<10240x128xf32, #tpu.memory_space<hbm>>) dst(%dma_wait3A_655 : memref<128x128xf32, #tpu.memory_space<vmem>>)
      } else {
      }
      %lt3A_471 = arith.constant 2500 : i32
      %lt3A_472 = arith.cmpi slt, %add3A_465, %lt3A_471 : i32
      %convert_element_type3A_473 = arith.extui %lt3A_472 : i1 to i32
      %cond3A_474 = arith.constant 0 : i32
      %cond3A_475 = arith.cmpi ne, %convert_element_type3A_473, %cond3A_474 : i32
      scf.if %cond3A_475 {
        %dma_wait3A_649 = arith.constant 1 : i32
        %dma_wait3A_650 = arith.constant 0 : i32
        %dma_wait3A_651 = arith.constant 0 : i32
        %dma_wait3A_652 = arith.constant 0 : i32
        %dma_wait3A_653 = arith.constant 0 : i32
        %dma_wait3A_654 = tpu.memref_slice %arg8[%dma_wait3A_649, %dma_wait3A_652, %dma_wait3A_653] : memref<2x128x128xf32, #tpu.memory_space<vmem>> -> memref<1x128x128xf32, #tpu.memory_space<vmem>>
        %dma_wait3A_655 = tpu.memref_squeeze %dma_wait3A_654 : memref<1x128x128xf32, #tpu.memory_space<vmem>> -> memref<128x128xf32, #tpu.memory_space<vmem>>
        %dma_wait3A_656 = arith.constant 0 : i32
        %dma_wait3A_657 = tpu.memref_slice %arg7[%dma_wait3A_650, %dma_wait3A_651, %dma_wait3A_656] : memref<2x8x128xi32, #tpu.memory_space<vmem>> -> memref<1x1x128xi32, #tpu.memory_space<vmem>>
        %dma_wait3A_658 = tpu.memref_squeeze %dma_wait3A_657 : memref<1x1x128xi32, #tpu.memory_space<vmem>> -> memref<128xi32, #tpu.memory_space<vmem>>
        %dma_wait3A_659 = arith.constant 0 : i32
        %dma_wait3A_660 = arith.constant 0 : i32
        %dma_wait3A_661 = tpu.memref_slice %arg10[%dma_wait3A_659, %dma_wait3A_660] : memref<10000x128xf32, #tpu.memory_space<vmem_shared>> -> memref<10000x128xf32, #tpu.memory_space<vmem_shared>>
        tpu.wait_indirect_dma semaphore(%arg14 : memref<!tpu.dma_semaphore, #tpu.memory_space<semaphore_mem>>) src(%dma_wait3A_655 : memref<128x128xf32, #tpu.memory_space<vmem>>) dst(%dma_wait3A_661 : memref<10000x128xf32, #tpu.memory_space<vmem_shared>>)
      } else {
      }
      %lt3A_476 = arith.constant 2500 : i32
      %lt3A_477 = arith.cmpi slt, %add3A_465, %lt3A_476 : i32
      %convert_element_type3A_478 = arith.extui %lt3A_477 : i1 to i32
      %cond3A_479 = arith.constant 0 : i32
      %cond3A_480 = arith.cmpi ne, %convert_element_type3A_478, %cond3A_479 : i32
      scf.if %cond3A_480 {
        %dma_start3A_649 = arith.constant 0 : i32
        %dma_start3A_650 = arith.constant 1 : i32
        %dma_start3A_651 = arith.constant 2 : i32
        %dma_start3A_652 = arith.constant 0 : i32
        %dma_start3A_653 = arith.constant 0 : i32
        %dma_start3A_654 = tpu.memref_slice %arg8[%dma_start3A_649, %dma_start3A_652, %dma_start3A_653] : memref<2x128x128xf32, #tpu.memory_space<vmem>> -> memref<1x128x128xf32, #tpu.memory_space<vmem>>
        %dma_start3A_655 = tpu.memref_squeeze %dma_start3A_654 : memref<1x128x128xf32, #tpu.memory_space<vmem>> -> memref<128x128xf32, #tpu.memory_space<vmem>>
        %dma_start3A_656 = arith.constant 0 : i32
        %dma_start3A_657 = tpu.memref_slice %arg7[%dma_start3A_650, %dma_start3A_651, %dma_start3A_656] : memref<2x8x128xi32, #tpu.memory_space<vmem>> -> memref<1x1x128xi32, #tpu.memory_space<vmem>>
        %dma_start3A_658 = tpu.memref_squeeze %dma_start3A_657 : memref<1x1x128xi32, #tpu.memory_space<vmem>> -> memref<128xi32, #tpu.memory_space<vmem>>
        %dma_start3A_659 = arith.constant 0 : i32
        %dma_start3A_660 = arith.constant 0 : i32
        %dma_start3A_661 = tpu.memref_slice %arg10[%dma_start3A_659, %dma_start3A_660] : memref<10000x128xf32, #tpu.memory_space<vmem_shared>> -> memref<10000x128xf32, #tpu.memory_space<vmem_shared>>
        tpu.enqueue_indirect_dma source(%dma_start3A_655 : memref<128x128xf32, #tpu.memory_space<vmem>>) target(%dma_start3A_661 : memref<10000x128xf32, #tpu.memory_space<vmem_shared>>) offsets(%dma_start3A_658 : memref<128xi32, #tpu.memory_space<vmem>>) semaphore(%arg14 : memref<!tpu.dma_semaphore, #tpu.memory_space<semaphore_mem>>) {add = true}
      } else {
      }
      %add3A_481 = arith.constant 1 : i32
      %add3A_482 = arith.addi %add3A_465, %add3A_481 : i32
      %lt3A_483 = arith.constant 2500 : i32
      %lt3A_484 = arith.cmpi slt, %add3A_482, %lt3A_483 : i32
      %convert_element_type3A_485 = arith.extui %lt3A_484 : i1 to i32
      %cond3A_486 = arith.constant 0 : i32
      %cond3A_487 = arith.cmpi ne, %convert_element_type3A_485, %cond3A_486 : i32
      scf.if %cond3A_487 {
        %dma_start3A_649 = arith.constant 1 : i32
        %dma_start3A_650 = arith.constant 3 : i32
        %dma_start3A_651 = arith.constant 1 : i32
        %dma_start3A_652 = arith.constant 0 : i32
        %dma_start3A_653 = arith.constant 0 : i32
        %dma_start3A_654 = tpu.memref_slice %arg8[%dma_start3A_651, %dma_start3A_652, %dma_start3A_653] : memref<2x128x128xf32, #tpu.memory_space<vmem>> -> memref<1x128x128xf32, #tpu.memory_space<vmem>>
        %dma_start3A_655 = tpu.memref_squeeze %dma_start3A_654 : memref<1x128x128xf32, #tpu.memory_space<vmem>> -> memref<128x128xf32, #tpu.memory_space<vmem>>
        %dma_start3A_656 = arith.constant 0 : i32
        %dma_start3A_657 = tpu.memref_slice %arg6[%dma_start3A_649, %dma_start3A_650, %dma_start3A_656] : memref<2x8x128xi32, #tpu.memory_space<vmem>> -> memref<1x1x128xi32, #tpu.memory_space<vmem>>
        %dma_start3A_658 = tpu.memref_squeeze %dma_start3A_657 : memref<1x1x128xi32, #tpu.memory_space<vmem>> -> memref<128xi32, #tpu.memory_space<vmem>>
        %dma_start3A_659 = arith.constant 0 : i32
        %dma_start3A_660 = arith.constant 0 : i32
        %dma_start3A_661 = tpu.memref_slice %arg2[%dma_start3A_659, %dma_start3A_660] : memref<10240x128xf32, #tpu.memory_space<hbm>> -> memref<10240x128xf32, #tpu.memory_space<hbm>>
        tpu.enqueue_indirect_dma source(%dma_start3A_661 : memref<10240x128xf32, #tpu.memory_space<hbm>>) target(%dma_start3A_655 : memref<128x128xf32, #tpu.memory_space<vmem>>) offsets(%dma_start3A_658 : memref<128xi32, #tpu.memory_space<vmem>>) semaphore(%arg13 : memref<!tpu.dma_semaphore, #tpu.memory_space<semaphore_mem>>)
      } else {
      }
      %mul3A_488 = arith.constant 80 : i32
      %mul3A_489 = arith.muli %add3A, %mul3A_488 : i32
      %mul3A_490 = arith.constant 8 : i32
      %mul3A_491 = arith.muli %add3A_397, %mul3A_490 : i32
      %add3A_492 = arith.addi %mul3A_489, %mul3A_491 : i32
      %add3A_493 = arith.constant 3 : i32
      %add3A_494 = arith.addi %add3A_492, %add3A_493 : i32
      %lt3A_495 = arith.constant 2500 : i32
      %lt3A_496 = arith.cmpi slt, %add3A_494, %lt3A_495 : i32
      %convert_element_type3A_497 = arith.extui %lt3A_496 : i1 to i32
      %cond3A_498 = arith.constant 0 : i32
      %cond3A_499 = arith.cmpi ne, %convert_element_type3A_497, %cond3A_498 : i32
      scf.if %cond3A_499 {
        %dma_wait3A_649 = arith.constant 1 : i32
        %dma_wait3A_650 = arith.constant 0 : i32
        %dma_wait3A_651 = arith.constant 1 : i32
        %dma_wait3A_652 = arith.constant 0 : i32
        %dma_wait3A_653 = arith.constant 0 : i32
        %dma_wait3A_654 = tpu.memref_slice %arg8[%dma_wait3A_651, %dma_wait3A_652, %dma_wait3A_653] : memref<2x128x128xf32, #tpu.memory_space<vmem>> -> memref<1x128x128xf32, #tpu.memory_space<vmem>>
        %dma_wait3A_655 = tpu.memref_squeeze %dma_wait3A_654 : memref<1x128x128xf32, #tpu.memory_space<vmem>> -> memref<128x128xf32, #tpu.memory_space<vmem>>
        %dma_wait3A_656 = arith.constant 0 : i32
        %dma_wait3A_657 = tpu.memref_slice %arg6[%dma_wait3A_649, %dma_wait3A_650, %dma_wait3A_656] : memref<2x8x128xi32, #tpu.memory_space<vmem>> -> memref<1x1x128xi32, #tpu.memory_space<vmem>>
        %dma_wait3A_658 = tpu.memref_squeeze %dma_wait3A_657 : memref<1x1x128xi32, #tpu.memory_space<vmem>> -> memref<128xi32, #tpu.memory_space<vmem>>
        %dma_wait3A_659 = arith.constant 0 : i32
        %dma_wait3A_660 = arith.constant 0 : i32
        %dma_wait3A_661 = tpu.memref_slice %arg2[%dma_wait3A_659, %dma_wait3A_660] : memref<10240x128xf32, #tpu.memory_space<hbm>> -> memref<10240x128xf32, #tpu.memory_space<hbm>>
        tpu.wait_indirect_dma semaphore(%arg13 : memref<!tpu.dma_semaphore, #tpu.memory_space<semaphore_mem>>) src(%dma_wait3A_661 : memref<10240x128xf32, #tpu.memory_space<hbm>>) dst(%dma_wait3A_655 : memref<128x128xf32, #tpu.memory_space<vmem>>)
      } else {
      }
      %lt3A_500 = arith.constant 2500 : i32
      %lt3A_501 = arith.cmpi slt, %add3A_494, %lt3A_500 : i32
      %convert_element_type3A_502 = arith.extui %lt3A_501 : i1 to i32
      %cond3A_503 = arith.constant 0 : i32
      %cond3A_504 = arith.cmpi ne, %convert_element_type3A_502, %cond3A_503 : i32
      scf.if %cond3A_504 {
        %dma_wait3A_649 = arith.constant 0 : i32
        %dma_wait3A_650 = arith.constant 0 : i32
        %dma_wait3A_651 = arith.constant 0 : i32
        %dma_wait3A_652 = arith.constant 0 : i32
        %dma_wait3A_653 = arith.constant 0 : i32
        %dma_wait3A_654 = tpu.memref_slice %arg8[%dma_wait3A_649, %dma_wait3A_652, %dma_wait3A_653] : memref<2x128x128xf32, #tpu.memory_space<vmem>> -> memref<1x128x128xf32, #tpu.memory_space<vmem>>
        %dma_wait3A_655 = tpu.memref_squeeze %dma_wait3A_654 : memref<1x128x128xf32, #tpu.memory_space<vmem>> -> memref<128x128xf32, #tpu.memory_space<vmem>>
        %dma_wait3A_656 = arith.constant 0 : i32
        %dma_wait3A_657 = tpu.memref_slice %arg7[%dma_wait3A_650, %dma_wait3A_651, %dma_wait3A_656] : memref<2x8x128xi32, #tpu.memory_space<vmem>> -> memref<1x1x128xi32, #tpu.memory_space<vmem>>
        %dma_wait3A_658 = tpu.memref_squeeze %dma_wait3A_657 : memref<1x1x128xi32, #tpu.memory_space<vmem>> -> memref<128xi32, #tpu.memory_space<vmem>>
        %dma_wait3A_659 = arith.constant 0 : i32
        %dma_wait3A_660 = arith.constant 0 : i32
        %dma_wait3A_661 = tpu.memref_slice %arg10[%dma_wait3A_659, %dma_wait3A_660] : memref<10000x128xf32, #tpu.memory_space<vmem_shared>> -> memref<10000x128xf32, #tpu.memory_space<vmem_shared>>
        tpu.wait_indirect_dma semaphore(%arg14 : memref<!tpu.dma_semaphore, #tpu.memory_space<semaphore_mem>>) src(%dma_wait3A_655 : memref<128x128xf32, #tpu.memory_space<vmem>>) dst(%dma_wait3A_661 : memref<10000x128xf32, #tpu.memory_space<vmem_shared>>)
      } else {
      }
      %lt3A_505 = arith.constant 2500 : i32
      %lt3A_506 = arith.cmpi slt, %add3A_494, %lt3A_505 : i32
      %convert_element_type3A_507 = arith.extui %lt3A_506 : i1 to i32
      %cond3A_508 = arith.constant 0 : i32
      %cond3A_509 = arith.cmpi ne, %convert_element_type3A_507, %cond3A_508 : i32
      scf.if %cond3A_509 {
        %dma_start3A_649 = arith.constant 1 : i32
        %dma_start3A_650 = arith.constant 1 : i32
        %dma_start3A_651 = arith.constant 3 : i32
        %dma_start3A_652 = arith.constant 0 : i32
        %dma_start3A_653 = arith.constant 0 : i32
        %dma_start3A_654 = tpu.memref_slice %arg8[%dma_start3A_649, %dma_start3A_652, %dma_start3A_653] : memref<2x128x128xf32, #tpu.memory_space<vmem>> -> memref<1x128x128xf32, #tpu.memory_space<vmem>>
        %dma_start3A_655 = tpu.memref_squeeze %dma_start3A_654 : memref<1x128x128xf32, #tpu.memory_space<vmem>> -> memref<128x128xf32, #tpu.memory_space<vmem>>
        %dma_start3A_656 = arith.constant 0 : i32
        %dma_start3A_657 = tpu.memref_slice %arg7[%dma_start3A_650, %dma_start3A_651, %dma_start3A_656] : memref<2x8x128xi32, #tpu.memory_space<vmem>> -> memref<1x1x128xi32, #tpu.memory_space<vmem>>
        %dma_start3A_658 = tpu.memref_squeeze %dma_start3A_657 : memref<1x1x128xi32, #tpu.memory_space<vmem>> -> memref<128xi32, #tpu.memory_space<vmem>>
        %dma_start3A_659 = arith.constant 0 : i32
        %dma_start3A_660 = arith.constant 0 : i32
        %dma_start3A_661 = tpu.memref_slice %arg10[%dma_start3A_659, %dma_start3A_660] : memref<10000x128xf32, #tpu.memory_space<vmem_shared>> -> memref<10000x128xf32, #tpu.memory_space<vmem_shared>>
        tpu.enqueue_indirect_dma source(%dma_start3A_655 : memref<128x128xf32, #tpu.memory_space<vmem>>) target(%dma_start3A_661 : memref<10000x128xf32, #tpu.memory_space<vmem_shared>>) offsets(%dma_start3A_658 : memref<128xi32, #tpu.memory_space<vmem>>) semaphore(%arg14 : memref<!tpu.dma_semaphore, #tpu.memory_space<semaphore_mem>>) {add = true}
      } else {
      }
      %add3A_510 = arith.constant 1 : i32
      %add3A_511 = arith.addi %add3A_494, %add3A_510 : i32
      %lt3A_512 = arith.constant 2500 : i32
      %lt3A_513 = arith.cmpi slt, %add3A_511, %lt3A_512 : i32
      %convert_element_type3A_514 = arith.extui %lt3A_513 : i1 to i32
      %cond3A_515 = arith.constant 0 : i32
      %cond3A_516 = arith.cmpi ne, %convert_element_type3A_514, %cond3A_515 : i32
      scf.if %cond3A_516 {
        %dma_start3A_649 = arith.constant 1 : i32
        %dma_start3A_650 = arith.constant 4 : i32
        %dma_start3A_651 = arith.constant 0 : i32
        %dma_start3A_652 = arith.constant 0 : i32
        %dma_start3A_653 = arith.constant 0 : i32
        %dma_start3A_654 = tpu.memref_slice %arg8[%dma_start3A_651, %dma_start3A_652, %dma_start3A_653] : memref<2x128x128xf32, #tpu.memory_space<vmem>> -> memref<1x128x128xf32, #tpu.memory_space<vmem>>
        %dma_start3A_655 = tpu.memref_squeeze %dma_start3A_654 : memref<1x128x128xf32, #tpu.memory_space<vmem>> -> memref<128x128xf32, #tpu.memory_space<vmem>>
        %dma_start3A_656 = arith.constant 0 : i32
        %dma_start3A_657 = tpu.memref_slice %arg6[%dma_start3A_649, %dma_start3A_650, %dma_start3A_656] : memref<2x8x128xi32, #tpu.memory_space<vmem>> -> memref<1x1x128xi32, #tpu.memory_space<vmem>>
        %dma_start3A_658 = tpu.memref_squeeze %dma_start3A_657 : memref<1x1x128xi32, #tpu.memory_space<vmem>> -> memref<128xi32, #tpu.memory_space<vmem>>
        %dma_start3A_659 = arith.constant 0 : i32
        %dma_start3A_660 = arith.constant 0 : i32
        %dma_start3A_661 = tpu.memref_slice %arg2[%dma_start3A_659, %dma_start3A_660] : memref<10240x128xf32, #tpu.memory_space<hbm>> -> memref<10240x128xf32, #tpu.memory_space<hbm>>
        tpu.enqueue_indirect_dma source(%dma_start3A_661 : memref<10240x128xf32, #tpu.memory_space<hbm>>) target(%dma_start3A_655 : memref<128x128xf32, #tpu.memory_space<vmem>>) offsets(%dma_start3A_658 : memref<128xi32, #tpu.memory_space<vmem>>) semaphore(%arg13 : memref<!tpu.dma_semaphore, #tpu.memory_space<semaphore_mem>>)
      } else {
      }
      %mul3A_517 = arith.constant 80 : i32
      %mul3A_518 = arith.muli %add3A, %mul3A_517 : i32
      %mul3A_519 = arith.constant 8 : i32
      %mul3A_520 = arith.muli %add3A_397, %mul3A_519 : i32
      %add3A_521 = arith.addi %mul3A_518, %mul3A_520 : i32
      %add3A_522 = arith.constant 4 : i32
      %add3A_523 = arith.addi %add3A_521, %add3A_522 : i32
      %lt3A_524 = arith.constant 2500 : i32
      %lt3A_525 = arith.cmpi slt, %add3A_523, %lt3A_524 : i32
      %convert_element_type3A_526 = arith.extui %lt3A_525 : i1 to i32
      %cond3A_527 = arith.constant 0 : i32
      %cond3A_528 = arith.cmpi ne, %convert_element_type3A_526, %cond3A_527 : i32
      scf.if %cond3A_528 {
        %dma_wait3A_649 = arith.constant 1 : i32
        %dma_wait3A_650 = arith.constant 0 : i32
        %dma_wait3A_651 = arith.constant 0 : i32
        %dma_wait3A_652 = arith.constant 0 : i32
        %dma_wait3A_653 = arith.constant 0 : i32
        %dma_wait3A_654 = tpu.memref_slice %arg8[%dma_wait3A_651, %dma_wait3A_652, %dma_wait3A_653] : memref<2x128x128xf32, #tpu.memory_space<vmem>> -> memref<1x128x128xf32, #tpu.memory_space<vmem>>
        %dma_wait3A_655 = tpu.memref_squeeze %dma_wait3A_654 : memref<1x128x128xf32, #tpu.memory_space<vmem>> -> memref<128x128xf32, #tpu.memory_space<vmem>>
        %dma_wait3A_656 = arith.constant 0 : i32
        %dma_wait3A_657 = tpu.memref_slice %arg6[%dma_wait3A_649, %dma_wait3A_650, %dma_wait3A_656] : memref<2x8x128xi32, #tpu.memory_space<vmem>> -> memref<1x1x128xi32, #tpu.memory_space<vmem>>
        %dma_wait3A_658 = tpu.memref_squeeze %dma_wait3A_657 : memref<1x1x128xi32, #tpu.memory_space<vmem>> -> memref<128xi32, #tpu.memory_space<vmem>>
        %dma_wait3A_659 = arith.constant 0 : i32
        %dma_wait3A_660 = arith.constant 0 : i32
        %dma_wait3A_661 = tpu.memref_slice %arg2[%dma_wait3A_659, %dma_wait3A_660] : memref<10240x128xf32, #tpu.memory_space<hbm>> -> memref<10240x128xf32, #tpu.memory_space<hbm>>
        tpu.wait_indirect_dma semaphore(%arg13 : memref<!tpu.dma_semaphore, #tpu.memory_space<semaphore_mem>>) src(%dma_wait3A_661 : memref<10240x128xf32, #tpu.memory_space<hbm>>) dst(%dma_wait3A_655 : memref<128x128xf32, #tpu.memory_space<vmem>>)
      } else {
      }
      %lt3A_529 = arith.constant 2500 : i32
      %lt3A_530 = arith.cmpi slt, %add3A_523, %lt3A_529 : i32
      %convert_element_type3A_531 = arith.extui %lt3A_530 : i1 to i32
      %cond3A_532 = arith.constant 0 : i32
      %cond3A_533 = arith.cmpi ne, %convert_element_type3A_531, %cond3A_532 : i32
      scf.if %cond3A_533 {
        %dma_wait3A_649 = arith.constant 1 : i32
        %dma_wait3A_650 = arith.constant 0 : i32
        %dma_wait3A_651 = arith.constant 0 : i32
        %dma_wait3A_652 = arith.constant 0 : i32
        %dma_wait3A_653 = arith.constant 0 : i32
        %dma_wait3A_654 = tpu.memref_slice %arg8[%dma_wait3A_649, %dma_wait3A_652, %dma_wait3A_653] : memref<2x128x128xf32, #tpu.memory_space<vmem>> -> memref<1x128x128xf32, #tpu.memory_space<vmem>>
        %dma_wait3A_655 = tpu.memref_squeeze %dma_wait3A_654 : memref<1x128x128xf32, #tpu.memory_space<vmem>> -> memref<128x128xf32, #tpu.memory_space<vmem>>
        %dma_wait3A_656 = arith.constant 0 : i32
        %dma_wait3A_657 = tpu.memref_slice %arg7[%dma_wait3A_650, %dma_wait3A_651, %dma_wait3A_656] : memref<2x8x128xi32, #tpu.memory_space<vmem>> -> memref<1x1x128xi32, #tpu.memory_space<vmem>>
        %dma_wait3A_658 = tpu.memref_squeeze %dma_wait3A_657 : memref<1x1x128xi32, #tpu.memory_space<vmem>> -> memref<128xi32, #tpu.memory_space<vmem>>
        %dma_wait3A_659 = arith.constant 0 : i32
        %dma_wait3A_660 = arith.constant 0 : i32
        %dma_wait3A_661 = tpu.memref_slice %arg10[%dma_wait3A_659, %dma_wait3A_660] : memref<10000x128xf32, #tpu.memory_space<vmem_shared>> -> memref<10000x128xf32, #tpu.memory_space<vmem_shared>>
        tpu.wait_indirect_dma semaphore(%arg14 : memref<!tpu.dma_semaphore, #tpu.memory_space<semaphore_mem>>) src(%dma_wait3A_655 : memref<128x128xf32, #tpu.memory_space<vmem>>) dst(%dma_wait3A_661 : memref<10000x128xf32, #tpu.memory_space<vmem_shared>>)
      } else {
      }
      %lt3A_534 = arith.constant 2500 : i32
      %lt3A_535 = arith.cmpi slt, %add3A_523, %lt3A_534 : i32
      %convert_element_type3A_536 = arith.extui %lt3A_535 : i1 to i32
      %cond3A_537 = arith.constant 0 : i32
      %cond3A_538 = arith.cmpi ne, %convert_element_type3A_536, %cond3A_537 : i32
      scf.if %cond3A_538 {
        %dma_start3A_649 = arith.constant 0 : i32
        %dma_start3A_650 = arith.constant 1 : i32
        %dma_start3A_651 = arith.constant 4 : i32
        %dma_start3A_652 = arith.constant 0 : i32
        %dma_start3A_653 = arith.constant 0 : i32
        %dma_start3A_654 = tpu.memref_slice %arg8[%dma_start3A_649, %dma_start3A_652, %dma_start3A_653] : memref<2x128x128xf32, #tpu.memory_space<vmem>> -> memref<1x128x128xf32, #tpu.memory_space<vmem>>
        %dma_start3A_655 = tpu.memref_squeeze %dma_start3A_654 : memref<1x128x128xf32, #tpu.memory_space<vmem>> -> memref<128x128xf32, #tpu.memory_space<vmem>>
        %dma_start3A_656 = arith.constant 0 : i32
        %dma_start3A_657 = tpu.memref_slice %arg7[%dma_start3A_650, %dma_start3A_651, %dma_start3A_656] : memref<2x8x128xi32, #tpu.memory_space<vmem>> -> memref<1x1x128xi32, #tpu.memory_space<vmem>>
        %dma_start3A_658 = tpu.memref_squeeze %dma_start3A_657 : memref<1x1x128xi32, #tpu.memory_space<vmem>> -> memref<128xi32, #tpu.memory_space<vmem>>
        %dma_start3A_659 = arith.constant 0 : i32
        %dma_start3A_660 = arith.constant 0 : i32
        %dma_start3A_661 = tpu.memref_slice %arg10[%dma_start3A_659, %dma_start3A_660] : memref<10000x128xf32, #tpu.memory_space<vmem_shared>> -> memref<10000x128xf32, #tpu.memory_space<vmem_shared>>
        tpu.enqueue_indirect_dma source(%dma_start3A_655 : memref<128x128xf32, #tpu.memory_space<vmem>>) target(%dma_start3A_661 : memref<10000x128xf32, #tpu.memory_space<vmem_shared>>) offsets(%dma_start3A_658 : memref<128xi32, #tpu.memory_space<vmem>>) semaphore(%arg14 : memref<!tpu.dma_semaphore, #tpu.memory_space<semaphore_mem>>) {add = true}
      } else {
      }
      %add3A_539 = arith.constant 1 : i32
      %add3A_540 = arith.addi %add3A_523, %add3A_539 : i32
      %lt3A_541 = arith.constant 2500 : i32
      %lt3A_542 = arith.cmpi slt, %add3A_540, %lt3A_541 : i32
      %convert_element_type3A_543 = arith.extui %lt3A_542 : i1 to i32
      %cond3A_544 = arith.constant 0 : i32
      %cond3A_545 = arith.cmpi ne, %convert_element_type3A_543, %cond3A_544 : i32
      scf.if %cond3A_545 {
        %dma_start3A_649 = arith.constant 1 : i32
        %dma_start3A_650 = arith.constant 5 : i32
        %dma_start3A_651 = arith.constant 1 : i32
        %dma_start3A_652 = arith.constant 0 : i32
        %dma_start3A_653 = arith.constant 0 : i32
        %dma_start3A_654 = tpu.memref_slice %arg8[%dma_start3A_651, %dma_start3A_652, %dma_start3A_653] : memref<2x128x128xf32, #tpu.memory_space<vmem>> -> memref<1x128x128xf32, #tpu.memory_space<vmem>>
        %dma_start3A_655 = tpu.memref_squeeze %dma_start3A_654 : memref<1x128x128xf32, #tpu.memory_space<vmem>> -> memref<128x128xf32, #tpu.memory_space<vmem>>
        %dma_start3A_656 = arith.constant 0 : i32
        %dma_start3A_657 = tpu.memref_slice %arg6[%dma_start3A_649, %dma_start3A_650, %dma_start3A_656] : memref<2x8x128xi32, #tpu.memory_space<vmem>> -> memref<1x1x128xi32, #tpu.memory_space<vmem>>
        %dma_start3A_658 = tpu.memref_squeeze %dma_start3A_657 : memref<1x1x128xi32, #tpu.memory_space<vmem>> -> memref<128xi32, #tpu.memory_space<vmem>>
        %dma_start3A_659 = arith.constant 0 : i32
        %dma_start3A_660 = arith.constant 0 : i32
        %dma_start3A_661 = tpu.memref_slice %arg2[%dma_start3A_659, %dma_start3A_660] : memref<10240x128xf32, #tpu.memory_space<hbm>> -> memref<10240x128xf32, #tpu.memory_space<hbm>>
        tpu.enqueue_indirect_dma source(%dma_start3A_661 : memref<10240x128xf32, #tpu.memory_space<hbm>>) target(%dma_start3A_655 : memref<128x128xf32, #tpu.memory_space<vmem>>) offsets(%dma_start3A_658 : memref<128xi32, #tpu.memory_space<vmem>>) semaphore(%arg13 : memref<!tpu.dma_semaphore, #tpu.memory_space<semaphore_mem>>)
      } else {
      }
      %mul3A_546 = arith.constant 80 : i32
      %mul3A_547 = arith.muli %add3A, %mul3A_546 : i32
      %mul3A_548 = arith.constant 8 : i32
      %mul3A_549 = arith.muli %add3A_397, %mul3A_548 : i32
      %add3A_550 = arith.addi %mul3A_547, %mul3A_549 : i32
      %add3A_551 = arith.constant 5 : i32
      %add3A_552 = arith.addi %add3A_550, %add3A_551 : i32
      %lt3A_553 = arith.constant 2500 : i32
      %lt3A_554 = arith.cmpi slt, %add3A_552, %lt3A_553 : i32
      %convert_element_type3A_555 = arith.extui %lt3A_554 : i1 to i32
      %cond3A_556 = arith.constant 0 : i32
      %cond3A_557 = arith.cmpi ne, %convert_element_type3A_555, %cond3A_556 : i32
      scf.if %cond3A_557 {
        %dma_wait3A_649 = arith.constant 1 : i32
        %dma_wait3A_650 = arith.constant 0 : i32
        %dma_wait3A_651 = arith.constant 1 : i32
        %dma_wait3A_652 = arith.constant 0 : i32
        %dma_wait3A_653 = arith.constant 0 : i32
        %dma_wait3A_654 = tpu.memref_slice %arg8[%dma_wait3A_651, %dma_wait3A_652, %dma_wait3A_653] : memref<2x128x128xf32, #tpu.memory_space<vmem>> -> memref<1x128x128xf32, #tpu.memory_space<vmem>>
        %dma_wait3A_655 = tpu.memref_squeeze %dma_wait3A_654 : memref<1x128x128xf32, #tpu.memory_space<vmem>> -> memref<128x128xf32, #tpu.memory_space<vmem>>
        %dma_wait3A_656 = arith.constant 0 : i32
        %dma_wait3A_657 = tpu.memref_slice %arg6[%dma_wait3A_649, %dma_wait3A_650, %dma_wait3A_656] : memref<2x8x128xi32, #tpu.memory_space<vmem>> -> memref<1x1x128xi32, #tpu.memory_space<vmem>>
        %dma_wait3A_658 = tpu.memref_squeeze %dma_wait3A_657 : memref<1x1x128xi32, #tpu.memory_space<vmem>> -> memref<128xi32, #tpu.memory_space<vmem>>
        %dma_wait3A_659 = arith.constant 0 : i32
        %dma_wait3A_660 = arith.constant 0 : i32
        %dma_wait3A_661 = tpu.memref_slice %arg2[%dma_wait3A_659, %dma_wait3A_660] : memref<10240x128xf32, #tpu.memory_space<hbm>> -> memref<10240x128xf32, #tpu.memory_space<hbm>>
        tpu.wait_indirect_dma semaphore(%arg13 : memref<!tpu.dma_semaphore, #tpu.memory_space<semaphore_mem>>) src(%dma_wait3A_661 : memref<10240x128xf32, #tpu.memory_space<hbm>>) dst(%dma_wait3A_655 : memref<128x128xf32, #tpu.memory_space<vmem>>)
      } else {
      }
      %lt3A_558 = arith.constant 2500 : i32
      %lt3A_559 = arith.cmpi slt, %add3A_552, %lt3A_558 : i32
      %convert_element_type3A_560 = arith.extui %lt3A_559 : i1 to i32
      %cond3A_561 = arith.constant 0 : i32
      %cond3A_562 = arith.cmpi ne, %convert_element_type3A_560, %cond3A_561 : i32
      scf.if %cond3A_562 {
        %dma_wait3A_649 = arith.constant 0 : i32
        %dma_wait3A_650 = arith.constant 0 : i32
        %dma_wait3A_651 = arith.constant 0 : i32
        %dma_wait3A_652 = arith.constant 0 : i32
        %dma_wait3A_653 = arith.constant 0 : i32
        %dma_wait3A_654 = tpu.memref_slice %arg8[%dma_wait3A_649, %dma_wait3A_652, %dma_wait3A_653] : memref<2x128x128xf32, #tpu.memory_space<vmem>> -> memref<1x128x128xf32, #tpu.memory_space<vmem>>
        %dma_wait3A_655 = tpu.memref_squeeze %dma_wait3A_654 : memref<1x128x128xf32, #tpu.memory_space<vmem>> -> memref<128x128xf32, #tpu.memory_space<vmem>>
        %dma_wait3A_656 = arith.constant 0 : i32
        %dma_wait3A_657 = tpu.memref_slice %arg7[%dma_wait3A_650, %dma_wait3A_651, %dma_wait3A_656] : memref<2x8x128xi32, #tpu.memory_space<vmem>> -> memref<1x1x128xi32, #tpu.memory_space<vmem>>
        %dma_wait3A_658 = tpu.memref_squeeze %dma_wait3A_657 : memref<1x1x128xi32, #tpu.memory_space<vmem>> -> memref<128xi32, #tpu.memory_space<vmem>>
        %dma_wait3A_659 = arith.constant 0 : i32
        %dma_wait3A_660 = arith.constant 0 : i32
        %dma_wait3A_661 = tpu.memref_slice %arg10[%dma_wait3A_659, %dma_wait3A_660] : memref<10000x128xf32, #tpu.memory_space<vmem_shared>> -> memref<10000x128xf32, #tpu.memory_space<vmem_shared>>
        tpu.wait_indirect_dma semaphore(%arg14 : memref<!tpu.dma_semaphore, #tpu.memory_space<semaphore_mem>>) src(%dma_wait3A_655 : memref<128x128xf32, #tpu.memory_space<vmem>>) dst(%dma_wait3A_661 : memref<10000x128xf32, #tpu.memory_space<vmem_shared>>)
      } else {
      }
      %lt3A_563 = arith.constant 2500 : i32
      %lt3A_564 = arith.cmpi slt, %add3A_552, %lt3A_563 : i32
      %convert_element_type3A_565 = arith.extui %lt3A_564 : i1 to i32
      %cond3A_566 = arith.constant 0 : i32
      %cond3A_567 = arith.cmpi ne, %convert_element_type3A_565, %cond3A_566 : i32
      scf.if %cond3A_567 {
        %dma_start3A_649 = arith.constant 1 : i32
        %dma_start3A_650 = arith.constant 1 : i32
        %dma_start3A_651 = arith.constant 5 : i32
        %dma_start3A_652 = arith.constant 0 : i32
        %dma_start3A_653 = arith.constant 0 : i32
        %dma_start3A_654 = tpu.memref_slice %arg8[%dma_start3A_649, %dma_start3A_652, %dma_start3A_653] : memref<2x128x128xf32, #tpu.memory_space<vmem>> -> memref<1x128x128xf32, #tpu.memory_space<vmem>>
        %dma_start3A_655 = tpu.memref_squeeze %dma_start3A_654 : memref<1x128x128xf32, #tpu.memory_space<vmem>> -> memref<128x128xf32, #tpu.memory_space<vmem>>
        %dma_start3A_656 = arith.constant 0 : i32
        %dma_start3A_657 = tpu.memref_slice %arg7[%dma_start3A_650, %dma_start3A_651, %dma_start3A_656] : memref<2x8x128xi32, #tpu.memory_space<vmem>> -> memref<1x1x128xi32, #tpu.memory_space<vmem>>
        %dma_start3A_658 = tpu.memref_squeeze %dma_start3A_657 : memref<1x1x128xi32, #tpu.memory_space<vmem>> -> memref<128xi32, #tpu.memory_space<vmem>>
        %dma_start3A_659 = arith.constant 0 : i32
        %dma_start3A_660 = arith.constant 0 : i32
        %dma_start3A_661 = tpu.memref_slice %arg10[%dma_start3A_659, %dma_start3A_660] : memref<10000x128xf32, #tpu.memory_space<vmem_shared>> -> memref<10000x128xf32, #tpu.memory_space<vmem_shared>>
        tpu.enqueue_indirect_dma source(%dma_start3A_655 : memref<128x128xf32, #tpu.memory_space<vmem>>) target(%dma_start3A_661 : memref<10000x128xf32, #tpu.memory_space<vmem_shared>>) offsets(%dma_start3A_658 : memref<128xi32, #tpu.memory_space<vmem>>) semaphore(%arg14 : memref<!tpu.dma_semaphore, #tpu.memory_space<semaphore_mem>>) {add = true}
      } else {
      }
      %add3A_568 = arith.constant 1 : i32
      %add3A_569 = arith.addi %add3A_552, %add3A_568 : i32
      %lt3A_570 = arith.constant 2500 : i32
      %lt3A_571 = arith.cmpi slt, %add3A_569, %lt3A_570 : i32
      %convert_element_type3A_572 = arith.extui %lt3A_571 : i1 to i32
      %cond3A_573 = arith.constant 0 : i32
      %cond3A_574 = arith.cmpi ne, %convert_element_type3A_572, %cond3A_573 : i32
      scf.if %cond3A_574 {
        %dma_start3A_649 = arith.constant 1 : i32
        %dma_start3A_650 = arith.constant 6 : i32
        %dma_start3A_651 = arith.constant 0 : i32
        %dma_start3A_652 = arith.constant 0 : i32
        %dma_start3A_653 = arith.constant 0 : i32
        %dma_start3A_654 = tpu.memref_slice %arg8[%dma_start3A_651, %dma_start3A_652, %dma_start3A_653] : memref<2x128x128xf32, #tpu.memory_space<vmem>> -> memref<1x128x128xf32, #tpu.memory_space<vmem>>
        %dma_start3A_655 = tpu.memref_squeeze %dma_start3A_654 : memref<1x128x128xf32, #tpu.memory_space<vmem>> -> memref<128x128xf32, #tpu.memory_space<vmem>>
        %dma_start3A_656 = arith.constant 0 : i32
        %dma_start3A_657 = tpu.memref_slice %arg6[%dma_start3A_649, %dma_start3A_650, %dma_start3A_656] : memref<2x8x128xi32, #tpu.memory_space<vmem>> -> memref<1x1x128xi32, #tpu.memory_space<vmem>>
        %dma_start3A_658 = tpu.memref_squeeze %dma_start3A_657 : memref<1x1x128xi32, #tpu.memory_space<vmem>> -> memref<128xi32, #tpu.memory_space<vmem>>
        %dma_start3A_659 = arith.constant 0 : i32
        %dma_start3A_660 = arith.constant 0 : i32
        %dma_start3A_661 = tpu.memref_slice %arg2[%dma_start3A_659, %dma_start3A_660] : memref<10240x128xf32, #tpu.memory_space<hbm>> -> memref<10240x128xf32, #tpu.memory_space<hbm>>
        tpu.enqueue_indirect_dma source(%dma_start3A_661 : memref<10240x128xf32, #tpu.memory_space<hbm>>) target(%dma_start3A_655 : memref<128x128xf32, #tpu.memory_space<vmem>>) offsets(%dma_start3A_658 : memref<128xi32, #tpu.memory_space<vmem>>) semaphore(%arg13 : memref<!tpu.dma_semaphore, #tpu.memory_space<semaphore_mem>>)
      } else {
      }
      %mul3A_575 = arith.constant 80 : i32
      %mul3A_576 = arith.muli %add3A, %mul3A_575 : i32
      %mul3A_577 = arith.constant 8 : i32
      %mul3A_578 = arith.muli %add3A_397, %mul3A_577 : i32
      %add3A_579 = arith.addi %mul3A_576, %mul3A_578 : i32
      %add3A_580 = arith.constant 6 : i32
      %add3A_581 = arith.addi %add3A_579, %add3A_580 : i32
      %lt3A_582 = arith.constant 2500 : i32
      %lt3A_583 = arith.cmpi slt, %add3A_581, %lt3A_582 : i32
      %convert_element_type3A_584 = arith.extui %lt3A_583 : i1 to i32
      %cond3A_585 = arith.constant 0 : i32
      %cond3A_586 = arith.cmpi ne, %convert_element_type3A_584, %cond3A_585 : i32
      scf.if %cond3A_586 {
        %dma_wait3A_649 = arith.constant 1 : i32
        %dma_wait3A_650 = arith.constant 0 : i32
        %dma_wait3A_651 = arith.constant 0 : i32
        %dma_wait3A_652 = arith.constant 0 : i32
        %dma_wait3A_653 = arith.constant 0 : i32
        %dma_wait3A_654 = tpu.memref_slice %arg8[%dma_wait3A_651, %dma_wait3A_652, %dma_wait3A_653] : memref<2x128x128xf32, #tpu.memory_space<vmem>> -> memref<1x128x128xf32, #tpu.memory_space<vmem>>
        %dma_wait3A_655 = tpu.memref_squeeze %dma_wait3A_654 : memref<1x128x128xf32, #tpu.memory_space<vmem>> -> memref<128x128xf32, #tpu.memory_space<vmem>>
        %dma_wait3A_656 = arith.constant 0 : i32
        %dma_wait3A_657 = tpu.memref_slice %arg6[%dma_wait3A_649, %dma_wait3A_650, %dma_wait3A_656] : memref<2x8x128xi32, #tpu.memory_space<vmem>> -> memref<1x1x128xi32, #tpu.memory_space<vmem>>
        %dma_wait3A_658 = tpu.memref_squeeze %dma_wait3A_657 : memref<1x1x128xi32, #tpu.memory_space<vmem>> -> memref<128xi32, #tpu.memory_space<vmem>>
        %dma_wait3A_659 = arith.constant 0 : i32
        %dma_wait3A_660 = arith.constant 0 : i32
        %dma_wait3A_661 = tpu.memref_slice %arg2[%dma_wait3A_659, %dma_wait3A_660] : memref<10240x128xf32, #tpu.memory_space<hbm>> -> memref<10240x128xf32, #tpu.memory_space<hbm>>
        tpu.wait_indirect_dma semaphore(%arg13 : memref<!tpu.dma_semaphore, #tpu.memory_space<semaphore_mem>>) src(%dma_wait3A_661 : memref<10240x128xf32, #tpu.memory_space<hbm>>) dst(%dma_wait3A_655 : memref<128x128xf32, #tpu.memory_space<vmem>>)
      } else {
      }
      %lt3A_587 = arith.constant 2500 : i32
      %lt3A_588 = arith.cmpi slt, %add3A_581, %lt3A_587 : i32
      %convert_element_type3A_589 = arith.extui %lt3A_588 : i1 to i32
      %cond3A_590 = arith.constant 0 : i32
      %cond3A_591 = arith.cmpi ne, %convert_element_type3A_589, %cond3A_590 : i32
      scf.if %cond3A_591 {
        %dma_wait3A_649 = arith.constant 1 : i32
        %dma_wait3A_650 = arith.constant 0 : i32
        %dma_wait3A_651 = arith.constant 0 : i32
        %dma_wait3A_652 = arith.constant 0 : i32
        %dma_wait3A_653 = arith.constant 0 : i32
        %dma_wait3A_654 = tpu.memref_slice %arg8[%dma_wait3A_649, %dma_wait3A_652, %dma_wait3A_653] : memref<2x128x128xf32, #tpu.memory_space<vmem>> -> memref<1x128x128xf32, #tpu.memory_space<vmem>>
        %dma_wait3A_655 = tpu.memref_squeeze %dma_wait3A_654 : memref<1x128x128xf32, #tpu.memory_space<vmem>> -> memref<128x128xf32, #tpu.memory_space<vmem>>
        %dma_wait3A_656 = arith.constant 0 : i32
        %dma_wait3A_657 = tpu.memref_slice %arg7[%dma_wait3A_650, %dma_wait3A_651, %dma_wait3A_656] : memref<2x8x128xi32, #tpu.memory_space<vmem>> -> memref<1x1x128xi32, #tpu.memory_space<vmem>>
        %dma_wait3A_658 = tpu.memref_squeeze %dma_wait3A_657 : memref<1x1x128xi32, #tpu.memory_space<vmem>> -> memref<128xi32, #tpu.memory_space<vmem>>
        %dma_wait3A_659 = arith.constant 0 : i32
        %dma_wait3A_660 = arith.constant 0 : i32
        %dma_wait3A_661 = tpu.memref_slice %arg10[%dma_wait3A_659, %dma_wait3A_660] : memref<10000x128xf32, #tpu.memory_space<vmem_shared>> -> memref<10000x128xf32, #tpu.memory_space<vmem_shared>>
        tpu.wait_indirect_dma semaphore(%arg14 : memref<!tpu.dma_semaphore, #tpu.memory_space<semaphore_mem>>) src(%dma_wait3A_655 : memref<128x128xf32, #tpu.memory_space<vmem>>) dst(%dma_wait3A_661 : memref<10000x128xf32, #tpu.memory_space<vmem_shared>>)
      } else {
      }
      %lt3A_592 = arith.constant 2500 : i32
      %lt3A_593 = arith.cmpi slt, %add3A_581, %lt3A_592 : i32
      %convert_element_type3A_594 = arith.extui %lt3A_593 : i1 to i32
      %cond3A_595 = arith.constant 0 : i32
      %cond3A_596 = arith.cmpi ne, %convert_element_type3A_594, %cond3A_595 : i32
      scf.if %cond3A_596 {
        %dma_start3A_649 = arith.constant 0 : i32
        %dma_start3A_650 = arith.constant 1 : i32
        %dma_start3A_651 = arith.constant 6 : i32
        %dma_start3A_652 = arith.constant 0 : i32
        %dma_start3A_653 = arith.constant 0 : i32
        %dma_start3A_654 = tpu.memref_slice %arg8[%dma_start3A_649, %dma_start3A_652, %dma_start3A_653] : memref<2x128x128xf32, #tpu.memory_space<vmem>> -> memref<1x128x128xf32, #tpu.memory_space<vmem>>
        %dma_start3A_655 = tpu.memref_squeeze %dma_start3A_654 : memref<1x128x128xf32, #tpu.memory_space<vmem>> -> memref<128x128xf32, #tpu.memory_space<vmem>>
        %dma_start3A_656 = arith.constant 0 : i32
        %dma_start3A_657 = tpu.memref_slice %arg7[%dma_start3A_650, %dma_start3A_651, %dma_start3A_656] : memref<2x8x128xi32, #tpu.memory_space<vmem>> -> memref<1x1x128xi32, #tpu.memory_space<vmem>>
        %dma_start3A_658 = tpu.memref_squeeze %dma_start3A_657 : memref<1x1x128xi32, #tpu.memory_space<vmem>> -> memref<128xi32, #tpu.memory_space<vmem>>
        %dma_start3A_659 = arith.constant 0 : i32
        %dma_start3A_660 = arith.constant 0 : i32
        %dma_start3A_661 = tpu.memref_slice %arg10[%dma_start3A_659, %dma_start3A_660] : memref<10000x128xf32, #tpu.memory_space<vmem_shared>> -> memref<10000x128xf32, #tpu.memory_space<vmem_shared>>
        tpu.enqueue_indirect_dma source(%dma_start3A_655 : memref<128x128xf32, #tpu.memory_space<vmem>>) target(%dma_start3A_661 : memref<10000x128xf32, #tpu.memory_space<vmem_shared>>) offsets(%dma_start3A_658 : memref<128xi32, #tpu.memory_space<vmem>>) semaphore(%arg14 : memref<!tpu.dma_semaphore, #tpu.memory_space<semaphore_mem>>) {add = true}
      } else {
      }
      %add3A_597 = arith.constant 1 : i32
      %add3A_598 = arith.addi %add3A_581, %add3A_597 : i32
      %lt3A_599 = arith.constant 2500 : i32
      %lt3A_600 = arith.cmpi slt, %add3A_598, %lt3A_599 : i32
      %convert_element_type3A_601 = arith.extui %lt3A_600 : i1 to i32
      %cond3A_602 = arith.constant 0 : i32
      %cond3A_603 = arith.cmpi ne, %convert_element_type3A_601, %cond3A_602 : i32
      scf.if %cond3A_603 {
        %dma_start3A_649 = arith.constant 1 : i32
        %dma_start3A_650 = arith.constant 7 : i32
        %dma_start3A_651 = arith.constant 1 : i32
        %dma_start3A_652 = arith.constant 0 : i32
        %dma_start3A_653 = arith.constant 0 : i32
        %dma_start3A_654 = tpu.memref_slice %arg8[%dma_start3A_651, %dma_start3A_652, %dma_start3A_653] : memref<2x128x128xf32, #tpu.memory_space<vmem>> -> memref<1x128x128xf32, #tpu.memory_space<vmem>>
        %dma_start3A_655 = tpu.memref_squeeze %dma_start3A_654 : memref<1x128x128xf32, #tpu.memory_space<vmem>> -> memref<128x128xf32, #tpu.memory_space<vmem>>
        %dma_start3A_656 = arith.constant 0 : i32
        %dma_start3A_657 = tpu.memref_slice %arg6[%dma_start3A_649, %dma_start3A_650, %dma_start3A_656] : memref<2x8x128xi32, #tpu.memory_space<vmem>> -> memref<1x1x128xi32, #tpu.memory_space<vmem>>
        %dma_start3A_658 = tpu.memref_squeeze %dma_start3A_657 : memref<1x1x128xi32, #tpu.memory_space<vmem>> -> memref<128xi32, #tpu.memory_space<vmem>>
        %dma_start3A_659 = arith.constant 0 : i32
        %dma_start3A_660 = arith.constant 0 : i32
        %dma_start3A_661 = tpu.memref_slice %arg2[%dma_start3A_659, %dma_start3A_660] : memref<10240x128xf32, #tpu.memory_space<hbm>> -> memref<10240x128xf32, #tpu.memory_space<hbm>>
        tpu.enqueue_indirect_dma source(%dma_start3A_661 : memref<10240x128xf32, #tpu.memory_space<hbm>>) target(%dma_start3A_655 : memref<128x128xf32, #tpu.memory_space<vmem>>) offsets(%dma_start3A_658 : memref<128xi32, #tpu.memory_space<vmem>>) semaphore(%arg13 : memref<!tpu.dma_semaphore, #tpu.memory_space<semaphore_mem>>)
      } else {
      }
      %mul3A_604 = arith.constant 80 : i32
      %mul3A_605 = arith.muli %add3A, %mul3A_604 : i32
      %mul3A_606 = arith.constant 8 : i32
      %mul3A_607 = arith.muli %add3A_397, %mul3A_606 : i32
      %add3A_608 = arith.addi %mul3A_605, %mul3A_607 : i32
      %add3A_609 = arith.constant 7 : i32
      %add3A_610 = arith.addi %add3A_608, %add3A_609 : i32
      %lt3A_611 = arith.constant 2500 : i32
      %lt3A_612 = arith.cmpi slt, %add3A_610, %lt3A_611 : i32
      %convert_element_type3A_613 = arith.extui %lt3A_612 : i1 to i32
      %cond3A_614 = arith.constant 0 : i32
      %cond3A_615 = arith.cmpi ne, %convert_element_type3A_613, %cond3A_614 : i32
      scf.if %cond3A_615 {
        %dma_wait3A_649 = arith.constant 1 : i32
        %dma_wait3A_650 = arith.constant 0 : i32
        %dma_wait3A_651 = arith.constant 1 : i32
        %dma_wait3A_652 = arith.constant 0 : i32
        %dma_wait3A_653 = arith.constant 0 : i32
        %dma_wait3A_654 = tpu.memref_slice %arg8[%dma_wait3A_651, %dma_wait3A_652, %dma_wait3A_653] : memref<2x128x128xf32, #tpu.memory_space<vmem>> -> memref<1x128x128xf32, #tpu.memory_space<vmem>>
        %dma_wait3A_655 = tpu.memref_squeeze %dma_wait3A_654 : memref<1x128x128xf32, #tpu.memory_space<vmem>> -> memref<128x128xf32, #tpu.memory_space<vmem>>
        %dma_wait3A_656 = arith.constant 0 : i32
        %dma_wait3A_657 = tpu.memref_slice %arg6[%dma_wait3A_649, %dma_wait3A_650, %dma_wait3A_656] : memref<2x8x128xi32, #tpu.memory_space<vmem>> -> memref<1x1x128xi32, #tpu.memory_space<vmem>>
        %dma_wait3A_658 = tpu.memref_squeeze %dma_wait3A_657 : memref<1x1x128xi32, #tpu.memory_space<vmem>> -> memref<128xi32, #tpu.memory_space<vmem>>
        %dma_wait3A_659 = arith.constant 0 : i32
        %dma_wait3A_660 = arith.constant 0 : i32
        %dma_wait3A_661 = tpu.memref_slice %arg2[%dma_wait3A_659, %dma_wait3A_660] : memref<10240x128xf32, #tpu.memory_space<hbm>> -> memref<10240x128xf32, #tpu.memory_space<hbm>>
        tpu.wait_indirect_dma semaphore(%arg13 : memref<!tpu.dma_semaphore, #tpu.memory_space<semaphore_mem>>) src(%dma_wait3A_661 : memref<10240x128xf32, #tpu.memory_space<hbm>>) dst(%dma_wait3A_655 : memref<128x128xf32, #tpu.memory_space<vmem>>)
      } else {
      }
      %lt3A_616 = arith.constant 2500 : i32
      %lt3A_617 = arith.cmpi slt, %add3A_610, %lt3A_616 : i32
      %convert_element_type3A_618 = arith.extui %lt3A_617 : i1 to i32
      %cond3A_619 = arith.constant 0 : i32
      %cond3A_620 = arith.cmpi ne, %convert_element_type3A_618, %cond3A_619 : i32
      scf.if %cond3A_620 {
        %dma_wait3A_649 = arith.constant 0 : i32
        %dma_wait3A_650 = arith.constant 0 : i32
        %dma_wait3A_651 = arith.constant 0 : i32
        %dma_wait3A_652 = arith.constant 0 : i32
        %dma_wait3A_653 = arith.constant 0 : i32
        %dma_wait3A_654 = tpu.memref_slice %arg8[%dma_wait3A_649, %dma_wait3A_652, %dma_wait3A_653] : memref<2x128x128xf32, #tpu.memory_space<vmem>> -> memref<1x128x128xf32, #tpu.memory_space<vmem>>
        %dma_wait3A_655 = tpu.memref_squeeze %dma_wait3A_654 : memref<1x128x128xf32, #tpu.memory_space<vmem>> -> memref<128x128xf32, #tpu.memory_space<vmem>>
        %dma_wait3A_656 = arith.constant 0 : i32
        %dma_wait3A_657 = tpu.memref_slice %arg7[%dma_wait3A_650, %dma_wait3A_651, %dma_wait3A_656] : memref<2x8x128xi32, #tpu.memory_space<vmem>> -> memref<1x1x128xi32, #tpu.memory_space<vmem>>
        %dma_wait3A_658 = tpu.memref_squeeze %dma_wait3A_657 : memref<1x1x128xi32, #tpu.memory_space<vmem>> -> memref<128xi32, #tpu.memory_space<vmem>>
        %dma_wait3A_659 = arith.constant 0 : i32
        %dma_wait3A_660 = arith.constant 0 : i32
        %dma_wait3A_661 = tpu.memref_slice %arg10[%dma_wait3A_659, %dma_wait3A_660] : memref<10000x128xf32, #tpu.memory_space<vmem_shared>> -> memref<10000x128xf32, #tpu.memory_space<vmem_shared>>
        tpu.wait_indirect_dma semaphore(%arg14 : memref<!tpu.dma_semaphore, #tpu.memory_space<semaphore_mem>>) src(%dma_wait3A_655 : memref<128x128xf32, #tpu.memory_space<vmem>>) dst(%dma_wait3A_661 : memref<10000x128xf32, #tpu.memory_space<vmem_shared>>)
      } else {
      }
      %lt3A_621 = arith.constant 2500 : i32
      %lt3A_622 = arith.cmpi slt, %add3A_610, %lt3A_621 : i32
      %convert_element_type3A_623 = arith.extui %lt3A_622 : i1 to i32
      %cond3A_624 = arith.constant 0 : i32
      %cond3A_625 = arith.cmpi ne, %convert_element_type3A_623, %cond3A_624 : i32
      scf.if %cond3A_625 {
        %dma_start3A_649 = arith.constant 1 : i32
        %dma_start3A_650 = arith.constant 1 : i32
        %dma_start3A_651 = arith.constant 7 : i32
        %dma_start3A_652 = arith.constant 0 : i32
        %dma_start3A_653 = arith.constant 0 : i32
        %dma_start3A_654 = tpu.memref_slice %arg8[%dma_start3A_649, %dma_start3A_652, %dma_start3A_653] : memref<2x128x128xf32, #tpu.memory_space<vmem>> -> memref<1x128x128xf32, #tpu.memory_space<vmem>>
        %dma_start3A_655 = tpu.memref_squeeze %dma_start3A_654 : memref<1x128x128xf32, #tpu.memory_space<vmem>> -> memref<128x128xf32, #tpu.memory_space<vmem>>
        %dma_start3A_656 = arith.constant 0 : i32
        %dma_start3A_657 = tpu.memref_slice %arg7[%dma_start3A_650, %dma_start3A_651, %dma_start3A_656] : memref<2x8x128xi32, #tpu.memory_space<vmem>> -> memref<1x1x128xi32, #tpu.memory_space<vmem>>
        %dma_start3A_658 = tpu.memref_squeeze %dma_start3A_657 : memref<1x1x128xi32, #tpu.memory_space<vmem>> -> memref<128xi32, #tpu.memory_space<vmem>>
        %dma_start3A_659 = arith.constant 0 : i32
        %dma_start3A_660 = arith.constant 0 : i32
        %dma_start3A_661 = tpu.memref_slice %arg10[%dma_start3A_659, %dma_start3A_660] : memref<10000x128xf32, #tpu.memory_space<vmem_shared>> -> memref<10000x128xf32, #tpu.memory_space<vmem_shared>>
        tpu.enqueue_indirect_dma source(%dma_start3A_655 : memref<128x128xf32, #tpu.memory_space<vmem>>) target(%dma_start3A_661 : memref<10000x128xf32, #tpu.memory_space<vmem_shared>>) offsets(%dma_start3A_658 : memref<128xi32, #tpu.memory_space<vmem>>) semaphore(%arg14 : memref<!tpu.dma_semaphore, #tpu.memory_space<semaphore_mem>>) {add = true}
      } else {
      }
      %lt3A_626 = arith.constant 9 : i32
      %lt3A_627 = arith.cmpi slt, %add3A_397, %lt3A_626 : i32
      %convert_element_type3A_628 = arith.extui %lt3A_627 : i1 to i32
      %cond3A_629 = arith.constant 0 : i32
      %cond3A_630 = arith.cmpi ne, %convert_element_type3A_628, %cond3A_629 : i32
      scf.if %cond3A_630 {
        %dma_wait3A_649 = arith.constant 0 : i32
        %dma_wait3A_650 = arith.constant 0 : i32
        %dma_wait3A_651 = arith.constant 0 : i32
        %dma_wait3A_652 = tpu.memref_slice %arg6[%dma_wait3A_649, %dma_wait3A_650, %dma_wait3A_651] : memref<2x8x128xi32, #tpu.memory_space<vmem>> -> memref<1x8x128xi32, #tpu.memory_space<vmem>>
        %dma_wait3A_653 = tpu.memref_squeeze %dma_wait3A_652 : memref<1x8x128xi32, #tpu.memory_space<vmem>> -> memref<8x128xi32, #tpu.memory_space<vmem>>
        %dma_wait3A_654 = arith.constant 0 : i32
        %dma_wait3A_655 = arith.constant 0 : i32
        %dma_wait3A_656 = tpu.memref_slice %arg3[%dma_wait3A_654, %dma_wait3A_655] : memref<2560x128xi32, #tpu.memory_space<hbm>> -> memref<8x128xi32, #tpu.memory_space<hbm>>
        %dma_wait3A_657 = arith.constant 0 : i32
        %dma_wait3A_658 = arith.constant 0 : i32
        %dma_wait3A_659 = tpu.memref_slice %arg6[%dma_wait3A_649, %dma_wait3A_657, %dma_wait3A_658] : memref<2x8x128xi32, #tpu.memory_space<vmem>> -> memref<1x8x128xi32, #tpu.memory_space<vmem>>
        %dma_wait3A_660 = tpu.memref_squeeze %dma_wait3A_659 : memref<1x8x128xi32, #tpu.memory_space<vmem>> -> memref<8x128xi32, #tpu.memory_space<vmem>>
        %dma_wait3A_661 = arith.constant 0 : i32
        %dma_wait3A_662 = arith.constant 0 : i32
        %dma_wait3A_663 = tpu.memref_slice %arg3[%dma_wait3A_661, %dma_wait3A_662] : memref<2560x128xi32, #tpu.memory_space<hbm>> -> memref<8x128xi32, #tpu.memory_space<hbm>>
        tpu.wait_dma2 semaphore(%arg11 : memref<!tpu.dma_semaphore, #tpu.memory_space<semaphore_mem>>) src(%dma_wait3A_663 : memref<8x128xi32, #tpu.memory_space<hbm>>) dst(%dma_wait3A_660 : memref<8x128xi32, #tpu.memory_space<vmem>>)
        %dma_wait3A_664 = arith.constant 0 : i32
        %dma_wait3A_665 = arith.constant 0 : i32
        %dma_wait3A_666 = arith.constant 0 : i32
        %dma_wait3A_667 = tpu.memref_slice %arg7[%dma_wait3A_664, %dma_wait3A_665, %dma_wait3A_666] : memref<2x8x128xi32, #tpu.memory_space<vmem>> -> memref<1x8x128xi32, #tpu.memory_space<vmem>>
        %dma_wait3A_668 = tpu.memref_squeeze %dma_wait3A_667 : memref<1x8x128xi32, #tpu.memory_space<vmem>> -> memref<8x128xi32, #tpu.memory_space<vmem>>
        %dma_wait3A_669 = arith.constant 0 : i32
        %dma_wait3A_670 = arith.constant 0 : i32
        %dma_wait3A_671 = tpu.memref_slice %arg4[%dma_wait3A_669, %dma_wait3A_670] : memref<2560x128xi32, #tpu.memory_space<hbm>> -> memref<8x128xi32, #tpu.memory_space<hbm>>
        %dma_wait3A_672 = arith.constant 0 : i32
        %dma_wait3A_673 = arith.constant 0 : i32
        %dma_wait3A_674 = tpu.memref_slice %arg7[%dma_wait3A_664, %dma_wait3A_672, %dma_wait3A_673] : memref<2x8x128xi32, #tpu.memory_space<vmem>> -> memref<1x8x128xi32, #tpu.memory_space<vmem>>
        %dma_wait3A_675 = tpu.memref_squeeze %dma_wait3A_674 : memref<1x8x128xi32, #tpu.memory_space<vmem>> -> memref<8x128xi32, #tpu.memory_space<vmem>>
        %dma_wait3A_676 = arith.constant 0 : i32
        %dma_wait3A_677 = arith.constant 0 : i32
        %dma_wait3A_678 = tpu.memref_slice %arg4[%dma_wait3A_676, %dma_wait3A_677] : memref<2560x128xi32, #tpu.memory_space<hbm>> -> memref<8x128xi32, #tpu.memory_space<hbm>>
        tpu.wait_dma2 semaphore(%arg11 : memref<!tpu.dma_semaphore, #tpu.memory_space<semaphore_mem>>) src(%dma_wait3A_678 : memref<8x128xi32, #tpu.memory_space<hbm>>) dst(%dma_wait3A_675 : memref<8x128xi32, #tpu.memory_space<vmem>>)
      } else {
      }
      %lt3A_631 = arith.constant 9 : i32
      %lt3A_632 = arith.cmpi slt, %add3A_397, %lt3A_631 : i32
      %add3A_633 = arith.constant 1 : i32
      %add3A_634 = arith.addi %add3A_610, %add3A_633 : i32
      %lt3A_635 = arith.constant 2500 : i32
      %lt3A_636 = arith.cmpi slt, %add3A_634, %lt3A_635 : i32
      %and3A_637 = arith.andi %lt3A_632, %lt3A_636 : i1
      %convert_element_type3A_638 = arith.extui %and3A_637 : i1 to i32
      %cond3A_639 = arith.constant 0 : i32
      %cond3A_640 = arith.cmpi ne, %convert_element_type3A_638, %cond3A_639 : i32
      scf.if %cond3A_640 {
        %dma_start3A_649 = arith.constant 0 : i32
        %dma_start3A_650 = arith.constant 0 : i32
        %dma_start3A_651 = arith.constant 0 : i32
        %dma_start3A_652 = arith.constant 0 : i32
        %dma_start3A_653 = arith.constant 0 : i32
        %dma_start3A_654 = tpu.memref_slice %arg8[%dma_start3A_651, %dma_start3A_652, %dma_start3A_653] : memref<2x128x128xf32, #tpu.memory_space<vmem>> -> memref<1x128x128xf32, #tpu.memory_space<vmem>>
        %dma_start3A_655 = tpu.memref_squeeze %dma_start3A_654 : memref<1x128x128xf32, #tpu.memory_space<vmem>> -> memref<128x128xf32, #tpu.memory_space<vmem>>
        %dma_start3A_656 = arith.constant 0 : i32
        %dma_start3A_657 = tpu.memref_slice %arg6[%dma_start3A_649, %dma_start3A_650, %dma_start3A_656] : memref<2x8x128xi32, #tpu.memory_space<vmem>> -> memref<1x1x128xi32, #tpu.memory_space<vmem>>
        %dma_start3A_658 = tpu.memref_squeeze %dma_start3A_657 : memref<1x1x128xi32, #tpu.memory_space<vmem>> -> memref<128xi32, #tpu.memory_space<vmem>>
        %dma_start3A_659 = arith.constant 0 : i32
        %dma_start3A_660 = arith.constant 0 : i32
        %dma_start3A_661 = tpu.memref_slice %arg2[%dma_start3A_659, %dma_start3A_660] : memref<10240x128xf32, #tpu.memory_space<hbm>> -> memref<10240x128xf32, #tpu.memory_space<hbm>>
        tpu.enqueue_indirect_dma source(%dma_start3A_661 : memref<10240x128xf32, #tpu.memory_space<hbm>>) target(%dma_start3A_655 : memref<128x128xf32, #tpu.memory_space<vmem>>) offsets(%dma_start3A_658 : memref<128xi32, #tpu.memory_space<vmem>>) semaphore(%arg13 : memref<!tpu.dma_semaphore, #tpu.memory_space<semaphore_mem>>)
      } else {
      }
      %add3A_641 = arith.constant 2 : i32
      %add3A_642 = arith.addi %add3A_397, %add3A_641 : i32
      %lt3A_643 = arith.constant 10 : i32
      %lt3A_644 = arith.cmpi slt, %add3A_642, %lt3A_643 : i32
      %convert_element_type3A_645 = arith.extui %lt3A_644 : i1 to i32
      %cond3A_646 = arith.constant 0 : i32
      %cond3A_647 = arith.cmpi ne, %convert_element_type3A_645, %cond3A_646 : i32
      scf.if %cond3A_647 {
        %add3A_649 = arith.constant 2 : i32
        %add3A_650 = arith.addi %add3A_397, %add3A_649 : i32
        %mul3A_651 = arith.constant 80 : i32
        %mul3A_652 = arith.muli %add3A, %mul3A_651 : i32
        %mul3A_653 = arith.constant 8 : i32
        %mul3A_654 = arith.muli %add3A_650, %mul3A_653 : i32
        %add3A_655 = arith.addi %mul3A_652, %mul3A_654 : i32
        %dma_start3A_656 = arith.constant 1 : i32
        %dma_start3A_657 = arith.constant 0 : i32
        %dma_start3A_658 = arith.constant 0 : i32
        %dma_start3A_659 = tpu.memref_slice %arg6[%dma_start3A_656, %dma_start3A_657, %dma_start3A_658] : memref<2x8x128xi32, #tpu.memory_space<vmem>> -> memref<1x8x128xi32, #tpu.memory_space<vmem>>
        %dma_start3A_660 = tpu.memref_squeeze %dma_start3A_659 : memref<1x8x128xi32, #tpu.memory_space<vmem>> -> memref<8x128xi32, #tpu.memory_space<vmem>>
        %dma_start3A_661 = arith.constant 0 : i32
        %dma_start3A_662 = tpu.memref_slice %arg3[%add3A_655, %dma_start3A_661] : memref<2560x128xi32, #tpu.memory_space<hbm>> -> memref<8x128xi32, #tpu.memory_space<hbm>>
        %dma_start3A_663 = arith.constant 0 : i32
        %dma_start3A_664 = arith.constant 0 : i32
        %dma_start3A_665 = tpu.memref_slice %arg6[%dma_start3A_656, %dma_start3A_663, %dma_start3A_664] : memref<2x8x128xi32, #tpu.memory_space<vmem>> -> memref<1x8x128xi32, #tpu.memory_space<vmem>>
        %dma_start3A_666 = tpu.memref_squeeze %dma_start3A_665 : memref<1x8x128xi32, #tpu.memory_space<vmem>> -> memref<8x128xi32, #tpu.memory_space<vmem>>
        %dma_start3A_667 = arith.constant 0 : i32
        %dma_start3A_668 = tpu.memref_slice %arg3[%add3A_655, %dma_start3A_667] : memref<2560x128xi32, #tpu.memory_space<hbm>> -> memref<8x128xi32, #tpu.memory_space<hbm>>
        tpu.enqueue_dma source(%dma_start3A_668 : memref<8x128xi32, #tpu.memory_space<hbm>>) target(%dma_start3A_666 : memref<8x128xi32, #tpu.memory_space<vmem>>) target_semaphore(%arg12 : memref<!tpu.dma_semaphore, #tpu.memory_space<semaphore_mem>>)
        %dma_start3A_669 = arith.constant 1 : i32
        %dma_start3A_670 = arith.constant 0 : i32
        %dma_start3A_671 = arith.constant 0 : i32
        %dma_start3A_672 = tpu.memref_slice %arg7[%dma_start3A_669, %dma_start3A_670, %dma_start3A_671] : memref<2x8x128xi32, #tpu.memory_space<vmem>> -> memref<1x8x128xi32, #tpu.memory_space<vmem>>
        %dma_start3A_673 = tpu.memref_squeeze %dma_start3A_672 : memref<1x8x128xi32, #tpu.memory_space<vmem>> -> memref<8x128xi32, #tpu.memory_space<vmem>>
        %dma_start3A_674 = arith.constant 0 : i32
        %dma_start3A_675 = tpu.memref_slice %arg4[%add3A_655, %dma_start3A_674] : memref<2560x128xi32, #tpu.memory_space<hbm>> -> memref<8x128xi32, #tpu.memory_space<hbm>>
        %dma_start3A_676 = arith.constant 0 : i32
        %dma_start3A_677 = arith.constant 0 : i32
        %dma_start3A_678 = tpu.memref_slice %arg7[%dma_start3A_669, %dma_start3A_676, %dma_start3A_677] : memref<2x8x128xi32, #tpu.memory_space<vmem>> -> memref<1x8x128xi32, #tpu.memory_space<vmem>>
        %dma_start3A_679 = tpu.memref_squeeze %dma_start3A_678 : memref<1x8x128xi32, #tpu.memory_space<vmem>> -> memref<8x128xi32, #tpu.memory_space<vmem>>
        %dma_start3A_680 = arith.constant 0 : i32
        %dma_start3A_681 = tpu.memref_slice %arg4[%add3A_655, %dma_start3A_680] : memref<2560x128xi32, #tpu.memory_space<hbm>> -> memref<8x128xi32, #tpu.memory_space<hbm>>
        tpu.enqueue_dma source(%dma_start3A_681 : memref<8x128xi32, #tpu.memory_space<hbm>>) target(%dma_start3A_679 : memref<8x128xi32, #tpu.memory_space<vmem>>) target_semaphore(%arg12 : memref<!tpu.dma_semaphore, #tpu.memory_space<semaphore_mem>>)
      } else {
      }
      %scan3A_648 = arith.constant 0 : i32
      scf.yield %scan3A_648 : i32
    }
    %scan3A_121 = arith.constant 5 : i32
    %dma_wait3A_122 = arith.constant 0 : i32
    %dma_wait3A_123 = arith.constant 0 : i32
    %dma_wait3A_124 = arith.constant 0 : i32
    %dma_wait3A_125 = arith.constant 0 : i32
    %dma_wait3A_126 = arith.constant 0 : i32
    %dma_wait3A_127 = tpu.memref_slice %arg8[%dma_wait3A_122, %dma_wait3A_125, %dma_wait3A_126] : memref<2x128x128xf32, #tpu.memory_space<vmem>> -> memref<1x128x128xf32, #tpu.memory_space<vmem>>
    %dma_wait3A_128 = tpu.memref_squeeze %dma_wait3A_127 : memref<1x128x128xf32, #tpu.memory_space<vmem>> -> memref<128x128xf32, #tpu.memory_space<vmem>>
    %dma_wait3A_129 = arith.constant 0 : i32
    %dma_wait3A_130 = tpu.memref_slice %arg7[%dma_wait3A_123, %dma_wait3A_124, %dma_wait3A_129] : memref<2x8x128xi32, #tpu.memory_space<vmem>> -> memref<1x1x128xi32, #tpu.memory_space<vmem>>
    %dma_wait3A_131 = tpu.memref_squeeze %dma_wait3A_130 : memref<1x1x128xi32, #tpu.memory_space<vmem>> -> memref<128xi32, #tpu.memory_space<vmem>>
    %dma_wait3A_132 = arith.constant 0 : i32
    %dma_wait3A_133 = arith.constant 0 : i32
    %dma_wait3A_134 = tpu.memref_slice %arg10[%dma_wait3A_132, %dma_wait3A_133] : memref<10000x128xf32, #tpu.memory_space<vmem_shared>> -> memref<10000x128xf32, #tpu.memory_space<vmem_shared>>
    tpu.wait_indirect_dma semaphore(%arg14 : memref<!tpu.dma_semaphore, #tpu.memory_space<semaphore_mem>>) src(%dma_wait3A_128 : memref<128x128xf32, #tpu.memory_space<vmem>>) dst(%dma_wait3A_134 : memref<10000x128xf32, #tpu.memory_space<vmem_shared>>)
    %barrier3A_135 = arith.constant 0 : index
    tpu.barrier barrier_id(%barrier3A_135)
    %scan3A_136 = arith.constant 0 : i32
    %scan3A_137 = arith.constant 0 : i32
    %scan3A_138 = arith.constant 10 : i32
    %scan3A_139 = arith.addi %scan3A_137, %scan3A_138 : i32
    %scan3A_140 = arith.constant 1 : i32
    %scan3A_141 = scf.for %scan3A_143 = %scan3A_137 to %scan3A_139 step %scan3A_140 iter_args(%scan3A_144 = %scan3A_136) -> (i32)  : i32 {
      %scan3A_145 = arith.constant 0 : i32
      %scan3A_146 = arith.constant 0 : i32
      %scan3A_147 = arith.constant 8 : i32
      %scan3A_148 = arith.addi %scan3A_146, %scan3A_147 : i32
      %scan3A_149 = arith.constant 1 : i32
      %scan3A_150 = scf.for %scan3A_160 = %scan3A_146 to %scan3A_148 step %scan3A_149 iter_args(%scan3A_161 = %scan3A_145) -> (i32)  : i32 {
        %mul3A_162 = arith.constant 8 : i32
        %mul3A_163 = arith.muli %scan3A_143, %mul3A_162 : i32
        %add3A_164 = arith.addi %mul3A_163, %scan3A_160 : i32
        %mul3A_165 = arith.constant 16 : i32
        %mul3A_166 = arith.muli %add3A_164, %mul3A_165 : i32
        %add3A_167 = arith.addi %mul3A_166, %arg1 : i32
        %lt3A = arith.constant 1250 : i32
        %lt3A_168 = arith.cmpi slt, %add3A_167, %lt3A : i32
        %convert_element_type3A = arith.extui %lt3A_168 : i1 to i32
        %cond3A = arith.constant 0 : i32
        %cond3A_169 = arith.cmpi ne, %convert_element_type3A, %cond3A : i32
        scf.if %cond3A_169 {
          %mul3A_171 = arith.constant 8 : i32
          %mul3A_172 = arith.muli %add3A_167, %mul3A_171 : i32
          %mul3A_173 = arith.constant 8 : i32
          %mul3A_174 = arith.muli %add3A_167, %mul3A_173 : i32
          %dma_start3A_175 = arith.constant 0 : i32
          %dma_start3A_176 = tpu.memref_slice %arg5[%arg0, %mul3A_174, %dma_start3A_175] : memref<2x10000x128xf32, #tpu.memory_space<hbm>> -> memref<1x8x128xf32, #tpu.memory_space<hbm>>
          %dma_start3A_177 = tpu.memref_squeeze %dma_start3A_176 : memref<1x8x128xf32, #tpu.memory_space<hbm>> -> memref<8x128xf32, #tpu.memory_space<hbm>>
          %dma_start3A_178 = arith.constant 0 : i32
          %dma_start3A_179 = tpu.memref_slice %arg10[%mul3A_172, %dma_start3A_178] : memref<10000x128xf32, #tpu.memory_space<vmem_shared>> -> memref<8x128xf32, #tpu.memory_space<vmem_shared>>
          tpu.enqueue_dma source(%dma_start3A_179 : memref<8x128xf32, #tpu.memory_space<vmem_shared>>) target(%dma_start3A_177 : memref<8x128xf32, #tpu.memory_space<hbm>>) target_semaphore(%arg13 : memref<!tpu.dma_semaphore, #tpu.memory_space<semaphore_mem>>)
        } else {
        }
        %scan3A_170 = arith.constant 0 : i32
        scf.yield %scan3A_170 : i32
      }
      %scan3A_151 = arith.constant 8 : i32
      %scan3A_152 = arith.constant 0 : i32
      %scan3A_153 = arith.constant 0 : i32
      %scan3A_154 = arith.constant 8 : i32
      %scan3A_155 = arith.addi %scan3A_153, %scan3A_154 : i32
      %scan3A_156 = arith.constant 1 : i32
      %scan3A_157 = scf.for %scan3A_160 = %scan3A_153 to %scan3A_155 step %scan3A_156 iter_args(%scan3A_161 = %scan3A_152) -> (i32)  : i32 {
        %mul3A_162 = arith.constant 8 : i32
        %mul3A_163 = arith.muli %scan3A_143, %mul3A_162 : i32
        %add3A_164 = arith.addi %mul3A_163, %scan3A_160 : i32
        %mul3A_165 = arith.constant 16 : i32
        %mul3A_166 = arith.muli %add3A_164, %mul3A_165 : i32
        %add3A_167 = arith.addi %mul3A_166, %arg1 : i32
        %lt3A = arith.constant 1250 : i32
        %lt3A_168 = arith.cmpi slt, %add3A_167, %lt3A : i32
        %convert_element_type3A = arith.extui %lt3A_168 : i1 to i32
        %cond3A = arith.constant 0 : i32
        %cond3A_169 = arith.cmpi ne, %convert_element_type3A, %cond3A : i32
        scf.if %cond3A_169 {
          %dma_wait3A_171 = arith.constant 0 : i32
          %dma_wait3A_172 = arith.constant 0 : i32
          %dma_wait3A_173 = tpu.memref_slice %arg5[%arg0, %dma_wait3A_171, %dma_wait3A_172] : memref<2x10000x128xf32, #tpu.memory_space<hbm>> -> memref<1x8x128xf32, #tpu.memory_space<hbm>>
          %dma_wait3A_174 = tpu.memref_squeeze %dma_wait3A_173 : memref<1x8x128xf32, #tpu.memory_space<hbm>> -> memref<8x128xf32, #tpu.memory_space<hbm>>
          %dma_wait3A_175 = arith.constant 0 : i32
          %dma_wait3A_176 = arith.constant 0 : i32
          %dma_wait3A_177 = tpu.memref_slice %arg10[%dma_wait3A_175, %dma_wait3A_176] : memref<10000x128xf32, #tpu.memory_space<vmem_shared>> -> memref<8x128xf32, #tpu.memory_space<vmem_shared>>
          tpu.wait_dma2 semaphore(%arg13 : memref<!tpu.dma_semaphore, #tpu.memory_space<semaphore_mem>>) src(%dma_wait3A_177 : memref<8x128xf32, #tpu.memory_space<vmem_shared>>) dst(%dma_wait3A_174 : memref<8x128xf32, #tpu.memory_space<hbm>>)
        } else {
        }
        %scan3A_170 = arith.constant 0 : i32
        scf.yield %scan3A_170 : i32
      }
      %scan3A_158 = arith.constant 8 : i32
      %scan3A_159 = arith.constant 0 : i32
      scf.yield %scan3A_159 : i32
    }
    %scan3A_142 = arith.constant 10 : i32
    return
  }
}

#map = affine_map<(d0, d1) -> (0, 0)>
#map1 = affine_map<(d0, d1) -> (0, 0, 0)>
module attributes {stable_mosaic.version = 14 : i64} {
  func.func @_degree_kernel(%arg0: i32, %arg1: i32, %arg2: memref<2560x128xi32, #tpu.memory_space<hbm>>, %arg3: memref<2560x128xi32, #tpu.memory_space<hbm>>, %arg4: memref<2x2x10240xf32, #tpu.memory_space<hbm>>, %arg5: memref<80x128xi32, #tpu.memory_space<vmem>>, %arg6: memref<80x128xi32, #tpu.memory_space<vmem>>, %arg7: memref<128xf32, #tpu.memory_space<vmem>>, %arg8: memref<640xf32, #tpu.memory_space<vmem>>, %arg9: memref<10240xf32, #tpu.memory_space<vmem_shared>>, %arg10: memref<10240xf32, #tpu.memory_space<vmem_shared>>, %arg11: memref<!tpu.dma_semaphore, #tpu.memory_space<semaphore_mem>>, %arg12: memref<!tpu.dma_semaphore, #tpu.memory_space<semaphore_mem>>) attributes {dimension_semantics = [#tpu.dimension_semantics<core_parallel>, #tpu.dimension_semantics<subcore_parallel>], iteration_bounds = array<i64: 2, 16>, scalar_prefetch = 0 : i64, scratch_operands = 8 : i64, tpu.core_type = #tpu.core_type<sc_vector_subcore>, window_params = [{transform_indices = #map}, {transform_indices = #map}, {transform_indices = #map1}]} {
    %mul3A = arith.constant 16 : i32
    %mul3A_0 = arith.muli %arg0, %mul3A : i32
    %add3A = arith.addi %mul3A_0, %arg1 : i32
    %mul3A_1 = arith.constant 80 : i32
    %mul3A_2 = arith.muli %add3A, %mul3A_1 : i32
    %dma_start3A = arith.constant 0 : i32
    %dma_start3A_3 = tpu.memref_slice %arg2[%mul3A_2, %dma_start3A] : memref<2560x128xi32, #tpu.memory_space<hbm>> -> memref<80x128xi32, #tpu.memory_space<hbm>>
    %dma_start3A_4 = arith.constant 0 : i32
    %dma_start3A_5 = tpu.memref_slice %arg2[%mul3A_2, %dma_start3A_4] : memref<2560x128xi32, #tpu.memory_space<hbm>> -> memref<80x128xi32, #tpu.memory_space<hbm>>
    tpu.enqueue_dma source(%dma_start3A_5 : memref<80x128xi32, #tpu.memory_space<hbm>>) target(%arg5 : memref<80x128xi32, #tpu.memory_space<vmem>>) target_semaphore(%arg11 : memref<!tpu.dma_semaphore, #tpu.memory_space<semaphore_mem>>)
    %mul3A_6 = arith.constant 80 : i32
    %mul3A_7 = arith.muli %add3A, %mul3A_6 : i32
    %dma_start3A_8 = arith.constant 0 : i32
    %dma_start3A_9 = tpu.memref_slice %arg3[%mul3A_7, %dma_start3A_8] : memref<2560x128xi32, #tpu.memory_space<hbm>> -> memref<80x128xi32, #tpu.memory_space<hbm>>
    %dma_start3A_10 = arith.constant 0 : i32
    %dma_start3A_11 = tpu.memref_slice %arg3[%mul3A_7, %dma_start3A_10] : memref<2560x128xi32, #tpu.memory_space<hbm>> -> memref<80x128xi32, #tpu.memory_space<hbm>>
    tpu.enqueue_dma source(%dma_start3A_11 : memref<80x128xi32, #tpu.memory_space<hbm>>) target(%arg6 : memref<80x128xi32, #tpu.memory_space<vmem>>) target_semaphore(%arg11 : memref<!tpu.dma_semaphore, #tpu.memory_space<semaphore_mem>>)
    %scan3A = arith.constant 0 : i32
    %scan3A_12 = arith.constant 0 : i32
    %scan3A_13 = arith.constant 40 : i32
    %scan3A_14 = arith.addi %scan3A_12, %scan3A_13 : i32
    %scan3A_15 = arith.constant 1 : i32
    %scan3A_16 = scf.for %scan3A_57 = %scan3A_12 to %scan3A_14 step %scan3A_15 iter_args(%scan3A_58 = %scan3A) -> (i32)  : i32 {
      %broadcast_in_dim3A = arith.constant 0.000000e+00 : f32
      %broadcast_in_dim3A_59 = vector.broadcast %broadcast_in_dim3A : f32 to vector<16xf32>
      %mul3A_60 = arith.constant 16 : i32
      %mul3A_61 = arith.muli %scan3A_57, %mul3A_60 : i32
      %swap3A = arith.index_cast %mul3A_61 : i32 to index
      %swap3A_62 = tpu.vector_load %arg8[%swap3A] {strides = array<i32>} : memref<640xf32, #tpu.memory_space<vmem>>, vector<16xf32>,
      %swap3A_63 = vector.shape_cast %swap3A_62 : vector<16xf32> to vector<16xf32>
      %swap3A_64 = vector.shape_cast %broadcast_in_dim3A_59 : vector<16xf32> to vector<16xf32>
      tpu.vector_store %arg8[%swap3A], %swap3A_64 {strides = array<i32>} : memref<640xf32, #tpu.memory_space<vmem>>, vector<16xf32>,
      %scan3A_65 = arith.constant 0 : i32
      scf.yield %scan3A_65 : i32
    }
    %scan3A_17 = arith.constant 40 : i32
    %scan3A_18 = arith.constant 0 : i32
    %scan3A_19 = arith.constant 0 : i32
    %scan3A_20 = arith.constant 8 : i32
    %scan3A_21 = arith.addi %scan3A_19, %scan3A_20 : i32
    %scan3A_22 = arith.constant 1 : i32
    %scan3A_23 = scf.for %scan3A_57 = %scan3A_19 to %scan3A_21 step %scan3A_22 iter_args(%scan3A_58 = %scan3A_18) -> (i32)  : i32 {
      %broadcast_in_dim3A = arith.constant 1.000000e+00 : f32
      %broadcast_in_dim3A_59 = vector.broadcast %broadcast_in_dim3A : f32 to vector<16xf32>
      %mul3A_60 = arith.constant 16 : i32
      %mul3A_61 = arith.muli %scan3A_57, %mul3A_60 : i32
      %swap3A = arith.index_cast %mul3A_61 : i32 to index
      %swap3A_62 = tpu.vector_load %arg7[%swap3A] {strides = array<i32>} : memref<128xf32, #tpu.memory_space<vmem>>, vector<16xf32>,
      %swap3A_63 = vector.shape_cast %swap3A_62 : vector<16xf32> to vector<16xf32>
      %swap3A_64 = vector.shape_cast %broadcast_in_dim3A_59 : vector<16xf32> to vector<16xf32>
      tpu.vector_store %arg7[%swap3A], %swap3A_64 {strides = array<i32>} : memref<128xf32, #tpu.memory_space<vmem>>, vector<16xf32>,
      %scan3A_65 = arith.constant 0 : i32
      scf.yield %scan3A_65 : i32
    }
    %scan3A_24 = arith.constant 8 : i32
    %mul3A_25 = arith.constant 640 : i32
    %mul3A_26 = arith.muli %arg1, %mul3A_25 : i32
    "tpu.region"() ({
      %run_scoped3A_57 = tpu.sem_alloc : memref<!tpu.dma_semaphore, #tpu.memory_space<semaphore_mem>>
      %dma_start3A_58 = tpu.memref_slice %arg9[%mul3A_26] : memref<10240xf32, #tpu.memory_space<vmem_shared>> -> memref<640xf32, #tpu.memory_space<vmem_shared>>
      %dma_start3A_59 = tpu.memref_slice %arg9[%mul3A_26] : memref<10240xf32, #tpu.memory_space<vmem_shared>> -> memref<640xf32, #tpu.memory_space<vmem_shared>>
      tpu.enqueue_dma source(%arg8 : memref<640xf32, #tpu.memory_space<vmem>>) target(%dma_start3A_59 : memref<640xf32, #tpu.memory_space<vmem_shared>>) target_semaphore(%run_scoped3A_57 : memref<!tpu.dma_semaphore, #tpu.memory_space<semaphore_mem>>)
      %dma_wait3A_60 = tpu.memref_slice %arg9[%mul3A_26] : memref<10240xf32, #tpu.memory_space<vmem_shared>> -> memref<640xf32, #tpu.memory_space<vmem_shared>>
      %dma_wait3A_61 = tpu.memref_slice %arg9[%mul3A_26] : memref<10240xf32, #tpu.memory_space<vmem_shared>> -> memref<640xf32, #tpu.memory_space<vmem_shared>>
      tpu.wait_dma2 semaphore(%run_scoped3A_57 : memref<!tpu.dma_semaphore, #tpu.memory_space<semaphore_mem>>) src(%arg8 : memref<640xf32, #tpu.memory_space<vmem>>) dst(%dma_wait3A_61 : memref<640xf32, #tpu.memory_space<vmem_shared>>)
      tpu.yield
    }) : () -> ()
    %mul3A_27 = arith.constant 640 : i32
    %mul3A_28 = arith.muli %arg1, %mul3A_27 : i32
    "tpu.region"() ({
      %run_scoped3A_57 = tpu.sem_alloc : memref<!tpu.dma_semaphore, #tpu.memory_space<semaphore_mem>>
      %dma_start3A_58 = tpu.memref_slice %arg10[%mul3A_28] : memref<10240xf32, #tpu.memory_space<vmem_shared>> -> memref<640xf32, #tpu.memory_space<vmem_shared>>
      %dma_start3A_59 = tpu.memref_slice %arg10[%mul3A_28] : memref<10240xf32, #tpu.memory_space<vmem_shared>> -> memref<640xf32, #tpu.memory_space<vmem_shared>>
      tpu.enqueue_dma source(%arg8 : memref<640xf32, #tpu.memory_space<vmem>>) target(%dma_start3A_59 : memref<640xf32, #tpu.memory_space<vmem_shared>>) target_semaphore(%run_scoped3A_57 : memref<!tpu.dma_semaphore, #tpu.memory_space<semaphore_mem>>)
      %dma_wait3A_60 = tpu.memref_slice %arg10[%mul3A_28] : memref<10240xf32, #tpu.memory_space<vmem_shared>> -> memref<640xf32, #tpu.memory_space<vmem_shared>>
      %dma_wait3A_61 = tpu.memref_slice %arg10[%mul3A_28] : memref<10240xf32, #tpu.memory_space<vmem_shared>> -> memref<640xf32, #tpu.memory_space<vmem_shared>>
      tpu.wait_dma2 semaphore(%run_scoped3A_57 : memref<!tpu.dma_semaphore, #tpu.memory_space<semaphore_mem>>) src(%arg8 : memref<640xf32, #tpu.memory_space<vmem>>) dst(%dma_wait3A_61 : memref<640xf32, #tpu.memory_space<vmem_shared>>)
      tpu.yield
    }) : () -> ()
    %mul3A_29 = arith.constant 80 : i32
    %mul3A_30 = arith.muli %add3A, %mul3A_29 : i32
    %dma_wait3A = arith.constant 0 : i32
    %dma_wait3A_31 = tpu.memref_slice %arg2[%mul3A_30, %dma_wait3A] : memref<2560x128xi32, #tpu.memory_space<hbm>> -> memref<80x128xi32, #tpu.memory_space<hbm>>
    %dma_wait3A_32 = arith.constant 0 : i32
    %dma_wait3A_33 = tpu.memref_slice %arg2[%mul3A_30, %dma_wait3A_32] : memref<2560x128xi32, #tpu.memory_space<hbm>> -> memref<80x128xi32, #tpu.memory_space<hbm>>
    tpu.wait_dma2 semaphore(%arg11 : memref<!tpu.dma_semaphore, #tpu.memory_space<semaphore_mem>>) src(%dma_wait3A_33 : memref<80x128xi32, #tpu.memory_space<hbm>>) dst(%arg5 : memref<80x128xi32, #tpu.memory_space<vmem>>)
    %mul3A_34 = arith.constant 80 : i32
    %mul3A_35 = arith.muli %add3A, %mul3A_34 : i32
    %dma_wait3A_36 = arith.constant 0 : i32
    %dma_wait3A_37 = tpu.memref_slice %arg3[%mul3A_35, %dma_wait3A_36] : memref<2560x128xi32, #tpu.memory_space<hbm>> -> memref<80x128xi32, #tpu.memory_space<hbm>>
    %dma_wait3A_38 = arith.constant 0 : i32
    %dma_wait3A_39 = tpu.memref_slice %arg3[%mul3A_35, %dma_wait3A_38] : memref<2560x128xi32, #tpu.memory_space<hbm>> -> memref<80x128xi32, #tpu.memory_space<hbm>>
    tpu.wait_dma2 semaphore(%arg11 : memref<!tpu.dma_semaphore, #tpu.memory_space<semaphore_mem>>) src(%dma_wait3A_39 : memref<80x128xi32, #tpu.memory_space<hbm>>) dst(%arg6 : memref<80x128xi32, #tpu.memory_space<vmem>>)
    %barrier3A = arith.constant 0 : index
    tpu.barrier barrier_id(%barrier3A)
    %scan3A_40 = arith.constant 0 : i32
    %scan3A_41 = arith.constant 0 : i32
    %scan3A_42 = arith.constant 10 : i32
    %scan3A_43 = arith.addi %scan3A_41, %scan3A_42 : i32
    %scan3A_44 = arith.constant 1 : i32
    %scan3A_45 = scf.for %scan3A_57 = %scan3A_41 to %scan3A_43 step %scan3A_44 iter_args(%scan3A_58 = %scan3A_40) -> (i32)  : i32 {
      %scan3A_59 = arith.constant 0 : i32
      %scan3A_60 = arith.constant 0 : i32
      %scan3A_61 = arith.constant 8 : i32
      %scan3A_62 = arith.addi %scan3A_60, %scan3A_61 : i32
      %scan3A_63 = arith.constant 1 : i32
      %scan3A_64 = scf.for %scan3A_74 = %scan3A_60 to %scan3A_62 step %scan3A_63 iter_args(%scan3A_75 = %scan3A_59) -> (i32)  : i32 {
        %mul3A_76 = arith.constant 8 : i32
        %mul3A_77 = arith.muli %scan3A_57, %mul3A_76 : i32
        %add3A_78 = arith.addi %mul3A_77, %scan3A_74 : i32
        %mul3A_79 = arith.constant 80 : i32
        %mul3A_80 = arith.muli %add3A, %mul3A_79 : i32
        %add3A_81 = arith.addi %mul3A_80, %add3A_78 : i32
        %lt3A = arith.constant 2500 : i32
        %lt3A_82 = arith.cmpi slt, %add3A_81, %lt3A : i32
        %convert_element_type3A = arith.extui %lt3A_82 : i1 to i32
        %cond3A = arith.constant 0 : i32
        %cond3A_83 = arith.cmpi ne, %convert_element_type3A, %cond3A : i32
        scf.if %cond3A_83 {
          %dma_start3A_85 = arith.constant 0 : i32
          %dma_start3A_86 = tpu.memref_slice %arg5[%add3A_78, %dma_start3A_85] : memref<80x128xi32, #tpu.memory_space<vmem>> -> memref<1x128xi32, #tpu.memory_space<vmem>>
          %dma_start3A_87 = tpu.memref_squeeze %dma_start3A_86 : memref<1x128xi32, #tpu.memory_space<vmem>> -> memref<128xi32, #tpu.memory_space<vmem>>
          %dma_start3A_88 = arith.constant 0 : i32
          %dma_start3A_89 = tpu.memref_slice %arg9[%dma_start3A_88] : memref<10240xf32, #tpu.memory_space<vmem_shared>> -> memref<10240xf32, #tpu.memory_space<vmem_shared>>
          tpu.enqueue_indirect_dma source(%arg7 : memref<128xf32, #tpu.memory_space<vmem>>) target(%dma_start3A_89 : memref<10240xf32, #tpu.memory_space<vmem_shared>>) offsets(%dma_start3A_87 : memref<128xi32, #tpu.memory_space<vmem>>) semaphore(%arg12 : memref<!tpu.dma_semaphore, #tpu.memory_space<semaphore_mem>>) {add = true}
          %dma_start3A_90 = arith.constant 0 : i32
          %dma_start3A_91 = tpu.memref_slice %arg6[%add3A_78, %dma_start3A_90] : memref<80x128xi32, #tpu.memory_space<vmem>> -> memref<1x128xi32, #tpu.memory_space<vmem>>
          %dma_start3A_92 = tpu.memref_squeeze %dma_start3A_91 : memref<1x128xi32, #tpu.memory_space<vmem>> -> memref<128xi32, #tpu.memory_space<vmem>>
          %dma_start3A_93 = arith.constant 0 : i32
          %dma_start3A_94 = tpu.memref_slice %arg10[%dma_start3A_93] : memref<10240xf32, #tpu.memory_space<vmem_shared>> -> memref<10240xf32, #tpu.memory_space<vmem_shared>>
          tpu.enqueue_indirect_dma source(%arg7 : memref<128xf32, #tpu.memory_space<vmem>>) target(%dma_start3A_94 : memref<10240xf32, #tpu.memory_space<vmem_shared>>) offsets(%dma_start3A_92 : memref<128xi32, #tpu.memory_space<vmem>>) semaphore(%arg12 : memref<!tpu.dma_semaphore, #tpu.memory_space<semaphore_mem>>) {add = true}
        } else {
        }
        %scan3A_84 = arith.constant 0 : i32
        scf.yield %scan3A_84 : i32
      }
      %scan3A_65 = arith.constant 8 : i32
      %scan3A_66 = arith.constant 0 : i32
      %scan3A_67 = arith.constant 0 : i32
      %scan3A_68 = arith.constant 8 : i32
      %scan3A_69 = arith.addi %scan3A_67, %scan3A_68 : i32
      %scan3A_70 = arith.constant 1 : i32
      %scan3A_71 = scf.for %scan3A_74 = %scan3A_67 to %scan3A_69 step %scan3A_70 iter_args(%scan3A_75 = %scan3A_66) -> (i32)  : i32 {
        %mul3A_76 = arith.constant 8 : i32
        %mul3A_77 = arith.muli %scan3A_57, %mul3A_76 : i32
        %add3A_78 = arith.addi %mul3A_77, %scan3A_74 : i32
        %mul3A_79 = arith.constant 80 : i32
        %mul3A_80 = arith.muli %add3A, %mul3A_79 : i32
        %add3A_81 = arith.addi %mul3A_80, %add3A_78 : i32
        %lt3A = arith.constant 2500 : i32
        %lt3A_82 = arith.cmpi slt, %add3A_81, %lt3A : i32
        %convert_element_type3A = arith.extui %lt3A_82 : i1 to i32
        %cond3A = arith.constant 0 : i32
        %cond3A_83 = arith.cmpi ne, %convert_element_type3A, %cond3A : i32
        scf.if %cond3A_83 {
          %dma_wait3A_85 = arith.constant 0 : i32
          %dma_wait3A_86 = arith.constant 0 : i32
          %dma_wait3A_87 = tpu.memref_slice %arg5[%dma_wait3A_85, %dma_wait3A_86] : memref<80x128xi32, #tpu.memory_space<vmem>> -> memref<1x128xi32, #tpu.memory_space<vmem>>
          %dma_wait3A_88 = tpu.memref_squeeze %dma_wait3A_87 : memref<1x128xi32, #tpu.memory_space<vmem>> -> memref<128xi32, #tpu.memory_space<vmem>>
          %dma_wait3A_89 = arith.constant 0 : i32
          %dma_wait3A_90 = tpu.memref_slice %arg9[%dma_wait3A_89] : memref<10240xf32, #tpu.memory_space<vmem_shared>> -> memref<10240xf32, #tpu.memory_space<vmem_shared>>
          tpu.wait_indirect_dma semaphore(%arg12 : memref<!tpu.dma_semaphore, #tpu.memory_space<semaphore_mem>>) src(%arg7 : memref<128xf32, #tpu.memory_space<vmem>>) dst(%dma_wait3A_90 : memref<10240xf32, #tpu.memory_space<vmem_shared>>)
          %dma_wait3A_91 = arith.constant 0 : i32
          %dma_wait3A_92 = arith.constant 0 : i32
          %dma_wait3A_93 = tpu.memref_slice %arg6[%dma_wait3A_91, %dma_wait3A_92] : memref<80x128xi32, #tpu.memory_space<vmem>> -> memref<1x128xi32, #tpu.memory_space<vmem>>
          %dma_wait3A_94 = tpu.memref_squeeze %dma_wait3A_93 : memref<1x128xi32, #tpu.memory_space<vmem>> -> memref<128xi32, #tpu.memory_space<vmem>>
          %dma_wait3A_95 = arith.constant 0 : i32
          %dma_wait3A_96 = tpu.memref_slice %arg10[%dma_wait3A_95] : memref<10240xf32, #tpu.memory_space<vmem_shared>> -> memref<10240xf32, #tpu.memory_space<vmem_shared>>
          tpu.wait_indirect_dma semaphore(%arg12 : memref<!tpu.dma_semaphore, #tpu.memory_space<semaphore_mem>>) src(%arg7 : memref<128xf32, #tpu.memory_space<vmem>>) dst(%dma_wait3A_96 : memref<10240xf32, #tpu.memory_space<vmem_shared>>)
        } else {
        }
        %scan3A_84 = arith.constant 0 : i32
        scf.yield %scan3A_84 : i32
      }
      %scan3A_72 = arith.constant 8 : i32
      %scan3A_73 = arith.constant 0 : i32
      scf.yield %scan3A_73 : i32
    }
    %scan3A_46 = arith.constant 10 : i32
    %barrier3A_47 = arith.constant 0 : index
    tpu.barrier barrier_id(%barrier3A_47)
    %mul3A_48 = arith.constant 640 : i32
    %mul3A_49 = arith.muli %arg1, %mul3A_48 : i32
    %mul3A_50 = arith.constant 640 : i32
    %mul3A_51 = arith.muli %arg1, %mul3A_50 : i32
    %run_scoped3A = arith.constant 0 : i32
    "tpu.region"() ({
      %run_scoped3A_57 = tpu.sem_alloc : memref<!tpu.dma_semaphore, #tpu.memory_space<semaphore_mem>>
      %dma_start3A_58 = tpu.memref_slice %arg4[%arg0, %run_scoped3A, %mul3A_51] : memref<2x2x10240xf32, #tpu.memory_space<hbm>> -> memref<1x1x640xf32, #tpu.memory_space<hbm>>
      %dma_start3A_59 = tpu.memref_squeeze %dma_start3A_58 : memref<1x1x640xf32, #tpu.memory_space<hbm>> -> memref<640xf32, #tpu.memory_space<hbm>>
      %dma_start3A_60 = tpu.memref_slice %arg9[%mul3A_49] : memref<10240xf32, #tpu.memory_space<vmem_shared>> -> memref<640xf32, #tpu.memory_space<vmem_shared>>
      tpu.enqueue_dma source(%dma_start3A_60 : memref<640xf32, #tpu.memory_space<vmem_shared>>) target(%dma_start3A_59 : memref<640xf32, #tpu.memory_space<hbm>>) target_semaphore(%run_scoped3A_57 : memref<!tpu.dma_semaphore, #tpu.memory_space<semaphore_mem>>)
      %dma_wait3A_61 = tpu.memref_slice %arg4[%arg0, %run_scoped3A, %mul3A_51] : memref<2x2x10240xf32, #tpu.memory_space<hbm>> -> memref<1x1x640xf32, #tpu.memory_space<hbm>>
      %dma_wait3A_62 = tpu.memref_squeeze %dma_wait3A_61 : memref<1x1x640xf32, #tpu.memory_space<hbm>> -> memref<640xf32, #tpu.memory_space<hbm>>
      %dma_wait3A_63 = tpu.memref_slice %arg9[%mul3A_49] : memref<10240xf32, #tpu.memory_space<vmem_shared>> -> memref<640xf32, #tpu.memory_space<vmem_shared>>
      tpu.wait_dma2 semaphore(%run_scoped3A_57 : memref<!tpu.dma_semaphore, #tpu.memory_space<semaphore_mem>>) src(%dma_wait3A_63 : memref<640xf32, #tpu.memory_space<vmem_shared>>) dst(%dma_wait3A_62 : memref<640xf32, #tpu.memory_space<hbm>>)
      tpu.yield
    }) : () -> ()
    %mul3A_52 = arith.constant 640 : i32
    %mul3A_53 = arith.muli %arg1, %mul3A_52 : i32
    %mul3A_54 = arith.constant 640 : i32
    %mul3A_55 = arith.muli %arg1, %mul3A_54 : i32
    %run_scoped3A_56 = arith.constant 1 : i32
    "tpu.region"() ({
      %run_scoped3A_57 = tpu.sem_alloc : memref<!tpu.dma_semaphore, #tpu.memory_space<semaphore_mem>>
      %dma_start3A_58 = tpu.memref_slice %arg4[%arg0, %run_scoped3A_56, %mul3A_55] : memref<2x2x10240xf32, #tpu.memory_space<hbm>> -> memref<1x1x640xf32, #tpu.memory_space<hbm>>
      %dma_start3A_59 = tpu.memref_squeeze %dma_start3A_58 : memref<1x1x640xf32, #tpu.memory_space<hbm>> -> memref<640xf32, #tpu.memory_space<hbm>>
      %dma_start3A_60 = tpu.memref_slice %arg10[%mul3A_53] : memref<10240xf32, #tpu.memory_space<vmem_shared>> -> memref<640xf32, #tpu.memory_space<vmem_shared>>
      tpu.enqueue_dma source(%dma_start3A_60 : memref<640xf32, #tpu.memory_space<vmem_shared>>) target(%dma_start3A_59 : memref<640xf32, #tpu.memory_space<hbm>>) target_semaphore(%run_scoped3A_57 : memref<!tpu.dma_semaphore, #tpu.memory_space<semaphore_mem>>)
      %dma_wait3A_61 = tpu.memref_slice %arg4[%arg0, %run_scoped3A_56, %mul3A_55] : memref<2x2x10240xf32, #tpu.memory_space<hbm>> -> memref<1x1x640xf32, #tpu.memory_space<hbm>>
      %dma_wait3A_62 = tpu.memref_squeeze %dma_wait3A_61 : memref<1x1x640xf32, #tpu.memory_space<hbm>> -> memref<640xf32, #tpu.memory_space<hbm>>
      %dma_wait3A_63 = tpu.memref_slice %arg10[%mul3A_53] : memref<10240xf32, #tpu.memory_space<vmem_shared>> -> memref<640xf32, #tpu.memory_space<vmem_shared>>
      tpu.wait_dma2 semaphore(%run_scoped3A_57 : memref<!tpu.dma_semaphore, #tpu.memory_space<semaphore_mem>>) src(%dma_wait3A_63 : memref<640xf32, #tpu.memory_space<vmem_shared>>) dst(%dma_wait3A_62 : memref<640xf32, #tpu.memory_space<hbm>>)
      tpu.yield
    }) : () -> ()
    return
  }
}

module attributes {stable_mosaic.version = 14 : i64} {
  func.func @_finish_body(%arg0: i32, %arg1: memref<2x2x2048xf32, #tpu.memory_space<vmem>>, %arg2: memref<1x128xf32, #tpu.memory_space<vmem>>, %arg3: memref<2x2048x128xf32, #tpu.memory_space<vmem>>, %arg4: memref<2048x128xf32, #tpu.memory_space<vmem>>) attributes {dimension_semantics = [#tpu.dimension_semantics<arbitrary>], iteration_bounds = array<i64: 5>, scalar_prefetch = 0 : i64, scratch_operands = 0 : i64, tpu.core_type = #tpu.core_type<tc>, window_params = [{transform_indices = @transform_0, window_bounds = array<i64: 2, 2, 2048>}, {pipeline_mode = #tpu.pipeline_mode<synchronous>, transform_indices = @transform_1, window_bounds = array<i64: 1, 128>}, {transform_indices = @transform_2, window_bounds = array<i64: 2, 2048, 128>}, {transform_indices = @transform_3, window_bounds = array<i64: 2048, 128>}]} {
    %get3A = arith.constant 0 : index
    %get3A_0 = arith.constant 1 : index
    %get3A_1 = arith.constant 0 : index
    %get3A_2 = vector.load %arg1[%get3A, %get3A_0, %get3A_1] : memref<2x2x2048xf32, #tpu.memory_space<vmem>>, vector<1x1x2048xf32>
    %get3A_3 = vector.shape_cast %get3A_2 : vector<1x1x2048xf32> to vector<2048xf32>
    %get3A_4 = arith.constant 1 : index
    %get3A_5 = arith.constant 1 : index
    %get3A_6 = arith.constant 0 : index
    %get3A_7 = vector.load %arg1[%get3A_4, %get3A_5, %get3A_6] : memref<2x2x2048xf32, #tpu.memory_space<vmem>>, vector<1x1x2048xf32>
    %get3A_8 = vector.shape_cast %get3A_7 : vector<1x1x2048xf32> to vector<2048xf32>
    %add3A = arith.addf %get3A_3, %get3A_8 : vector<2048xf32>
    %max3A = arith.constant 1.000000e+00 : f32
    %max3A_9 = vector.broadcast %max3A : f32 to vector<2048xf32>
    %max3A_10 = arith.maximumf %add3A, %max3A_9 : vector<2048xf32>
    %rsqrt3A = math.rsqrt %max3A_10 : vector<2048xf32>
    %get3A_11 = arith.constant 0 : index
    %get3A_12 = arith.constant 0 : index
    %get3A_13 = arith.constant 0 : index
    %get3A_14 = vector.load %arg3[%get3A_11, %get3A_12, %get3A_13] : memref<2x2048x128xf32, #tpu.memory_space<vmem>>, vector<1x2048x128xf32>
    %get3A_15 = vector.shape_cast %get3A_14 : vector<1x2048x128xf32> to vector<2048x128xf32>
    %get3A_16 = arith.constant 1 : index
    %get3A_17 = arith.constant 0 : index
    %get3A_18 = arith.constant 0 : index
    %get3A_19 = vector.load %arg3[%get3A_16, %get3A_17, %get3A_18] : memref<2x2048x128xf32, #tpu.memory_space<vmem>>, vector<1x2048x128xf32>
    %get3A_20 = vector.shape_cast %get3A_19 : vector<1x2048x128xf32> to vector<2048x128xf32>
    %add3A_21 = arith.addf %get3A_15, %get3A_20 : vector<2048x128xf32>
    %broadcast_in_dim3A = vector.shape_cast %rsqrt3A : vector<2048xf32> to vector<2048x1xf32>
    %mul3A = vector.broadcast %broadcast_in_dim3A : vector<2048x1xf32> to vector<2048x128xf32>
    %mul3A_22 = arith.mulf %add3A_21, %mul3A : vector<2048x128xf32>
    %get3A_23 = arith.constant 0 : index
    %get3A_24 = arith.constant 0 : index
    %get3A_25 = vector.load %arg2[%get3A_23, %get3A_24] : memref<1x128xf32, #tpu.memory_space<vmem>>, vector<1x128xf32>
    %add3A_26 = vector.broadcast %get3A_25 : vector<1x128xf32> to vector<2048x128xf32>
    %add3A_27 = arith.addf %mul3A_22, %add3A_26 : vector<2048x128xf32>
    %swap3A = arith.constant 0 : index
    %swap3A_28 = arith.constant 0 : index
    %swap3A_29 = vector.load %arg4[%swap3A, %swap3A_28] : memref<2048x128xf32, #tpu.memory_space<vmem>>, vector<2048x128xf32>
    tpu.vector_store %arg4[%swap3A, %swap3A_28], %add3A_27 {strides = array<i32>} : memref<2048x128xf32, #tpu.memory_space<vmem>>, vector<2048x128xf32>,
    return
  }
  func.func @transform_0(%arg0: i32) -> (i32, i32, i32) {
    %c0_i32 = arith.constant 0 : i32
    %c0_i32_0 = arith.constant 0 : i32
    %c0_i32_1 = arith.constant 0 : i32
    return %c0_i32, %c0_i32_0, %arg0 : i32, i32, i32
  }
  func.func @transform_1(%arg0: i32) -> (i32, i32) {
    %c0_i32 = arith.constant 0 : i32
    %c0_i32_0 = arith.constant 0 : i32
    %c0_i32_1 = arith.constant 0 : i32
    return %c0_i32, %c0_i32_0 : i32, i32
  }
  func.func @transform_2(%arg0: i32) -> (i32, i32, i32) {
    %c0_i32 = arith.constant 0 : i32
    %c0_i32_0 = arith.constant 0 : i32
    %c0_i32_1 = arith.constant 0 : i32
    return %c0_i32, %arg0, %c0_i32_0 : i32, i32, i32
  }
  func.func @transform_3(%arg0: i32) -> (i32, i32) {
    %c0_i32 = arith.constant 0 : i32
    %c0_i32_0 = arith.constant 0 : i32
    return %arg0, %c0_i32 : i32, i32
  }
}

module attributes {stable_mosaic.version = 14 : i64} {
  func.func @_prescale_matmul_body(%arg0: i32, %arg1: memref<2x2x2048xf32, #tpu.memory_space<vmem>>, %arg2: memref<2048x128xf32, #tpu.memory_space<vmem>>, %arg3: memref<128x128xf32, #tpu.memory_space<vmem>>, %arg4: memref<2048x128xf32, #tpu.memory_space<vmem>>) attributes {dimension_semantics = [#tpu.dimension_semantics<arbitrary>], iteration_bounds = array<i64: 5>, scalar_prefetch = 0 : i64, scratch_operands = 0 : i64, tpu.core_type = #tpu.core_type<tc>, window_params = [{transform_indices = @transform_0, window_bounds = array<i64: 2, 2, 2048>}, {transform_indices = @transform_1, window_bounds = array<i64: 2048, 128>}, {pipeline_mode = #tpu.pipeline_mode<synchronous>, transform_indices = @transform_2, window_bounds = array<i64: 128, 128>}, {transform_indices = @transform_3, window_bounds = array<i64: 2048, 128>}]} {
    %get3A = arith.constant 0 : index
    %get3A_0 = arith.constant 0 : index
    %get3A_1 = arith.constant 0 : index
    %get3A_2 = vector.load %arg1[%get3A, %get3A_0, %get3A_1] : memref<2x2x2048xf32, #tpu.memory_space<vmem>>, vector<1x1x2048xf32>
    %get3A_3 = vector.shape_cast %get3A_2 : vector<1x1x2048xf32> to vector<2048xf32>
    %get3A_4 = arith.constant 1 : index
    %get3A_5 = arith.constant 0 : index
    %get3A_6 = arith.constant 0 : index
    %get3A_7 = vector.load %arg1[%get3A_4, %get3A_5, %get3A_6] : memref<2x2x2048xf32, #tpu.memory_space<vmem>>, vector<1x1x2048xf32>
    %get3A_8 = vector.shape_cast %get3A_7 : vector<1x1x2048xf32> to vector<2048xf32>
    %add3A = arith.addf %get3A_3, %get3A_8 : vector<2048xf32>
    %max3A = arith.constant 1.000000e+00 : f32
    %max3A_9 = vector.broadcast %max3A : f32 to vector<2048xf32>
    %max3A_10 = arith.maximumf %add3A, %max3A_9 : vector<2048xf32>
    %rsqrt3A = math.rsqrt %max3A_10 : vector<2048xf32>
    %get3A_11 = arith.constant 0 : index
    %get3A_12 = arith.constant 0 : index
    %get3A_13 = vector.load %arg2[%get3A_11, %get3A_12] : memref<2048x128xf32, #tpu.memory_space<vmem>>, vector<2048x128xf32>
    %broadcast_in_dim3A = vector.shape_cast %rsqrt3A : vector<2048xf32> to vector<2048x1xf32>
    %mul3A = vector.broadcast %broadcast_in_dim3A : vector<2048x1xf32> to vector<2048x128xf32>
    %mul3A_14 = arith.mulf %get3A_13, %mul3A : vector<2048x128xf32>
    %get3A_15 = arith.constant 0 : index
    %get3A_16 = arith.constant 0 : index
    %get3A_17 = vector.load %arg3[%get3A_15, %get3A_16] : memref<128x128xf32, #tpu.memory_space<vmem>>, vector<128x128xf32>
    %dot_general3A = arith.constant dense<0.000000e+00> : vector<2048x128xf32>
    %dot_general3A_18 = tpu.matmul %mul3A_14, %get3A_17, %dot_general3A {dimension_numbers = #tpu.dot_dimension_numbers<[1], [0], [0], [1], [0, 0, 1, 1], [], []>, transpose_lhs_hint = false} : vector<2048x128xf32>, vector<128x128xf32>, vector<2048x128xf32> -> vector<2048x128xf32>
    %swap3A = arith.constant 0 : index
    %swap3A_19 = arith.constant 0 : index
    %swap3A_20 = vector.load %arg4[%swap3A, %swap3A_19] : memref<2048x128xf32, #tpu.memory_space<vmem>>, vector<2048x128xf32>
    tpu.vector_store %arg4[%swap3A, %swap3A_19], %dot_general3A_18 {strides = array<i32>} : memref<2048x128xf32, #tpu.memory_space<vmem>>, vector<2048x128xf32>,
    return
  }
  func.func @transform_0(%arg0: i32) -> (i32, i32, i32) {
    %c0_i32 = arith.constant 0 : i32
    %c0_i32_0 = arith.constant 0 : i32
    %c0_i32_1 = arith.constant 0 : i32
    return %c0_i32, %c0_i32_0, %arg0 : i32, i32, i32
  }
  func.func @transform_1(%arg0: i32) -> (i32, i32) {
    %c0_i32 = arith.constant 0 : i32
    %c0_i32_0 = arith.constant 0 : i32
    return %arg0, %c0_i32 : i32, i32
  }
  func.func @transform_2(%arg0: i32) -> (i32, i32) {
    %c0_i32 = arith.constant 0 : i32
    %c0_i32_0 = arith.constant 0 : i32
    %c0_i32_1 = arith.constant 0 : i32
    return %c0_i32, %c0_i32_0 : i32, i32
  }
  func.func @transform_3(%arg0: i32) -> (i32, i32) {
    %c0_i32 = arith.constant 0 : i32
    %c0_i32_0 = arith.constant 0 : i32
    return %arg0, %c0_i32 : i32, i32
  }
}

</mosaic_0001>

<sc_bundles>
// kernel: kernel.6.cloned.1.call-start
scs
__scs_entry_jumppad:
0x0: {  	(pc) =	sbr.rel $0x88, $3  }
0x1: {  	(tag) =	ssettag $0x0;
	lr =	simm.s32 $0x1  }
0x2: {  	[smem:$0x3F9D] =	sst lr;
	_ =	strace $0xD0000000  }
0x3: {  	_ = 	snop  }
0x4: {  	_ = 	snop  }
0x5: {  	_ = 	snop  }
0x6: {  	_ = 	snop  }
0x7: {  	_ = 	snop  }
__scs_overlays_trampoline_lowered:
0x8: {  	[smem:$0x3FAC] =	sst s0  }
0x9: {  	[smem:$0x3FAD] =	sst s1  }
0xa: {  	[smem:$0x3FAE] =	sst s2  }
0xb: {  	[smem:$0x3FAF] =	sst s3  }
0xc: {  	[smem:$0x3FB0] =	sst s4  }
0xd: {  	[smem:$0x3FB1] =	sst s5  }
0xe: {  	[smem:$0x3FB2] =	sst s6  }
0xf: {  	[smem:$0x3FB3] =	sst s7  }
0x10: {  	[smem:$0x3FB4] =	sst s8  }
0x11: {  	[smem:$0x3FB5] =	sst s9;
	s0 =	simm.s32 @!p0 $0x0  }
0x12: {  	s1 =	sld [smem:$0x3F9B];
	s0 =	simm.s32 @p0 $0x1  }
0x13: {  	[smem:$0x3FB6] =	sst s0;
	s0 =	simm.s32 @!p1 $0x0  }
0x14: {  	s2 =	sld [smem:$0x3F9A];
	s0 =	simm.s32 @p1 $0x1  }
0x15: {  	[smem:$0x3FB7] =	sst s0;
	s0 =	simm.s32 @!p2 $0x0  }
0x16: {  	s3 =	sld [smem:$0x3FDB];
	s0 =	simm.s32 @p2 $0x1  }
0x17: {  	s4 =	simm.s32 $0x1BF5;
	[smem:$0x3FB9] =	sst s0  }
0x18: {  	s0 =	sld [smem:$0x3F9C];
	_ =	swait.ge [sflag:s4], $0x0  }
0x19: {  	s7 =	sld [smem:$0x3F9D]  }
0x1a: {  	s8 =	sadd.s32 $0xFFFFE003, lr  }
0x1b: {  	s9 =	sadd.s32 $0xFFFFFEF7, lr;
	s5 =	simm.s32 $0xFFFFFFFF;
	p2 =	slt.u32 s8, $0xFFFFF086  }
0x1c: {  	p1 =	slt.u32 s9, $0xF7A;
	s5 =	simm.s32 @!p2 $0x0  }
0x1d: {  	s5 =	simm.s32 @p1 $0x1;
	p0 =	seq.s32 s7, s2  }
0x1e: {  	s7 =	smul.u32 @!p0 $0xF7A, s2;
	p2 =	seq.s32 @!p0 s5, $0x0  }
0x1f: {  	s9 =	smul.u32 $0xF7A, s1;
	s8 =	simm.s32 @!p0 $0x1BF5;
	p2 =	por !p2, p0  }
0x20: {  	[sflag:s8] =	ssyncset.s32 @!p0 $0xFFFFF086;
	s6 =	sadd.s32 @!p0 s3, s7;
	s7 =	simm.s32 @!p0 $0x108  }
0x21: {  	s3 =	sadd.s32 s3, s9;
	s6 =	sadd.s32 @!p0 $0x88, s6;
	s7 =	simm.s32 @p2 $0x1082  }
0x22: {  	[simem:s7], [sflag:s8] =	dma.local @!p0 [hbm:s6], $0xF7A  }
0x23: {  	s9 =	sor.u32 $0xD0000000, s2;
	s6 =	simm.s32 $0x108;
	_ =	swait.ge @!p0 [sflag:s8], $0x0  }
0x24: {  	s3 =	sadd.s32 $0x88, s3;
	s6 =	simm.s32 @!p1 $0x1082;
	[sflag:s4] =	ssyncset.s32 $0xFFFFF086  }
0x25: {  	[simem:s6], [sflag:s4] =	dma.local [hbm:s3], $0xF7A  }
0x26: {  	[smem:$0x3F9D] =	sst s1;
	(tag) =	ssettag s2;
	_ =	strace s9  }
0x27: {  	s1 =	sld [smem:$0x3FAD]  }
0x28: {  	s2 =	sld [smem:$0x3FAE]  }
0x29: {  	s4 =	sld [smem:$0x3FB0]  }
0x2a: {  	p0 =	seq.s32 s5, $0x0;
	s5 =	sld [smem:$0x3FB1]  }
0x2b: {  	s6 =	sld [smem:$0x3FB2]  }
0x2c: {  	s7 =	sld [smem:$0x3FB3]  }
0x2d: {  	s3 =	simm.s32 $0x108;
	s8 =	sld [smem:$0x3FB4]  }
0x2e: {  	s3 =	simm.s32 @!p0 $0x1082;
	s9 =	sld [smem:$0x3FB5]  }
0x2f: {  	lr =	sadd.s32 s0, s3;
	s0 =	sld [smem:$0x3FAC]  }
0x30: {  	s3 =	sld [smem:$0x3FAF]  }
0x31: {  	[smem:$0x3FB8] =	sst s10  }
0x32: {  	s10 =	sld [smem:$0x3FB6];
	_ =	sdelay $0x3  }
0x33: {  	p0 =	seq.s32 s10, $0x1;
	s10 =	sld [smem:$0x3FB8];
	_ =	sdelay $0x3  }
0x34: {  	[smem:$0x3FB8] =	sst s10  }
0x35: {  	s10 =	sld [smem:$0x3FB7];
	_ =	sdelay $0x3  }
0x36: {  	p1 =	seq.s32 s10, $0x1;
	s10 =	sld [smem:$0x3FB8];
	_ =	sdelay $0x3  }
0x37: {  	[smem:$0x3FB8] =	sst s10  }
0x38: {  	s10 =	sld [smem:$0x3FB9]  }
0x39: {  	_ = 	snop;
	(pc) =	sbr.ind lr, $3  }
0x3a: {  	_ = 	snop  }
0x3b: {  	_ = 	snop  }
0x3c: {  	p2 =	seq.s32 s10, $0x1;
	s10 =	sld [smem:$0x3FB8]  }
0x3d: {  	_ =	shalt  }
0x3e: {  	_ =	shalt  }
0x3f: {  	_ =	shalt  }
0x40: {  	_ =	shalt  }
0x41: {  	_ =	shalt  }
0x42: {  	_ =	shalt  }
0x43: {  	_ =	shalt  }
0x44: {  	_ =	shalt  }
0x45: {  	_ =	shalt  }
0x46: {  	_ =	shalt  }
0x47: {  	_ =	shalt  }
0x48: {  	_ =	shalt  }
0x49: {  	_ =	shalt  }
0x4a: {  	_ =	shalt  }
0x4b: {  	_ =	shalt  }
0x4c: {  	_ =	shalt  }
0x4d: {  	_ =	shalt  }
0x4e: {  	_ =	shalt  }
0x4f: {  	_ =	shalt  }
0x50: {  	_ =	shalt  }
0x51: {  	_ =	shalt  }
0x52: {  	_ =	shalt  }
0x53: {  	_ =	shalt  }
0x54: {  	_ =	shalt  }
0x55: {  	_ =	shalt  }
0x56: {  	_ =	shalt  }
0x57: {  	_ =	shalt  }
0x58: {  	_ =	shalt  }
0x59: {  	_ =	shalt  }
0x5a: {  	_ =	shalt  }
0x5b: {  	_ =	shalt  }
0x5c: {  	_ =	shalt  }
0x5d: {  	_ =	shalt  }
0x5e: {  	_ =	shalt  }
0x5f: {  	_ =	shalt  }
0x60: {  	_ =	shalt  }
0x61: {  	_ =	shalt  }
0x62: {  	_ =	shalt  }
0x63: {  	_ =	shalt  }
0x64: {  	_ =	shalt  }
0x65: {  	_ =	shalt  }
0x66: {  	_ =	shalt  }
0x67: {  	_ =	shalt  }
0x68: {  	_ =	shalt  }
0x69: {  	_ =	shalt  }
0x6a: {  	_ =	shalt  }
0x6b: {  	_ =	shalt  }
0x6c: {  	_ =	shalt  }
0x6d: {  	_ =	shalt  }
0x6e: {  	_ =	shalt  }
0x6f: {  	_ =	shalt  }
0x70: {  	_ =	shalt  }
0x71: {  	_ =	shalt  }
0x72: {  	_ =	shalt  }
0x73: {  	_ =	shalt  }
0x74: {  	_ =	shalt  }
0x75: {  	_ =	shalt  }
0x76: {  	_ =	shalt  }
0x77: {  	_ =	shalt  }
0x78: {  	_ =	shalt  }
0x79: {  	_ =	shalt  }
0x7a: {  	_ =	shalt  }
0x7b: {  	_ =	shalt  }
0x7c: {  	_ =	shalt  }
0x7d: {  	_ =	shalt  }
0x7e: {  	_ =	shalt  }
0x7f: {  	_ =	shalt  }
0x80: {  	_ =	shalt  }
0x81: {  	_ =	shalt  }
0x82: {  	_ =	shalt  }
0x83: {  	_ =	shalt  }
0x84: {  	_ =	shalt  }
0x85: {  	_ =	shalt  }
0x86: {  	_ =	shalt  }
0x87: {  	_ =	shalt  }
.Lfunc_end0:
.L_simem_size_0:
called_computation_lowered:
.L_overlay_start_0:
0x88: {  	s2 =	sld [smem:$0x3FD9]  }
0x89: {  	s3 =	sld [smem:$0x3FFE];
	_ =	sdelay $0x1  }
0x8a: {  	s1 =	srdreg.scid  }
0x8b: {  	s0 =	sand.u32 $0x1, s1  }
0x8c: {  	s17 =	sshll.u32 s0, $0xA;
	s2 =	sadd.s32 s3, s2  }
0x8d: {  	s2 =	sadd.s32 s2, s17  }
0x8e: {  	[smem:$0x3FC4] =	sst s2  }
0x8f: {  	_ = 	snop  }
0x90: {  	s2 =	sld [smem:$0x3FD0];
	(tm) =	ssettm $0x1  }
0x91: {  	s18 =	sld [smem:$0x3FFB];
	_ =	sdelay $0x3  }
0x92: {  	_ =	strace s18  }
0x93: {  	s3 =	sld [smem:$0x3FFC];
	_ =	sdelay $0x3  }
0x94: {  	_ =	strace s3  }
0x95: {  	s3 =	sld [smem:$0x3FFD];
	_ =	sdelay $0x3  }
0x96: {  	_ =	strace s3  }
0x97: {  	_ =	strace $0x8FFFFFFF  }
0x98: {  	s19 =	sld [smem:$0x3FDB];
	_ =	sdelay $0x1  }
0x99: {  	s4 =	simm.s32 $_scs_section_size  }
0x9a: {  	s5 =	simm.s32 $_size__tile_overlayer_lowered;
	s6 =	simm.s32 $_tile_overlayer_lowered  }
0x9b: {  	s22 =	simm.s32 $0x1BFF;
	s21 =	sshll.u32 s6, $0x1;
	s3 =	sadd.s32 s4, s19  }
0x9c: {  	s7 =	simm.s32 $0x0;
	s20 =	sshll.u32 s5, $0x1;
	s5 =	sadd.s32 s21, s3  }
0x9d: {  	[timem:s7], [sflag:s22] =	dma.local [hbm:s5], s20  }
0x9e: {  	_ =	swait.ge [sflag:s22], s20  }
0x9f: {  	s4 =	ssub.s32 $0x0, s20;
	[sflag:s22] =	ssyncset.done $0x0  }
0xa0: {  	[sflag:s22] =	ssyncadd.s32 s4;
	_ =	sdelay $0x1  }
0xa1: {  	s23 =	simm.s32 $0x1B8B  }
0xa2: {  	_ =	swait.ge [sflag:s23], $0x1  }
0xa3: {  	[sflag:s23] =	ssyncset.done $0x0  }
0xa4: {  	s25 =	simm.s32 $0x1B8E;
	s24 =	sld [smem:$0x3FFE];
	[sflag:s23] =	ssyncadd.s32 $0xFFFFFFFF  }
0xa5: {  	s26 =	simm.s32 $execute0_lowered;
	[smem:$0x3FD2] =	sst s25  }
0xa6: {  	s5 =	sshll.u32 s26, $0x1;
	_ =	strace $0x80000046;
	[dreg:$0x1] =	wrdreg $0xFFFFFFFF  }
0xa7: {  	s28 =	simm.s32 $_size_execute0_lowered;
	s3 =	sadd.s32 s3, s5;
	[dreg:$0x0] =	wrdreg $0x0  }
0xa8: {  	s5 =	sshll.u32 s28, $0x1;
	[dreg:$0x2] =	wrdreg s3  }
0xa9: {  	[dreg:$0x3] =	wrdreg s5  }
0xaa: {  	[dreg:$0x4] =	wrdreg $0xC0  }
0xab: {  	_ =	task [dreg:s7], $0x5FFFF  }
0xac: {  	[dreg:$0x1] =	wrdreg $0xFFFFFFFF  }
0xad: {  	[dreg:$0x0] =	wrdreg $0x60  }
0xae: {  	[dreg:$0x2] =	wrdreg s24  }
0xaf: {  	[dreg:$0x3] =	wrdreg s2  }
0xb0: {  	[dreg:$0x4] =	wrdreg $0x53000  }
0xb1: {  	[dreg:$0x5] =	wrdreg $0x55800  }
0xb2: {  	[dreg:$0x6] =	wrdreg $0x9  }
0xb3: {  	_ =	task.clear_ibuf [dreg:s7], $0x7FFFF;
	_ =	strace $0x90000046  }
0xb4: {  	s29 =	simm.s32 $0x9;
	_ =	strace $0x80000048  }
0xb5: {  	_ =	swait.ge [sflag:s29], $0x1  }
0xb6: {  	[sflag:s29] =	ssyncadd.s32 $0xFFFFFFFF  }
0xb7: {  	_ =	strace $0x90000048  }
0xb8: {  	_ =	sfence  }
0xb9: {  	s30 =	sld [smem:$0x0];
	_ =	sdelay $0x2  }
0xba: {  	s31 =	sshll.u32 s1, $0xD;
	s1 =	sshrl.u32 s1, $0x2  }
0xbb: {  	s3 =	sand.u32 $0x4000, s31;
	s1 =	sadd.s32 s1, s30  }
0xbc: {  	s0 =	sor.u32 s3, s0;
	s1 =	sshll.u32 s1, $0x11  }
0xbd: {  	s0 =	sor.u32 s1, s0  }
0xbe: {  	s0 =	sadd.s32 $0x8F2B, s0  }
0xbf: {  	[sflag:s0] =	ssyncadd.remote.s32 $0x1  }
0xc0: {  	_ =	sfence.sel $0xFFFF  }
0xc1: {  	[dreg:$0x0] =	wrdreg $0xFFFFFFFF;
	(pc) =	sbr.abs _section_cstart, $3  }
0xc2: {  	[dreg:$0x1] =	wrdreg $0xFFFFFFFF  }
0xc3: {  	_ =	task.clear_ibuf [dreg:s7], $0x2FFFF;
	_ =	strace $0x9FFFFFFF  }
0xc4: {  	(tm) =	ssettm $0x7FFFFFFF  }
0xc5: {  	_ =	shalt  }
tec
execute0_lowered:
.L_overlay_start_1:
0x0: {  	(tag) =	ssettag $0x1  }
0x1: {  	s0 =	srdreg.scid  }
0x2: {  	s1 =	rddreg [dreg:$0x0];
	s10 =	stileid.u32  }
0x3: {  	s4 =	rddreg [dreg:$0x1];
	s8 =	simm.s32 $0x0;
	s15 =	simm.s32 $0x3  }
0x4: {  	s16 =	simm.s32 $0x1;
	s18 =	simm.s32 $0x10;
	s7 =	smul.u32 $0x500, s10  }
0x5: {  	s19 =	simm.s32 $0x0;
	s0 =	sand.u32 $0x1, s0;
	s9 =	smul.u32 $0x280, s10  }
0x6: {  	[smem:$0x7FF] =	sst s8;
	s2 =	sshll.u32 s0, $0x4;
	s6 =	smul.u32 $0x5000, s0  }
0x7: {  	s28 =	ssub.s32 $0x2, s0;
	s0 =	smul.u32 $0x500, s0;
	s3 =	sor.u32 s10, s2  }
0x8: {  	s2 =	rddreg [dreg:$0x2];
	s29 =	sshrl.u32 s28, $0x1;
	s10 =	smul.u32 $0x50, s10  }
0x9: {  	s5 =	smul.u32 $0x500, s3;
	s3 =	rddreg [dreg:$0x3];
	s6 =	sadd.s32 s7, s6  }
0xa: {  	_ =	strace $0x80000047;
	s7 =	sadd.s32 s9, s2;
	s6 =	sshrl.u32 s6, $0x3  }
0xb: {  	s8 =	sadd.s32 s9, s3;
	s26 =	sadd.s32 s5, s1;
	s4 =	sadd.s32 s4, s5  }
0xc: {  	s1 =	sadd.s32 s6, s1;
	s30 =	sadd.s32 $0x1400, s26;
	[dreg:$0x6] =	wrdreg s4  }
0xd: {  	s0 =	sadd.s32 s10, s0;
	s31 =	sadd.s32 $0xB400, s1;
	[dreg:$0x5] =	wrdreg s30  }
0xe: {  	s6 =	ssub.s32 s28, s29;
	s1 =	sadd.s32 $0xB410, s1;
	[dreg:$0x7] =	wrdreg s31  }
0xf: {  	v0 =	vimm.f32 $0.0e+00;
	v1 =	vimm.f32 $1.000000000e+00;
	s12 =	sor.u32 $0x7, s0;
	s11 =	smax.u32 s6, $0x1;
	[dreg:$0x8] =	wrdreg s1  }
.LBB2_1:
0x10: {  	s0 =	simm.s32 $0x0;
	s1 =	rddreg [dreg:$0x5]  }
0x11: {  	[tilespmem:s0], [sflag:$0x1] =	stream.linear.gather [hbm4b:s1+s0], $0x2800, $0x38;
	[tilespmem:$0x5800] =	vst v63  }
0x12: {  	s25 =	rddreg [dreg:$0x6];
	s4 =	simm.s32 $0x2800  }
0x13: {  	[tilespmem:s4], [sflag:$0x1] =	stream.linear.gather [hbm4b:s25+s0], $0x2800, $0x38;
	[tilespmem:$0x5800] =	vst v63  }
0x14: {  	[tilespmem:$0x5080] =	vst v0  }
0x15: {  	[tilespmem:$0x5090] =	vst v0  }
0x16: {  	[tilespmem:$0x50A0] =	vst v0  }
0x17: {  	[tilespmem:$0x50B0] =	vst v0  }
0x18: {  	[tilespmem:$0x50C0] =	vst v0  }
0x19: {  	[tilespmem:$0x50D0] =	vst v0  }
0x1a: {  	[tilespmem:$0x50E0] =	vst v0  }
0x1b: {  	[tilespmem:$0x50F0] =	vst v0  }
0x1c: {  	[tilespmem:$0x5100] =	vst v0  }
0x1d: {  	[tilespmem:$0x5110] =	vst v0  }
0x1e: {  	[tilespmem:$0x5120] =	vst v0  }
0x1f: {  	[tilespmem:$0x5130] =	vst v0  }
0x20: {  	[tilespmem:$0x5140] =	vst v0  }
0x21: {  	[tilespmem:$0x5150] =	vst v0  }
0x22: {  	[tilespmem:$0x5160] =	vst v0  }
0x23: {  	[tilespmem:$0x5170] =	vst v0  }
0x24: {  	[tilespmem:$0x5180] =	vst v0  }
0x25: {  	[tilespmem:$0x5190] =	vst v0  }
0x26: {  	[tilespmem:$0x51A0] =	vst v0  }
0x27: {  	[tilespmem:$0x51B0] =	vst v0  }
0x28: {  	[tilespmem:$0x51C0] =	vst v0  }
0x29: {  	[tilespmem:$0x51D0] =	vst v0  }
0x2a: {  	[tilespmem:$0x51E0] =	vst v0  }
0x2b: {  	[tilespmem:$0x51F0] =	vst v0  }
0x2c: {  	[tilespmem:$0x5200] =	vst v0  }
0x2d: {  	[tilespmem:$0x5210] =	vst v0  }
0x2e: {  	[tilespmem:$0x5220] =	vst v0  }
0x2f: {  	[tilespmem:$0x5230] =	vst v0  }
0x30: {  	[tilespmem:$0x5240] =	vst v0  }
0x31: {  	[tilespmem:$0x5250] =	vst v0  }
0x32: {  	[tilespmem:$0x5260] =	vst v0  }
0x33: {  	[tilespmem:$0x5270] =	vst v0  }
0x34: {  	[tilespmem:$0x5280] =	vst v0  }
0x35: {  	[tilespmem:$0x5290] =	vst v0  }
0x36: {  	[tilespmem:$0x52A0] =	vst v0  }
0x37: {  	[tilespmem:$0x52B0] =	vst v0  }
0x38: {  	[tilespmem:$0x52C0] =	vst v0  }
0x39: {  	[tilespmem:$0x52D0] =	vst v0  }
0x3a: {  	[tilespmem:$0x52E0] =	vst v0  }
0x3b: {  	[tilespmem:$0x52F0] =	vst v0  }
0x3c: {  	[tilespmem:$0x5000] =	vst v1  }
0x3d: {  	[tilespmem:$0x5010] =	vst v1  }
0x3e: {  	[tilespmem:$0x5020] =	vst v1  }
0x3f: {  	[tilespmem:$0x5030] =	vst v1  }
0x40: {  	[tilespmem:$0x5040] =	vst v1  }
0x41: {  	[tilespmem:$0x5050] =	vst v1  }
0x42: {  	[tilespmem:$0x5060] =	vst v1  }
0x43: {  	s26 =	simm.s32 $0x5080;
	[tilespmem:$0x5070] =	vst v1  }
0x44: {  	[spmem:s7] =	stream.linear.scatter [tilespmem:s26], [sflag:$0x3], $0x280, $0x38;
	[tilespmem:$0x5800] =	vst v63  }
0x45: {  	_ =	swait.ge [sflag:s15], $0x280  }
0x46: {  	[sflag:s15] =	ssyncset.done $0x0  }
0x47: {  	[sflag:s15] =	ssyncadd.s32 $0xFFFFFD80  }
0x48: {  	[spmem:s8] =	stream.linear.scatter [tilespmem:s26], [sflag:$0x3], $0x280, $0x38;
	[tilespmem:$0x5800] =	vst v63  }
0x49: {  	s22 =	sadd.s32 $0xFFFFFFF9, s12;
	_ =	swait.ge [sflag:s15], $0x280  }
0x4a: {  	s20 =	simm.s32 $0x1000;
	s28 =	sadd.s32 $0xFFFFFFFF, s12;
	[sflag:s15] =	ssyncset.done $0x0  }
0x4b: {  	s29 =	simm.s32 $0x2000;
	s21 =	sadd.s32 $0x8, s12;
	[sflag:s15] =	ssyncadd.s32 $0xFFFFFD80  }
0x4c: {  	s24 =	simm.s32 $0x0;
	s23 =	smov.u32 s12;
	_ =	swait.ge [sflag:s16], $0x2800  }
0x4d: {  	p1 =	sgt.u32 s22, $0x9C3;
	s30 =	sadd.s32 $0xFFFFFFFD, s21;
	[sflag:s16] =	ssyncset.done $0x0  }
0x4e: {  	s6 =	simm.s32 @!p1 $0x0;
	s31 =	simm.s32 @!p1 $0x80;
	[sflag:s16] =	ssyncadd.s32 $0xFFFFD800  }
0x4f: {  	s1 =	simm.s32 @!p1 $0x5000;
	s9 =	simm.s32 @!p1 $0x2800;
	_ =	swait.ge [sflag:s16], $0x2800  }
0x50: {  	s5 =	simm.s32 @!p1 $0x2880;
	s13 =	simm.s32 @!p1 $0x2980;
	[sflag:s16] =	ssyncset.done $0x0  }
0x51: {  	s14 =	simm.s32 @!p1 $0x80;
	p0 =	por p1, p1;
	[sflag:s16] =	ssyncadd.s32 $0xFFFFD800  }
0x52: {  	s4 =	simm.s32 @!p1 $0x100;
	s0 =	simm.s32 @!p1 $0x180;
	[bflag:$0x0] =	sbarrier.arrive $0xFFFF  }
0x53: {  	[spmem:s2] =	stream.indirect.scatter.add.f32 @!p0 [tilespmem:s1], [sflag:$0x2], $0x1, s6, s31, $0xb8;
	[tilespmem:$0x5800] =	vst v63  }
0x54: {  	s25 =	sadd.s32 $0xFFFFFFFD, s12;
	s26 =	sadd.s32 $0xFFFFFFFF, s21;
	s6 =	simm.s32 @!p1 $0x2900  }
0x55: {  	[spmem:s3] =	stream.indirect.scatter.add.f32 @!p0 [tilespmem:s1], [sflag:$0x2], $0x1, s9, s31, $0xb8;
	[tilespmem:$0x5800] =	vst v63  }
.LBB2_2:
0x56: {  	s9 =	smov.u32 s29;
	s29 =	sadd.s32 $0x1000, s29  }
0x57: {  	[spmem:s2] =	stream.indirect.scatter.add.f32 @!p0 [tilespmem:s1], [sflag:$0x2], $0x1, s14, s31, $0xb8;
	[tilespmem:$0x5800] =	vst v63  }
0x58: {  	p1 =	sne.s32 s29, $0xA000  }
0x59: {  	[spmem:s3] =	stream.indirect.scatter.add.f32 @!p0 [tilespmem:s1], [sflag:$0x2], $0x1, s5, s31, $0xb8;
	[tilespmem:$0x5800] =	vst v63  }
0x5a: {  	_ = 	snop  }
0x5b: {  	[spmem:s2] =	stream.indirect.scatter.add.f32 @!p0 [tilespmem:s1], [sflag:$0x2], $0x1, s4, s31, $0xb8;
	[tilespmem:$0x5800] =	vst v63  }
0x5c: {  	p3 =	sgt.u32 s25, $0x9C3;
	s25 =	smov.u32 s30  }
0x5d: {  	[spmem:s3] =	stream.indirect.scatter.add.f32 @!p0 [tilespmem:s1], [sflag:$0x2], $0x1, s6, s31, $0xb8;
	[tilespmem:$0x5800] =	vst v63  }
0x5e: {  	s5 =	sadd.s32 $0xFFFFFFFE, s23;
	s4 =	sshra.s32 @!p3 s24, $0x2  }
0x5f: {  	[spmem:s2] =	stream.indirect.scatter.add.f32 @!p0 [tilespmem:s1], [sflag:$0x2], $0x1, s0, s31, $0xb8;
	[tilespmem:$0x5800] =	vst v63  }
0x60: {  	s6 =	simm.s32 @!p3 $0x5000;
	s0 =	sadd.s32 @!p3 $0x200, s4;
	s4 =	sadd.s32 @!p3 $0x2A00, s4  }
0x61: {  	[spmem:s3] =	stream.indirect.scatter.add.f32 @!p0 [tilespmem:s1], [sflag:$0x2], $0x1, s13, s31, $0xb8;
	[tilespmem:$0x5800] =	vst v63  }
0x62: {  	p4 =	sgt.u32 s5, $0x9C3;
	s1 =	simm.s32 @!p3 $0x80  }
0x63: {  	[spmem:s2] =	stream.indirect.scatter.add.f32 @!p3 [tilespmem:s6], [sflag:$0x2], $0x1, s0, s1, $0xb8;
	[tilespmem:$0x5800] =	vst v63  }
0x64: {  	p2 =	sgt.u32 s23, $0x9C3;
	s23 =	smov.u32 s21;
	s0 =	sshra.s32 @!p4 s24, $0x2  }
0x65: {  	[spmem:s3] =	stream.indirect.scatter.add.f32 @!p3 [tilespmem:s6], [sflag:$0x2], $0x1, s4, s1, $0xb8;
	[tilespmem:$0x5800] =	vst v63  }
0x66: {  	s5 =	simm.s32 @!p4 $0x5000;
	s1 =	sadd.s32 @!p4 $0x280, s0;
	s4 =	simm.s32 @!p4 $0x80  }
0x67: {  	[spmem:s2] =	stream.indirect.scatter.add.f32 @!p4 [tilespmem:s5], [sflag:$0x2], $0x1, s1, s4, $0xb8;
	[tilespmem:$0x5800] =	vst v63  }
0x68: {  	s0 =	sadd.s32 @!p4 $0x2A80, s0;
	p3 =	sgt.u32 s28, $0x9C3;
	s1 =	sshra.s32 @!p2 s24, $0x2  }
0x69: {  	s6 =	sshra.s32 @!p3 s24, $0x2;
	s10 =	simm.s32 @!p3 $0x80;
	s13 =	simm.s32 @!p3 $0x5000  }
0x6a: {  	[spmem:s3] =	stream.indirect.scatter.add.f32 @!p4 [tilespmem:s5], [sflag:$0x2], $0x1, s0, s4, $0xb8;
	[tilespmem:$0x5800] =	vst v63  }
0x6b: {  	s0 =	sadd.s32 @!p3 $0x300, s6;
	s4 =	sadd.s32 @!p3 $0x2B00, s6;
	s5 =	sadd.s32 @!p2 $0x380, s1  }
0x6c: {  	[spmem:s2] =	stream.indirect.scatter.add.f32 @!p3 [tilespmem:s13], [sflag:$0x2], $0x1, s0, s10, $0xb8;
	[tilespmem:$0x5800] =	vst v63  }
0x6d: {  	s24 =	smov.u32 s20;
	s1 =	sadd.s32 @!p2 $0x2B80, s1;
	s0 =	simm.s32 @!p2 $0x5000  }
0x6e: {  	[spmem:s3] =	stream.indirect.scatter.add.f32 @!p3 [tilespmem:s13], [sflag:$0x2], $0x1, s4, s10, $0xb8;
	[tilespmem:$0x5800] =	vst v63  }
0x6f: {  	s28 =	smov.u32 s26;
	s20 =	smov.u32 s9;
	s4 =	simm.s32 @!p2 $0x80  }
0x70: {  	[spmem:s2] =	stream.indirect.scatter.add.f32 @!p2 [tilespmem:s0], [sflag:$0x2], $0x1, s5, s4, $0xb8;
	[tilespmem:$0x5800] =	vst v63  }
0x71: {  	s6 =	simm.s32 @!p0 $0x2  }
0x72: {  	[spmem:s3] =	stream.indirect.scatter.add.f32 @!p2 [tilespmem:s0], [sflag:$0x2], $0x1, s1, s4, $0xb8;
	[tilespmem:$0x5800] =	vst v63  }
0x73: {  	_ =	swait.ge @!p0 [sflag:s6], $0x80  }
0x74: {  	[sflag:s6] =	ssyncset.done @!p0 $0x0  }
0x75: {  	[sflag:s6] =	ssyncadd.s32 @!p0 $0xFFFFFF80  }
0x76: {  	_ =	swait.ge @!p0 [sflag:s6], $0x80  }
0x77: {  	[sflag:s6] =	ssyncset.done @!p0 $0x0  }
0x78: {  	[sflag:s6] =	ssyncadd.s32 @!p0 $0xFFFFFF80  }
0x79: {  	_ =	swait.ge @!p0 [sflag:s6], $0x80  }
0x7a: {  	[sflag:s6] =	ssyncset.done @!p0 $0x0  }
0x7b: {  	[sflag:s6] =	ssyncadd.s32 @!p0 $0xFFFFFF80  }
0x7c: {  	_ =	swait.ge @!p0 [sflag:s6], $0x80  }
0x7d: {  	[sflag:s6] =	ssyncset.done @!p0 $0x0  }
0x7e: {  	[sflag:s6] =	ssyncadd.s32 @!p0 $0xFFFFFF80  }
0x7f: {  	_ =	swait.ge @!p0 [sflag:s6], $0x80  }
0x80: {  	[sflag:s6] =	ssyncset.done @!p0 $0x0  }
0x81: {  	[sflag:s6] =	ssyncadd.s32 @!p0 $0xFFFFFF80  }
0x82: {  	_ =	swait.ge @!p0 [sflag:s6], $0x80  }
0x83: {  	[sflag:s6] =	ssyncset.done @!p0 $0x0  }
0x84: {  	[sflag:s6] =	ssyncadd.s32 @!p0 $0xFFFFFF80  }
0x85: {  	p2 =	sgt.u32 s22, $0x9BF;
	s22 =	sadd.s32 $0xFFFFFFF9, s21;
	_ =	swait.ge @!p0 [sflag:s6], $0x80  }
0x86: {  	p3 =	sgt.u32 s22, $0x9C3;
	s10 =	simm.s32 @!p2 $0x2;
	[sflag:s6] =	ssyncset.done @!p0 $0x0  }
0x87: {  	s9 =	sshra.s32 @!p3 s24, $0x2;
	s31 =	simm.s32 @!p3 $0x80;
	[sflag:s6] =	ssyncadd.s32 @!p0 $0xFFFFFF80  }
0x88: {  	s1 =	simm.s32 @!p3 $0x5000;
	s4 =	sadd.s32 @!p3 $0x100, s9;
	_ =	swait.ge @!p0 [sflag:s6], $0x80  }
0x89: {  	s17 =	sadd.s32 @!p3 $0x2800, s9;
	s5 =	sadd.s32 @!p3 $0x2880, s9;
	[sflag:s6] =	ssyncset.done @!p0 $0x0  }
0x8a: {  	s0 =	sadd.s32 @!p3 $0x180, s9;
	s13 =	sadd.s32 @!p3 $0x2980, s9;
	[sflag:s6] =	ssyncadd.s32 @!p0 $0xFFFFFF80  }
0x8b: {  	s14 =	sadd.s32 @!p3 $0x80, s9;
	s6 =	sadd.s32 @!p3 $0x2900, s9;
	_ =	swait.ge @!p2 [sflag:s10], $0x80  }
0x8c: {  	p0 =	por p3, p3;
	[sflag:s10] =	ssyncset.done @!p2 $0x0  }
0x8d: {  	[sflag:s10] =	ssyncadd.s32 @!p2 $0xFFFFFF80  }
0x8e: {  	_ =	swait.ge @!p2 [sflag:s10], $0x80  }
0x8f: {  	[sflag:s10] =	ssyncset.done @!p2 $0x0  }
0x90: {  	[sflag:s10] =	ssyncadd.s32 @!p2 $0xFFFFFF80  }
0x91: {  	_ =	swait.ge @!p2 [sflag:s10], $0x80  }
0x92: {  	[sflag:s10] =	ssyncset.done @!p2 $0x0  }
0x93: {  	[sflag:s10] =	ssyncadd.s32 @!p2 $0xFFFFFF80  }
0x94: {  	_ =	swait.ge @!p2 [sflag:s10], $0x80  }
0x95: {  	[sflag:s10] =	ssyncset.done @!p2 $0x0  }
0x96: {  	[sflag:s10] =	ssyncadd.s32 @!p2 $0xFFFFFF80  }
0x97: {  	_ =	swait.ge @!p2 [sflag:s10], $0x80  }
0x98: {  	[sflag:s10] =	ssyncset.done @!p2 $0x0  }
0x99: {  	[sflag:s10] =	ssyncadd.s32 @!p2 $0xFFFFFF80  }
0x9a: {  	_ =	swait.ge @!p2 [sflag:s10], $0x80  }
0x9b: {  	[sflag:s10] =	ssyncset.done @!p2 $0x0  }
0x9c: {  	[sflag:s10] =	ssyncadd.s32 @!p2 $0xFFFFFF80  }
0x9d: {  	_ =	swait.ge @!p2 [sflag:s10], $0x80  }
0x9e: {  	[sflag:s10] =	ssyncset.done @!p2 $0x0  }
0x9f: {  	s21 =	sadd.s32 $0x8, s21;
	[sflag:s10] =	ssyncadd.s32 @!p2 $0xFFFFFF80  }
0xa0: {  	s30 =	sadd.s32 $0xFFFFFFFD, s21;
	_ =	swait.ge @!p2 [sflag:s10], $0x80  }
.Ltmp0:
0xa1: {  	s26 =	sadd.s32 $0xFFFFFFFF, s21;
	[sflag:s10] =	ssyncset.done @!p2 $0x0;
	(pc) =	sbr.rel @p1 .LBB2_2-.Ltmp0, $4  }
0xa2: {  	[sflag:s10] =	ssyncadd.s32 @!p2 $0xFFFFFF80  }
0xa3: {  	[spmem:s2] =	stream.indirect.scatter.add.f32 @!p0 [tilespmem:s1], [sflag:$0x2], $0x1, s9, s31, $0xb8;
	[tilespmem:$0x5800] =	vst v63  }
0xa4: {  	_ = 	snop  }
0xa5: {  	[spmem:s3] =	stream.indirect.scatter.add.f32 @!p0 [tilespmem:s1], [sflag:$0x2], $0x1, s17, s31, $0xb8;
	[tilespmem:$0x5800] =	vst v63  }
0xa6: {  	[spmem:s2] =	stream.indirect.scatter.add.f32 @!p0 [tilespmem:s1], [sflag:$0x2], $0x1, s14, s31, $0xb8;
	[tilespmem:$0x5800] =	vst v63  }
0xa7: {  	_ = 	snop  }
0xa8: {  	[spmem:s3] =	stream.indirect.scatter.add.f32 @!p0 [tilespmem:s1], [sflag:$0x2], $0x1, s5, s31, $0xb8;
	[tilespmem:$0x5800] =	vst v63  }
0xa9: {  	_ = 	snop  }
0xaa: {  	[spmem:s2] =	stream.indirect.scatter.add.f32 @!p0 [tilespmem:s1], [sflag:$0x2], $0x1, s4, s31, $0xb8;
	[tilespmem:$0x5800] =	vst v63  }
0xab: {  	_ = 	snop  }
0xac: {  	[spmem:s3] =	stream.indirect.scatter.add.f32 @!p0 [tilespmem:s1], [sflag:$0x2], $0x1, s6, s31, $0xb8;
	[tilespmem:$0x5800] =	vst v63  }
0xad: {  	p1 =	sgt.u32 s25, $0x9C3;
	s17 =	sadd.s32 $0xFFFFFFFE, s23  }
0xae: {  	[spmem:s2] =	stream.indirect.scatter.add.f32 @!p0 [tilespmem:s1], [sflag:$0x2], $0x1, s0, s31, $0xb8;
	[tilespmem:$0x5800] =	vst v63  }
0xaf: {  	p2 =	sgt.u32 s17, $0x9C3;
	s0 =	sshra.s32 @!p1 s24, $0x2  }
0xb0: {  	[spmem:s3] =	stream.indirect.scatter.add.f32 @!p0 [tilespmem:s1], [sflag:$0x2], $0x1, s13, s31, $0xb8;
	[tilespmem:$0x5800] =	vst v63  }
0xb1: {  	s5 =	simm.s32 @!p1 $0x5000;
	s4 =	sadd.s32 @!p1 $0x200, s0;
	s1 =	simm.s32 @!p1 $0x80  }
0xb2: {  	[spmem:s2] =	stream.indirect.scatter.add.f32 @!p1 [tilespmem:s5], [sflag:$0x2], $0x1, s4, s1, $0xb8;
	[tilespmem:$0x5800] =	vst v63  }
0xb3: {  	p3 =	sgt.u32 s28, $0x9C3;
	s0 =	sadd.s32 @!p1 $0x2A00, s0;
	s4 =	sshra.s32 @!p2 s24, $0x2  }
0xb4: {  	[spmem:s3] =	stream.indirect.scatter.add.f32 @!p1 [tilespmem:s5], [sflag:$0x2], $0x1, s0, s1, $0xb8;
	[tilespmem:$0x5800] =	vst v63  }
0xb5: {  	s0 =	sadd.s32 @!p2 $0x280, s4;
	s1 =	simm.s32 @!p2 $0x80;
	s5 =	simm.s32 @!p2 $0x5000  }
0xb6: {  	[spmem:s2] =	stream.indirect.scatter.add.f32 @!p2 [tilespmem:s5], [sflag:$0x2], $0x1, s0, s1, $0xb8;
	[tilespmem:$0x5800] =	vst v63  }
0xb7: {  	p1 =	sgt.u32 s23, $0x9C3;
	s0 =	sadd.s32 @!p2 $0x2A80, s4;
	s4 =	sshra.s32 @!p3 s24, $0x2  }
0xb8: {  	[spmem:s3] =	stream.indirect.scatter.add.f32 @!p2 [tilespmem:s5], [sflag:$0x2], $0x1, s0, s1, $0xb8;
	[tilespmem:$0x5800] =	vst v63  }
0xb9: {  	s0 =	simm.s32 @!p3 $0x80;
	s1 =	simm.s32 @!p3 $0x5000;
	s5 =	sadd.s32 @!p3 $0x300, s4  }
0xba: {  	[spmem:s2] =	stream.indirect.scatter.add.f32 @!p3 [tilespmem:s1], [sflag:$0x2], $0x1, s5, s0, $0xb8;
	[tilespmem:$0x5800] =	vst v63  }
0xbb: {  	s4 =	sadd.s32 @!p3 $0x2B00, s4;
	s5 =	sshra.s32 @!p1 s24, $0x2  }
0xbc: {  	[spmem:s3] =	stream.indirect.scatter.add.f32 @!p3 [tilespmem:s1], [sflag:$0x2], $0x1, s4, s0, $0xb8;
	[tilespmem:$0x5800] =	vst v63  }
0xbd: {  	s0 =	sadd.s32 @!p1 $0x380, s5;
	s1 =	simm.s32 @!p1 $0x5000;
	s4 =	simm.s32 @!p1 $0x80  }
0xbe: {  	[spmem:s2] =	stream.indirect.scatter.add.f32 @!p1 [tilespmem:s1], [sflag:$0x2], $0x1, s0, s4, $0xb8;
	[tilespmem:$0x5800] =	vst v63  }
0xbf: {  	s0 =	sadd.s32 @!p1 $0x2B80, s5;
	s5 =	simm.s32 @!p0 $0x2  }
0xc0: {  	[spmem:s3] =	stream.indirect.scatter.add.f32 @!p1 [tilespmem:s1], [sflag:$0x2], $0x1, s0, s4, $0xb8;
	[tilespmem:$0x5800] =	vst v63  }
0xc1: {  	_ =	swait.ge @!p0 [sflag:s5], $0x80  }
0xc2: {  	[sflag:s5] =	ssyncset.done @!p0 $0x0  }
0xc3: {  	[sflag:s5] =	ssyncadd.s32 @!p0 $0xFFFFFF80  }
0xc4: {  	_ =	swait.ge @!p0 [sflag:s5], $0x80  }
0xc5: {  	[sflag:s5] =	ssyncset.done @!p0 $0x0  }
0xc6: {  	[sflag:s5] =	ssyncadd.s32 @!p0 $0xFFFFFF80  }
0xc7: {  	_ =	swait.ge @!p0 [sflag:s5], $0x80  }
0xc8: {  	[sflag:s5] =	ssyncset.done @!p0 $0x0  }
0xc9: {  	[sflag:s5] =	ssyncadd.s32 @!p0 $0xFFFFFF80  }
0xca: {  	_ =	swait.ge @!p0 [sflag:s5], $0x80  }
0xcb: {  	[sflag:s5] =	ssyncset.done @!p0 $0x0  }
0xcc: {  	[sflag:s5] =	ssyncadd.s32 @!p0 $0xFFFFFF80  }
0xcd: {  	_ =	swait.ge @!p0 [sflag:s5], $0x80  }
0xce: {  	[sflag:s5] =	ssyncset.done @!p0 $0x0  }
0xcf: {  	[sflag:s5] =	ssyncadd.s32 @!p0 $0xFFFFFF80  }
0xd0: {  	_ =	swait.ge @!p0 [sflag:s5], $0x80  }
0xd1: {  	[sflag:s5] =	ssyncset.done @!p0 $0x0  }
0xd2: {  	[sflag:s5] =	ssyncadd.s32 @!p0 $0xFFFFFF80  }
0xd3: {  	_ =	swait.ge @!p0 [sflag:s5], $0x80  }
0xd4: {  	[sflag:s5] =	ssyncset.done @!p0 $0x0  }
0xd5: {  	[sflag:s5] =	ssyncadd.s32 @!p0 $0xFFFFFF80  }
0xd6: {  	_ =	swait.ge @!p0 [sflag:s5], $0x80  }
0xd7: {  	p1 =	sgt.u32 s22, $0x9BF;
	[sflag:s5] =	ssyncset.done @!p0 $0x0  }
0xd8: {  	s1 =	simm.s32 @!p1 $0x2;
	[sflag:s5] =	ssyncadd.s32 @!p0 $0xFFFFFF80  }
0xd9: {  	_ =	swait.ge @!p1 [sflag:s1], $0x80  }
0xda: {  	[sflag:s1] =	ssyncset.done @!p1 $0x0  }
0xdb: {  	[sflag:s1] =	ssyncadd.s32 @!p1 $0xFFFFFF80  }
0xdc: {  	_ =	swait.ge @!p1 [sflag:s1], $0x80  }
0xdd: {  	[sflag:s1] =	ssyncset.done @!p1 $0x0  }
0xde: {  	[sflag:s1] =	ssyncadd.s32 @!p1 $0xFFFFFF80  }
0xdf: {  	_ =	swait.ge @!p1 [sflag:s1], $0x80  }
0xe0: {  	[sflag:s1] =	ssyncset.done @!p1 $0x0  }
0xe1: {  	[sflag:s1] =	ssyncadd.s32 @!p1 $0xFFFFFF80  }
0xe2: {  	_ =	swait.ge @!p1 [sflag:s1], $0x80  }
0xe3: {  	[sflag:s1] =	ssyncset.done @!p1 $0x0  }
0xe4: {  	[sflag:s1] =	ssyncadd.s32 @!p1 $0xFFFFFF80  }
0xe5: {  	_ =	swait.ge @!p1 [sflag:s1], $0x80  }
0xe6: {  	[sflag:s1] =	ssyncset.done @!p1 $0x0  }
0xe7: {  	[sflag:s1] =	ssyncadd.s32 @!p1 $0xFFFFFF80  }
0xe8: {  	_ =	swait.ge @!p1 [sflag:s1], $0x80  }
0xe9: {  	[sflag:s1] =	ssyncset.done @!p1 $0x0  }
0xea: {  	[sflag:s1] =	ssyncadd.s32 @!p1 $0xFFFFFF80  }
0xeb: {  	_ =	swait.ge @!p1 [sflag:s1], $0x80  }
0xec: {  	[sflag:s1] =	ssyncset.done @!p1 $0x0  }
0xed: {  	s23 =	sadd.s32 $0xFFFFFFF9, s21;
	[sflag:s1] =	ssyncadd.s32 @!p1 $0xFFFFFF80  }
0xee: {  	p2 =	sgt.u32 s23, $0x9C3;
	_ =	swait.ge @!p1 [sflag:s1], $0x80  }
0xef: {  	s6 =	simm.s32 @!p2 $0x5000;
	s4 =	sshra.s32 @!p2 s20, $0x2;
	[sflag:s1] =	ssyncset.done @!p1 $0x0  }
0xf0: {  	s5 =	simm.s32 @!p2 $0x80;
	p0 =	por p2, p2;
	[sflag:s1] =	ssyncadd.s32 @!p1 $0xFFFFFF80  }
0xf1: {  	[spmem:s2] =	stream.indirect.scatter.add.f32 @!p0 [tilespmem:s6], [sflag:$0x2], $0x1, s4, s5, $0xb8;
	[tilespmem:$0x5800] =	vst v63  }
0xf2: {  	s1 =	sadd.s32 @!p2 $0x2800, s4  }
0xf3: {  	[spmem:s3] =	stream.indirect.scatter.add.f32 @!p0 [tilespmem:s6], [sflag:$0x2], $0x1, s1, s5, $0xb8;
	[tilespmem:$0x5800] =	vst v63  }
0xf4: {  	s1 =	sadd.s32 @!p2 $0x80, s4  }
0xf5: {  	[spmem:s2] =	stream.indirect.scatter.add.f32 @!p0 [tilespmem:s6], [sflag:$0x2], $0x1, s1, s5, $0xb8;
	[tilespmem:$0x5800] =	vst v63  }
0xf6: {  	s1 =	sadd.s32 @!p2 $0x2880, s4  }
0xf7: {  	[spmem:s3] =	stream.indirect.scatter.add.f32 @!p0 [tilespmem:s6], [sflag:$0x2], $0x1, s1, s5, $0xb8;
	[tilespmem:$0x5800] =	vst v63  }
0xf8: {  	s1 =	sadd.s32 @!p2 $0x100, s4  }
0xf9: {  	[spmem:s2] =	stream.indirect.scatter.add.f32 @!p0 [tilespmem:s6], [sflag:$0x2], $0x1, s1, s5, $0xb8;
	[tilespmem:$0x5800] =	vst v63  }
0xfa: {  	s1 =	sadd.s32 @!p2 $0x2900, s4  }
0xfb: {  	[spmem:s3] =	stream.indirect.scatter.add.f32 @!p0 [tilespmem:s6], [sflag:$0x2], $0x1, s1, s5, $0xb8;
	[tilespmem:$0x5800] =	vst v63  }
0xfc: {  	s24 =	sadd.s32 $0xFFFFFFFE, s21;
	p1 =	sgt.u32 s30, $0x9C3;
	s1 =	sadd.s32 @!p2 $0x180, s4  }
0xfd: {  	[spmem:s2] =	stream.indirect.scatter.add.f32 @!p0 [tilespmem:s6], [sflag:$0x2], $0x1, s1, s5, $0xb8;
	[tilespmem:$0x5800] =	vst v63  }
0xfe: {  	s1 =	sadd.s32 @!p2 $0x2980, s4;
	s4 =	sshra.s32 @!p1 s20, $0x2;
	p2 =	sgt.u32 s24, $0x9C3  }
0xff: {  	[spmem:s3] =	stream.indirect.scatter.add.f32 @!p0 [tilespmem:s6], [sflag:$0x2], $0x1, s1, s5, $0xb8;
	[tilespmem:$0x5800] =	vst v63  }
0x100: {  	s5 =	sadd.s32 @!p1 $0x200, s4;
	s6 =	simm.s32 @!p1 $0x5000;
	s1 =	simm.s32 @!p1 $0x80  }
0x101: {  	[spmem:s2] =	stream.indirect.scatter.add.f32 @!p1 [tilespmem:s6], [sflag:$0x2], $0x1, s5, s1, $0xb8;
	[tilespmem:$0x5800] =	vst v63  }
0x102: {  	p3 =	sgt.u32 s26, $0x9C3;
	s4 =	sadd.s32 @!p1 $0x2A00, s4;
	s5 =	sshra.s32 @!p2 s20, $0x2  }
0x103: {  	[spmem:s3] =	stream.indirect.scatter.add.f32 @!p1 [tilespmem:s6], [sflag:$0x2], $0x1, s4, s1, $0xb8;
	[tilespmem:$0x5800] =	vst v63  }
0x104: {  	s1 =	sadd.s32 @!p2 $0x280, s5;
	s4 =	simm.s32 @!p2 $0x80;
	s6 =	simm.s32 @!p2 $0x5000  }
0x105: {  	[spmem:s2] =	stream.indirect.scatter.add.f32 @!p2 [tilespmem:s6], [sflag:$0x2], $0x1, s1, s4, $0xb8;
	[tilespmem:$0x5800] =	vst v63  }
0x106: {  	p1 =	sgt.u32 s21, $0x9C3;
	s1 =	sadd.s32 @!p2 $0x2A80, s5;
	s5 =	sshra.s32 @!p3 s20, $0x2  }
0x107: {  	[spmem:s3] =	stream.indirect.scatter.add.f32 @!p2 [tilespmem:s6], [sflag:$0x2], $0x1, s1, s4, $0xb8;
	[tilespmem:$0x5800] =	vst v63  }
0x108: {  	s1 =	simm.s32 @!p3 $0x80;
	s4 =	simm.s32 @!p3 $0x5000;
	s6 =	sadd.s32 @!p3 $0x300, s5  }
0x109: {  	[spmem:s2] =	stream.indirect.scatter.add.f32 @!p3 [tilespmem:s4], [sflag:$0x2], $0x1, s6, s1, $0xb8;
	[tilespmem:$0x5800] =	vst v63  }
0x10a: {  	s5 =	sadd.s32 @!p3 $0x2B00, s5;
	s6 =	sshra.s32 @!p1 s20, $0x2  }
0x10b: {  	[spmem:s3] =	stream.indirect.scatter.add.f32 @!p3 [tilespmem:s4], [sflag:$0x2], $0x1, s5, s1, $0xb8;
	[tilespmem:$0x5800] =	vst v63  }
0x10c: {  	s1 =	sadd.s32 @!p1 $0x380, s6;
	s4 =	simm.s32 @!p1 $0x5000;
	s5 =	simm.s32 @!p1 $0x80  }
0x10d: {  	[spmem:s2] =	stream.indirect.scatter.add.f32 @!p1 [tilespmem:s4], [sflag:$0x2], $0x1, s1, s5, $0xb8;
	[tilespmem:$0x5800] =	vst v63  }
0x10e: {  	s1 =	sadd.s32 @!p1 $0x2B80, s6  }
0x10f: {  	[spmem:s3] =	stream.indirect.scatter.add.f32 @!p1 [tilespmem:s4], [sflag:$0x2], $0x1, s1, s5, $0xb8;
	[tilespmem:$0x5800] =	vst v63  }
0x110: {  	s1 =	simm.s32 @!p0 $0x2  }
0x111: {  	_ =	swait.ge @!p0 [sflag:s1], $0x80  }
0x112: {  	[sflag:s1] =	ssyncset.done @!p0 $0x0  }
0x113: {  	[sflag:s1] =	ssyncadd.s32 @!p0 $0xFFFFFF80  }
0x114: {  	_ =	swait.ge @!p0 [sflag:s1], $0x80  }
0x115: {  	[sflag:s1] =	ssyncset.done @!p0 $0x0  }
0x116: {  	[sflag:s1] =	ssyncadd.s32 @!p0 $0xFFFFFF80  }
0x117: {  	_ =	swait.ge @!p0 [sflag:s1], $0x80  }
0x118: {  	[sflag:s1] =	ssyncset.done @!p0 $0x0  }
0x119: {  	[sflag:s1] =	ssyncadd.s32 @!p0 $0xFFFFFF80  }
0x11a: {  	_ =	swait.ge @!p0 [sflag:s1], $0x80  }
0x11b: {  	[sflag:s1] =	ssyncset.done @!p0 $0x0  }
0x11c: {  	[sflag:s1] =	ssyncadd.s32 @!p0 $0xFFFFFF80  }
0x11d: {  	_ =	swait.ge @!p0 [sflag:s1], $0x80  }
0x11e: {  	[sflag:s1] =	ssyncset.done @!p0 $0x0  }
0x11f: {  	[sflag:s1] =	ssyncadd.s32 @!p0 $0xFFFFFF80  }
0x120: {  	_ =	swait.ge @!p0 [sflag:s1], $0x80  }
0x121: {  	[sflag:s1] =	ssyncset.done @!p0 $0x0  }
0x122: {  	[sflag:s1] =	ssyncadd.s32 @!p0 $0xFFFFFF80  }
0x123: {  	_ =	swait.ge @!p0 [sflag:s1], $0x80  }
0x124: {  	[sflag:s1] =	ssyncset.done @!p0 $0x0  }
0x125: {  	[sflag:s1] =	ssyncadd.s32 @!p0 $0xFFFFFF80  }
0x126: {  	_ =	swait.ge @!p0 [sflag:s1], $0x80  }
0x127: {  	p1 =	sgt.u32 s23, $0x9BF;
	[sflag:s1] =	ssyncset.done @!p0 $0x0  }
0x128: {  	s0 =	simm.s32 @!p1 $0x2;
	[sflag:s1] =	ssyncadd.s32 @!p0 $0xFFFFFF80  }
0x129: {  	_ =	swait.ge @!p1 [sflag:s0], $0x80  }
0x12a: {  	[sflag:s0] =	ssyncset.done @!p1 $0x0  }
0x12b: {  	[sflag:s0] =	ssyncadd.s32 @!p1 $0xFFFFFF80  }
0x12c: {  	_ =	swait.ge @!p1 [sflag:s0], $0x80  }
0x12d: {  	[sflag:s0] =	ssyncset.done @!p1 $0x0  }
0x12e: {  	[sflag:s0] =	ssyncadd.s32 @!p1 $0xFFFFFF80  }
0x12f: {  	_ =	swait.ge @!p1 [sflag:s0], $0x80  }
0x130: {  	[sflag:s0] =	ssyncset.done @!p1 $0x0  }
0x131: {  	[sflag:s0] =	ssyncadd.s32 @!p1 $0xFFFFFF80  }
0x132: {  	_ =	swait.ge @!p1 [sflag:s0], $0x80  }
0x133: {  	[sflag:s0] =	ssyncset.done @!p1 $0x0  }
0x134: {  	[sflag:s0] =	ssyncadd.s32 @!p1 $0xFFFFFF80  }
0x135: {  	_ =	swait.ge @!p1 [sflag:s0], $0x80  }
0x136: {  	[sflag:s0] =	ssyncset.done @!p1 $0x0  }
0x137: {  	[sflag:s0] =	ssyncadd.s32 @!p1 $0xFFFFFF80  }
0x138: {  	_ =	swait.ge @!p1 [sflag:s0], $0x80  }
0x139: {  	[sflag:s0] =	ssyncset.done @!p1 $0x0  }
0x13a: {  	[sflag:s0] =	ssyncadd.s32 @!p1 $0xFFFFFF80  }
0x13b: {  	_ =	swait.ge @!p1 [sflag:s0], $0x80  }
0x13c: {  	[sflag:s0] =	ssyncset.done @!p1 $0x0  }
0x13d: {  	[sflag:s0] =	ssyncadd.s32 @!p1 $0xFFFFFF80  }
0x13e: {  	_ =	swait.ge @!p1 [sflag:s0], $0x80  }
0x13f: {  	[sflag:s0] =	ssyncset.done @!p1 $0x0  }
0x140: {  	s25 =	stileid.u32;
	[sflag:s0] =	ssyncadd.s32 @!p1 $0xFFFFFF80  }
0x141: {  	s29 =	simm.s32 $0x20;
	s0 =	sshll.u32 s25, $0x6;
	[bflag:$0x0] =	sbarrier.arrive $0xFFFF  }
0x142: {  	s26 =	sshrl.u32 s7, $0x3;
	s0 =	sor.u32 $0x1C03, s0;
	s28 =	rddreg [dreg:$0x7]  }
0x143: {  	[hbm:s28@s29], [sflag:s0] =	dma.strided [spmem:s26@s18], $0x50, s16, $0x10   }
0x144: {  	s19 =	sadd.s32 $0x1, s19;
	_ =	swait.ge [sflag:s15], $0x50  }
0x145: {  	s30 =	sshrl.u32 s8, $0x3;
	p0 =	sne.s32 s19, s11;
	[sflag:s15] =	ssyncset.done $0x0  }
.Ltmp1:
0x146: {  	s31 =	rddreg [dreg:$0x8];
	[sflag:s15] =	ssyncadd.s32 $0xFFFFFFB0;
	(pc) =	sbr.rel @p0 .LBB2_1-.Ltmp1, $4  }
0x147: {  	[hbm:s31@s29], [sflag:s0] =	dma.strided [spmem:s30@s18], $0x50, s16, $0x10   }
0x148: {  	_ =	swait.ge [sflag:s15], $0x50  }
0x149: {  	[sflag:s15] =	ssyncset.done $0x0  }
0x14a: {  	[sflag:s15] =	ssyncadd.s32 $0xFFFFFFB0  }
0x14b: {  	_ =	sfence.sel $0x180000  }
0x14c: {  	[bflag:$0x0] =	sbarrier.arrive $0xFFFF  }
0x14d: {  	_ =	strace $0x90000047  }
0x14e: {  	s0 =	stileid.u32;
	[bflag:$0x2] =	sbarrier.arrive $0xFFFF  }
0x14f: {  	p0 =	sne.s32 s0, $0x0;
	s0 =	rddreg [dreg:$0x4]  }
0x150: {  	s0 =	sadd.s32 @!p0 $0x100000, s0  }
0x151: {  	[sflag:s0] =	ssyncadd.tile.s32 @!p0 $0x1;
	_ =	shalt  }
.Lfunc_end2:
_tile_overlayer_lowered:
.L_overlay_start_2:
0x152: {  	(tag) =	ssettag $0x2  }
0x153: {  	s0 =	rddreg [dreg:$0x0];
	s2 =	stileid.u32  }
0x154: {  	s1 =	rddreg [dreg:$0x1];
	p0 =	sne.s32 s2, $0x0  }
0x155: {  	s3 =	rddreg [dreg:$0x2];
	[bflag:$0x3] =	sbarrier.arrive $0xFFFF;
	s2 =	simm.s32 @!p0 $0x1C03  }
0x156: {  	[timem:s3], [sflag:s2] =	dma.local @!p0 [hbm:s0], s1  }
0x157: {  	s0 =	simm.s32 @!p0 $0x3  }
0x158: {  	_ =	swait.ge @!p0 [sflag:s0], s1  }
0x159: {  	s1 =	ssub.s32 @!p0 $0x0, s1;
	[sflag:s0] =	ssyncset.done @!p0 $0x0  }
0x15a: {  	[sflag:s0] =	ssyncadd.s32 @!p0 s1  }
0x15b: {  	[bflag:$0x3] =	sbarrier.arrive $0xFFFF  }
0x15c: {  	_ =	shalt  }

// kernel: kernel.9.cloned.1.call-start
scs
__scs_entry_jumppad:
0x0: {  	(pc) =	sbr.rel $0x88, $3  }
0x1: {  	(tag) =	ssettag $0x0;
	lr =	simm.s32 $0x1  }
0x2: {  	[smem:$0x3F9D] =	sst lr;
	_ =	strace $0xD0000000  }
0x3: {  	_ = 	snop  }
0x4: {  	_ = 	snop  }
0x5: {  	_ = 	snop  }
0x6: {  	_ = 	snop  }
0x7: {  	_ = 	snop  }
__scs_overlays_trampoline_lowered:
0x8: {  	[smem:$0x3FAC] =	sst s0  }
0x9: {  	[smem:$0x3FAD] =	sst s1  }
0xa: {  	[smem:$0x3FAE] =	sst s2  }
0xb: {  	[smem:$0x3FAF] =	sst s3  }
0xc: {  	[smem:$0x3FB0] =	sst s4  }
0xd: {  	[smem:$0x3FB1] =	sst s5  }
0xe: {  	[smem:$0x3FB2] =	sst s6  }
0xf: {  	[smem:$0x3FB3] =	sst s7  }
0x10: {  	[smem:$0x3FB4] =	sst s8  }
0x11: {  	[smem:$0x3FB5] =	sst s9;
	s0 =	simm.s32 @!p0 $0x0  }
0x12: {  	s1 =	sld [smem:$0x3F9B];
	s0 =	simm.s32 @p0 $0x1  }
0x13: {  	[smem:$0x3FB6] =	sst s0;
	s0 =	simm.s32 @!p1 $0x0  }
0x14: {  	s2 =	sld [smem:$0x3F9A];
	s0 =	simm.s32 @p1 $0x1  }
0x15: {  	[smem:$0x3FB7] =	sst s0;
	s0 =	simm.s32 @!p2 $0x0  }
0x16: {  	s3 =	sld [smem:$0x3FDB];
	s0 =	simm.s32 @p2 $0x1  }
0x17: {  	s4 =	simm.s32 $0x1BF5;
	[smem:$0x3FB9] =	sst s0  }
0x18: {  	s0 =	sld [smem:$0x3F9C];
	_ =	swait.ge [sflag:s4], $0x0  }
0x19: {  	s7 =	sld [smem:$0x3F9D]  }
0x1a: {  	s8 =	sadd.s32 $0xFFFFE003, lr  }
0x1b: {  	s9 =	sadd.s32 $0xFFFFFEF7, lr;
	s5 =	simm.s32 $0xFFFFFFFF;
	p2 =	slt.u32 s8, $0xFFFFF086  }
0x1c: {  	p1 =	slt.u32 s9, $0xF7A;
	s5 =	simm.s32 @!p2 $0x0  }
0x1d: {  	s5 =	simm.s32 @p1 $0x1;
	p0 =	seq.s32 s7, s2  }
0x1e: {  	s7 =	smul.u32 @!p0 $0xF7A, s2;
	p2 =	seq.s32 @!p0 s5, $0x0  }
0x1f: {  	s9 =	smul.u32 $0xF7A, s1;
	s8 =	simm.s32 @!p0 $0x1BF5;
	p2 =	por !p2, p0  }
0x20: {  	[sflag:s8] =	ssyncset.s32 @!p0 $0xFFFFF086;
	s6 =	sadd.s32 @!p0 s3, s7;
	s7 =	simm.s32 @!p0 $0x108  }
0x21: {  	s3 =	sadd.s32 s3, s9;
	s6 =	sadd.s32 @!p0 $0x88, s6;
	s7 =	simm.s32 @p2 $0x1082  }
0x22: {  	[simem:s7], [sflag:s8] =	dma.local @!p0 [hbm:s6], $0xF7A  }
0x23: {  	s9 =	sor.u32 $0xD0000000, s2;
	s6 =	simm.s32 $0x108;
	_ =	swait.ge @!p0 [sflag:s8], $0x0  }
0x24: {  	s3 =	sadd.s32 $0x88, s3;
	s6 =	simm.s32 @!p1 $0x1082;
	[sflag:s4] =	ssyncset.s32 $0xFFFFF086  }
0x25: {  	[simem:s6], [sflag:s4] =	dma.local [hbm:s3], $0xF7A  }
0x26: {  	[smem:$0x3F9D] =	sst s1;
	(tag) =	ssettag s2;
	_ =	strace s9  }
0x27: {  	s1 =	sld [smem:$0x3FAD]  }
0x28: {  	s2 =	sld [smem:$0x3FAE]  }
0x29: {  	s4 =	sld [smem:$0x3FB0]  }
0x2a: {  	p0 =	seq.s32 s5, $0x0;
	s5 =	sld [smem:$0x3FB1]  }
0x2b: {  	s6 =	sld [smem:$0x3FB2]  }
0x2c: {  	s7 =	sld [smem:$0x3FB3]  }
0x2d: {  	s3 =	simm.s32 $0x108;
	s8 =	sld [smem:$0x3FB4]  }
0x2e: {  	s3 =	simm.s32 @!p0 $0x1082;
	s9 =	sld [smem:$0x3FB5]  }
0x2f: {  	lr =	sadd.s32 s0, s3;
	s0 =	sld [smem:$0x3FAC]  }
0x30: {  	s3 =	sld [smem:$0x3FAF]  }
0x31: {  	[smem:$0x3FB8] =	sst s10  }
0x32: {  	s10 =	sld [smem:$0x3FB6];
	_ =	sdelay $0x3  }
0x33: {  	p0 =	seq.s32 s10, $0x1;
	s10 =	sld [smem:$0x3FB8];
	_ =	sdelay $0x3  }
0x34: {  	[smem:$0x3FB8] =	sst s10  }
0x35: {  	s10 =	sld [smem:$0x3FB7];
	_ =	sdelay $0x3  }
0x36: {  	p1 =	seq.s32 s10, $0x1;
	s10 =	sld [smem:$0x3FB8];
	_ =	sdelay $0x3  }
0x37: {  	[smem:$0x3FB8] =	sst s10  }
0x38: {  	s10 =	sld [smem:$0x3FB9]  }
0x39: {  	_ = 	snop;
	(pc) =	sbr.ind lr, $3  }
0x3a: {  	_ = 	snop  }
0x3b: {  	_ = 	snop  }
0x3c: {  	p2 =	seq.s32 s10, $0x1;
	s10 =	sld [smem:$0x3FB8]  }
0x3d: {  	_ =	shalt  }
0x3e: {  	_ =	shalt  }
0x3f: {  	_ =	shalt  }
0x40: {  	_ =	shalt  }
0x41: {  	_ =	shalt  }
0x42: {  	_ =	shalt  }
0x43: {  	_ =	shalt  }
0x44: {  	_ =	shalt  }
0x45: {  	_ =	shalt  }
0x46: {  	_ =	shalt  }
0x47: {  	_ =	shalt  }
0x48: {  	_ =	shalt  }
0x49: {  	_ =	shalt  }
0x4a: {  	_ =	shalt  }
0x4b: {  	_ =	shalt  }
0x4c: {  	_ =	shalt  }
0x4d: {  	_ =	shalt  }
0x4e: {  	_ =	shalt  }
0x4f: {  	_ =	shalt  }
0x50: {  	_ =	shalt  }
0x51: {  	_ =	shalt  }
0x52: {  	_ =	shalt  }
0x53: {  	_ =	shalt  }
0x54: {  	_ =	shalt  }
0x55: {  	_ =	shalt  }
0x56: {  	_ =	shalt  }
0x57: {  	_ =	shalt  }
0x58: {  	_ =	shalt  }
0x59: {  	_ =	shalt  }
0x5a: {  	_ =	shalt  }
0x5b: {  	_ =	shalt  }
0x5c: {  	_ =	shalt  }
0x5d: {  	_ =	shalt  }
0x5e: {  	_ =	shalt  }
0x5f: {  	_ =	shalt  }
0x60: {  	_ =	shalt  }
0x61: {  	_ =	shalt  }
0x62: {  	_ =	shalt  }
0x63: {  	_ =	shalt  }
0x64: {  	_ =	shalt  }
0x65: {  	_ =	shalt  }
0x66: {  	_ =	shalt  }
0x67: {  	_ =	shalt  }
0x68: {  	_ =	shalt  }
0x69: {  	_ =	shalt  }
0x6a: {  	_ =	shalt  }
0x6b: {  	_ =	shalt  }
0x6c: {  	_ =	shalt  }
0x6d: {  	_ =	shalt  }
0x6e: {  	_ =	shalt  }
0x6f: {  	_ =	shalt  }
0x70: {  	_ =	shalt  }
0x71: {  	_ =	shalt  }
0x72: {  	_ =	shalt  }
0x73: {  	_ =	shalt  }
0x74: {  	_ =	shalt  }
0x75: {  	_ =	shalt  }
0x76: {  	_ =	shalt  }
0x77: {  	_ =	shalt  }
0x78: {  	_ =	shalt  }
0x79: {  	_ =	shalt  }
0x7a: {  	_ =	shalt  }
0x7b: {  	_ =	shalt  }
0x7c: {  	_ =	shalt  }
0x7d: {  	_ =	shalt  }
0x7e: {  	_ =	shalt  }
0x7f: {  	_ =	shalt  }
0x80: {  	_ =	shalt  }
0x81: {  	_ =	shalt  }
0x82: {  	_ =	shalt  }
0x83: {  	_ =	shalt  }
0x84: {  	_ =	shalt  }
0x85: {  	_ =	shalt  }
0x86: {  	_ =	shalt  }
0x87: {  	_ =	shalt  }
.Lfunc_end0:
.L_simem_size_0:
called_computation.1_lowered:
.L_overlay_start_0:
0x88: {  	s2 =	sld [smem:$0x3FD9]  }
0x89: {  	s3 =	sld [smem:$0x3FFE];
	_ =	sdelay $0x1  }
0x8a: {  	s1 =	srdreg.scid  }
0x8b: {  	s0 =	sand.u32 $0x1, s1  }
0x8c: {  	s17 =	sshll.u32 s0, $0xA;
	s2 =	sadd.s32 s3, s2  }
0x8d: {  	s2 =	sadd.s32 s2, s17  }
0x8e: {  	[smem:$0x3FC4] =	sst s2  }
0x8f: {  	_ = 	snop  }
0x90: {  	s2 =	sld [smem:$0x3FD0];
	(tm) =	ssettm $0x1  }
0x91: {  	s18 =	sld [smem:$0x3FFB];
	_ =	sdelay $0x3  }
0x92: {  	_ =	strace s18  }
0x93: {  	s3 =	sld [smem:$0x3FFC];
	_ =	sdelay $0x3  }
0x94: {  	_ =	strace s3  }
0x95: {  	s3 =	sld [smem:$0x3FFD];
	_ =	sdelay $0x3  }
0x96: {  	_ =	strace s3  }
0x97: {  	_ =	strace $0x8FFFFFFF  }
0x98: {  	s19 =	sld [smem:$0x3FDB];
	_ =	sdelay $0x1  }
0x99: {  	s4 =	simm.s32 $_scs_section_size  }
0x9a: {  	s5 =	simm.s32 $_size__tile_overlayer_lowered;
	s6 =	simm.s32 $_tile_overlayer_lowered  }
0x9b: {  	s22 =	simm.s32 $0x1BFF;
	s21 =	sshll.u32 s6, $0x1;
	s3 =	sadd.s32 s4, s19  }
0x9c: {  	s7 =	simm.s32 $0x0;
	s20 =	sshll.u32 s5, $0x1;
	s5 =	sadd.s32 s21, s3  }
0x9d: {  	[timem:s7], [sflag:s22] =	dma.local [hbm:s5], s20  }
0x9e: {  	_ =	swait.ge [sflag:s22], s20  }
0x9f: {  	s4 =	ssub.s32 $0x0, s20;
	[sflag:s22] =	ssyncset.done $0x0  }
0xa0: {  	[sflag:s22] =	ssyncadd.s32 s4;
	_ =	sdelay $0x1  }
0xa1: {  	s23 =	simm.s32 $0x1B8B  }
0xa2: {  	_ =	swait.ge [sflag:s23], $0x1  }
0xa3: {  	[sflag:s23] =	ssyncset.done $0x0  }
0xa4: {  	s25 =	simm.s32 $0x1B8E;
	s24 =	sld [smem:$0x3FFE];
	[sflag:s23] =	ssyncadd.s32 $0xFFFFFFFF  }
0xa5: {  	s26 =	simm.s32 $execute0_lowered;
	[smem:$0x3FD2] =	sst s25  }
0xa6: {  	s5 =	sshll.u32 s26, $0x1;
	_ =	strace $0x80000049;
	[dreg:$0x1] =	wrdreg $0xFFFFFFFF  }
0xa7: {  	s28 =	simm.s32 $_size_execute0_lowered;
	s3 =	sadd.s32 s3, s5;
	[dreg:$0x0] =	wrdreg $0x0  }
0xa8: {  	s5 =	sshll.u32 s28, $0x1;
	[dreg:$0x2] =	wrdreg s3  }
0xa9: {  	[dreg:$0x3] =	wrdreg s5  }
0xaa: {  	[dreg:$0x4] =	wrdreg $0xC0  }
0xab: {  	_ =	task [dreg:s7], $0x5FFFF  }
0xac: {  	[dreg:$0x1] =	wrdreg $0xFFFFFFFF  }
0xad: {  	[dreg:$0x0] =	wrdreg $0x60  }
0xae: {  	[dreg:$0x2] =	wrdreg s24  }
0xaf: {  	[dreg:$0x3] =	wrdreg s2  }
0xb0: {  	[dreg:$0x4] =	wrdreg $0x94000  }
0xb1: {  	[dreg:$0x5] =	wrdreg $0x9  }
0xb2: {  	_ =	task.clear_ibuf [dreg:s7], $0x6FFFF;
	_ =	strace $0x90000049  }
0xb3: {  	s29 =	simm.s32 $0x9;
	_ =	strace $0x8000004B  }
0xb4: {  	_ =	swait.ge [sflag:s29], $0x1  }
0xb5: {  	[sflag:s29] =	ssyncadd.s32 $0xFFFFFFFF  }
0xb6: {  	_ =	strace $0x9000004B  }
0xb7: {  	_ =	sfence  }
0xb8: {  	s30 =	sld [smem:$0x0];
	_ =	sdelay $0x2  }
0xb9: {  	s31 =	sshll.u32 s1, $0xD;
	s1 =	sshrl.u32 s1, $0x2  }
0xba: {  	s3 =	sand.u32 $0x4000, s31;
	s1 =	sadd.s32 s1, s30  }
0xbb: {  	s0 =	sor.u32 s3, s0;
	s1 =	sshll.u32 s1, $0x11  }
0xbc: {  	s0 =	sor.u32 s1, s0  }
0xbd: {  	s0 =	sadd.s32 $0x8F2B, s0  }
0xbe: {  	[sflag:s0] =	ssyncadd.remote.s32 $0x1  }
0xbf: {  	_ =	sfence.sel $0xFFFF  }
0xc0: {  	[dreg:$0x0] =	wrdreg $0xFFFFFFFF;
	(pc) =	sbr.abs _section_cstart, $3  }
0xc1: {  	[dreg:$0x1] =	wrdreg $0xFFFFFFFF  }
0xc2: {  	_ =	task.clear_ibuf [dreg:s7], $0x2FFFF;
	_ =	strace $0x9FFFFFFF  }
0xc3: {  	(tm) =	ssettm $0x7FFFFFFF  }
tec
execute0_lowered:
.L_overlay_start_1:
0x0: {  	(tag) =	ssettag $0x1  }
0x1: {  	s0 =	rddreg [dreg:$0x0]  }
0x2: {  	s2 =	rddreg [dreg:$0x1]  }
0x3: {  	s1 =	rddreg [dreg:$0x2];
	s4 =	srdreg.scid  }
0x4: {  	s3 =	simm.s32 $0x0;
	s12 =	stileid.u32;
	s28 =	simm.s32 $0xC00  }
0x5: {  	s30 =	simm.s32 $0x80;
	s31 =	simm.s32 $0x1000;
	s6 =	sand.u32 $0x1, s4  }
0x6: {  	[smem:$0x7FF] =	sst s3;
	s11 =	sadd.s32 $0x1400, s0;
	s15 =	smul.u32 $0x50, s12  }
0x7: {  	s13 =	sshll.u32 s12, $0xA;
	s4 =	sshll.u32 s6, $0x4;
	s14 =	smul.u32 $0x500, s6  }
0x8: {  	_ =	strace $0x8000004A;
	s7 =	ssub.s32 $0x2, s6;
	s6 =	smul.u32 $0x138800, s6  }
0x9: {  	s5 =	sor.u32 s12, s4;
	s4 =	sadd.s32 $0xB400, s0;
	s8 =	sshrl.u32 s7, $0x1  }
0xa: {  	s9 =	smul.u32 $0x500, s5;
	s26 =	ssub.s32 s7, s8;
	s19 =	sadd.s32 s15, s14  }
0xb: {  	s5 =	sadd.s32 $0x33400, s0;
	s0 =	smax.u32 s26, $0x1;
	[dreg:$0x14] =	wrdreg s19  }
0xc: {  	s6 =	sadd.s32 s13, s6;
	s29 =	sadd.s32 s11, s9;
	[dreg:$0x10] =	wrdreg s0  }
0xd: {  	s25 =	sadd.s32 $0x18000, s6;
	s8 =	sadd.s32 s2, s9;
	[dreg:$0xc] =	wrdreg s29  }
0xe: {  	s14 =	sadd.s32 $0xC000, s6;
	s26 =	sshrl.u32 s25, $0x3;
	[dreg:$0xd] =	wrdreg s8  }
0xf: {  	s9 =	sor.u32 $0x80, s9;
	s15 =	sshrl.u32 s14, $0x3;
	[dreg:$0xa] =	wrdreg s26  }
0x10: {  	s0 =	sshll.u32 s19, $0x4;
	s10 =	sadd.s32 s11, s9;
	[dreg:$0x7] =	wrdreg s15  }
0x11: {  	s14 =	simm.s32 $0x2;
	s7 =	sadd.s32 s2, s9;
	[dreg:$0xe] =	wrdreg s10  }
0x12: {  	s8 =	sadd.s32 $0x1C000, s6;
	s26 =	sshrl.u32 s6, $0x3;
	[dreg:$0xf] =	wrdreg s7  }
0x13: {  	s29 =	sadd.s32 $0x14000, s6;
	s24 =	sshrl.u32 s8, $0x3;
	[dreg:$0x4] =	wrdreg s26  }
0x14: {  	s22 =	sadd.s32 s0, s2;
	s9 =	sshrl.u32 s29, $0x3;
	[dreg:$0xb] =	wrdreg s24  }
0x15: {  	s10 =	sadd.s32 s13, s1;
	s29 =	sor.u32 $0x70, s12;
	[dreg:$0x9] =	wrdreg s9  }
0x16: {  	s23 =	sadd.s32 $0x100, s0;
	s16 =	sadd.s32 $0x120000, s10;
	[dreg:$0x19] =	wrdreg s29  }
0x17: {  	s0 =	sadd.s32 s0, s11;
	s17 =	sadd.s32 $0x124000, s10;
	[dreg:$0x11] =	wrdreg s16  }
0x18: {  	s19 =	sadd.s32 s23, s2;
	s18 =	sadd.s32 $0x128000, s10;
	[dreg:$0x12] =	wrdreg s17  }
0x19: {  	s22 =	sadd.s32 $0x180, s22;
	s20 =	sadd.s32 $0x12C000, s10;
	[dreg:$0x13] =	wrdreg s18  }
0x1a: {  	s26 =	simm.s32 $0x400;
	s21 =	sadd.s32 $0x130000, s10;
	[dreg:$0x15] =	wrdreg s20  }
0x1b: {  	s7 =	simm.s32 $0x5000;
	s24 =	sadd.s32 $0x134000, s10;
	[dreg:$0x16] =	wrdreg s21  }
0x1c: {  	s18 =	sadd.s32 s23, s11;
	s11 =	sadd.s32 $0x10000, s6;
	s16 =	sadd.s32 $0x8000, s6  }
0x1d: {  	s20 =	sadd.s32 $0x4000, s6;
	s21 =	sor.u32 $0x4E0, s12;
	[dreg:$0x17] =	wrdreg s24  }
0x1e: {  	s6 =	simm.s32 $0x3;
	s24 =	simm.s32 $0xD80;
	s13 =	sshrl.u32 s11, $0x3  }
0x1f: {  	s17 =	sshrl.u32 s16, $0x3;
	s23 =	sshrl.u32 s20, $0x3;
	[dreg:$0x8] =	wrdreg s13  }
0x20: {  	s25 =	sshll.u32 s21, $0xA;
	p0 =	sgt.u32 s21, $0x4E1;
	[dreg:$0x6] =	wrdreg s17  }
0x21: {  	s21 =	simm.s32 $0x580;
	s11 =	simm.s32 $0x0;
	[dreg:$0x5] =	wrdreg s23  }
0x22: {  	s2 =	sadd.s32 s25, s1;
	s23 =	sadd.s32 $0x180, s0;
	s25 =	simm.s32 $0x800  }
0x23: {  	v0 =	vimm.f32 $0.0e+00;
	s0 =	simm.s32 $0x9000;
	[dreg:$0x18] =	wrdreg s2;
	s2 =	simm.s32 $0x4  }
.LBB2_1:
0x24: {  	[dreg:$0x1a] =	wrdreg s11  }
0x25: {  	s8 =	rddreg [dreg:$0xc]  }
0x26: {  	s15 =	rddreg [dreg:$0xd]  }
0x27: {  	[tilespmem:s3], [sflag:$0x1] =	stream.linear.gather [hbm4b:s8+s3], $0x400, $0x38;
	[tilespmem:$0x1CC80] =	vst v63  }
0x28: {  	s16 =	rddreg [dreg:$0xe];
	s20 =	sand.u32 $0xE00, s3  }
0x29: {  	[tilespmem:s25], [sflag:$0x1] =	stream.linear.gather [hbm4b:s15+s3], $0x400, $0x38;
	[tilespmem:$0x1CC80] =	vst v63  }
0x2a: {  	s17 =	rddreg [dreg:$0xf];
	s9 =	sand.u32 $0x70, s3;
	s29 =	sshrl.u32 s20, $0x2  }
0x2b: {  	[tilespmem:s26], [sflag:$0x2] =	stream.linear.gather [hbm4b:s16+s3], $0x400, $0x38;
	[tilespmem:$0x1CC80] =	vst v63  }
0x2c: {  	s8 =	simm.s32 $0x40;
	s11 =	sor.u32 s9, s29;
	s9 =	simm.s32 $0x0  }
0x2d: {  	[tilespmem:s28], [sflag:$0x2] =	stream.linear.gather [hbm4b:s17+s3], $0x400, $0x38;
	[tilespmem:$0x1CC80] =	vst v63  }
.LBB2_2:
0x2e: {  	p1 =	sne.s32 s8, $0xFC0  }
0x2f: {  	[tilespmem:s11+$0x9000] =	vst v0;
	s9 =	sadd.s32 $0x10, s9;
	s11 =	smov.u32 s8;
	s8 =	sadd.s32 $0x40, s8  }
.Ltmp0:
0x30: {  	(pc) =	sbr.rel @p1 .LBB2_2-.Ltmp0, $4  }
0x31: {  	_ = 	snop  }
0x32: {  	s11 =	sand.u32 $0xE00, s11  }
0x33: {  	s12 =	sand.u32 $0x70, s9;
	s11 =	sshrl.u32 s11, $0x2  }
0x34: {  	s11 =	sor.u32 s12, s11  }
0x35: {  	[tilespmem:s11+$0x9000] =	vst v0;
	s8 =	simm.s32 $0x1  }
0x36: {  	_ =	swait.ge [sflag:s8], $0x400  }
0x37: {  	[sflag:s8] =	ssyncset.done $0x0  }
0x38: {  	[sflag:s8] =	ssyncadd.s32 $0xFFFFFC00  }
0x39: {  	_ =	swait.ge [sflag:s8], $0x400  }
0x3a: {  	[sflag:s8] =	ssyncset.done $0x0  }
0x3b: {  	s12 =	simm.s32 $0x0;
	[sflag:s8] =	ssyncadd.s32 $0xFFFFFC00  }
0x3c: {  	[tilespmem:s31], [sflag:$0x3] =	stream.indirect.gather [hbm4b:s4+s30], $0x80, s12, s30, $0xb8;
	[tilespmem:$0x1CC80] =	vst v63  }
0x3d: {  	s13 =	sadd.s32 $0x0, s10  }
0x3e: {  	[spmem:s13] =	stream.linear.scatter [tilespmem:s0], [sflag:$0x4], $0x400, $0x38;
	[tilespmem:$0x1CC80] =	vst v63  }
0x3f: {  	s9 =	sadd.s32 $0x4000, s13  }
0x40: {  	[spmem:s9] =	stream.linear.scatter [tilespmem:s0], [sflag:$0x4], $0x400, $0x38;
	[tilespmem:$0x1CC80] =	vst v63  }
0x41: {  	s15 =	sadd.s32 $0x8000, s13  }
0x42: {  	[spmem:s15] =	stream.linear.scatter [tilespmem:s0], [sflag:$0x4], $0x400, $0x38;
	[tilespmem:$0x1CC80] =	vst v63  }
0x43: {  	s16 =	sadd.s32 $0xC000, s13  }
0x44: {  	[spmem:s16] =	stream.linear.scatter [tilespmem:s0], [sflag:$0x4], $0x400, $0x38;
	[tilespmem:$0x1CC80] =	vst v63  }
0x45: {  	s17 =	sadd.s32 $0x10000, s13  }
0x46: {  	[spmem:s17] =	stream.linear.scatter [tilespmem:s0], [sflag:$0x4], $0x400, $0x38;
	[tilespmem:$0x1CC80] =	vst v63  }
0x47: {  	s20 =	sadd.s32 $0x14000, s13  }
0x48: {  	[spmem:s20] =	stream.linear.scatter [tilespmem:s0], [sflag:$0x4], $0x400, $0x38;
	[tilespmem:$0x1CC80] =	vst v63  }
0x49: {  	s29 =	sadd.s32 $0x18000, s13  }
0x4a: {  	[spmem:s29] =	stream.linear.scatter [tilespmem:s0], [sflag:$0x4], $0x400, $0x38;
	[tilespmem:$0x1CC80] =	vst v63  }
0x4b: {  	s8 =	sadd.s32 $0x1C000, s13  }
0x4c: {  	[spmem:s8] =	stream.linear.scatter [tilespmem:s0], [sflag:$0x4], $0x400, $0x38;
	[tilespmem:$0x1CC80] =	vst v63  }
0x4d: {  	_ =	swait.ge [sflag:s2], $0x400  }
0x4e: {  	[sflag:s2] =	ssyncset.done $0x0  }
0x4f: {  	[sflag:s2] =	ssyncadd.s32 $0xFFFFFC00  }
0x50: {  	_ =	swait.ge [sflag:s2], $0x400  }
0x51: {  	[sflag:s2] =	ssyncset.done $0x0  }
0x52: {  	[sflag:s2] =	ssyncadd.s32 $0xFFFFFC00  }
0x53: {  	_ =	swait.ge [sflag:s2], $0x400  }
0x54: {  	[sflag:s2] =	ssyncset.done $0x0  }
0x55: {  	[sflag:s2] =	ssyncadd.s32 $0xFFFFFC00  }
0x56: {  	_ =	swait.ge [sflag:s2], $0x400  }
0x57: {  	[sflag:s2] =	ssyncset.done $0x0  }
0x58: {  	[sflag:s2] =	ssyncadd.s32 $0xFFFFFC00  }
0x59: {  	_ =	swait.ge [sflag:s2], $0x400  }
0x5a: {  	[sflag:s2] =	ssyncset.done $0x0  }
0x5b: {  	[sflag:s2] =	ssyncadd.s32 $0xFFFFFC00  }
0x5c: {  	_ =	swait.ge [sflag:s2], $0x400  }
0x5d: {  	[sflag:s2] =	ssyncset.done $0x0  }
0x5e: {  	[sflag:s2] =	ssyncadd.s32 $0xFFFFFC00  }
0x5f: {  	_ =	swait.ge [sflag:s2], $0x400  }
0x60: {  	[sflag:s2] =	ssyncset.done $0x0  }
0x61: {  	[sflag:s2] =	ssyncadd.s32 $0xFFFFFC00  }
0x62: {  	_ =	swait.ge [sflag:s2], $0x400  }
0x63: {  	s11 =	simm.s32 $0x100000;
	s9 =	simm.s32 $0x20000;
	[sflag:s2] =	ssyncset.done $0x0  }
.LBB2_4:
0x64: {  	s12 =	sadd.s32 s9, s10  }
0x65: {  	[sflag:s2] =	ssyncadd.s32 $0xFFFFFC00;
	s9 =	smov.u32 s11;
	s8 =	sadd.s32 $0x80000, s11  }
0x66: {  	[spmem:s12] =	stream.linear.scatter [tilespmem:s0], [sflag:$0x4], $0x400, $0x38;
	[tilespmem:$0x1CC80] =	vst v63  }
0x67: {  	p1 =	sne.s32 s11, $0x400000;
	s11 =	sadd.s32 $0x4000, s12  }
0x68: {  	[spmem:s11] =	stream.linear.scatter [tilespmem:s0], [sflag:$0x4], $0x400, $0x38;
	[tilespmem:$0x1CC80] =	vst v63  }
0x69: {  	s11 =	sadd.s32 $0x8000, s12  }
0x6a: {  	[spmem:s11] =	stream.linear.scatter [tilespmem:s0], [sflag:$0x4], $0x400, $0x38;
	[tilespmem:$0x1CC80] =	vst v63  }
0x6b: {  	s11 =	sadd.s32 $0xC000, s12  }
0x6c: {  	[spmem:s11] =	stream.linear.scatter [tilespmem:s0], [sflag:$0x4], $0x400, $0x38;
	[tilespmem:$0x1CC80] =	vst v63  }
0x6d: {  	s11 =	sadd.s32 $0x10000, s12  }
0x6e: {  	[spmem:s11] =	stream.linear.scatter [tilespmem:s0], [sflag:$0x4], $0x400, $0x38;
	[tilespmem:$0x1CC80] =	vst v63  }
0x6f: {  	s11 =	sadd.s32 $0x14000, s12  }
0x70: {  	[spmem:s11] =	stream.linear.scatter [tilespmem:s0], [sflag:$0x4], $0x400, $0x38;
	[tilespmem:$0x1CC80] =	vst v63  }
0x71: {  	s11 =	sadd.s32 $0x18000, s12  }
0x72: {  	[spmem:s11] =	stream.linear.scatter [tilespmem:s0], [sflag:$0x4], $0x400, $0x38;
	[tilespmem:$0x1CC80] =	vst v63  }
0x73: {  	s11 =	sadd.s32 $0x1C000, s12  }
0x74: {  	[spmem:s11] =	stream.linear.scatter [tilespmem:s0], [sflag:$0x4], $0x400, $0x38;
	[tilespmem:$0x1CC80] =	vst v63  }
0x75: {  	_ =	swait.ge [sflag:s2], $0x400  }
0x76: {  	[sflag:s2] =	ssyncset.done $0x0  }
0x77: {  	[sflag:s2] =	ssyncadd.s32 $0xFFFFFC00  }
0x78: {  	_ =	swait.ge [sflag:s2], $0x400  }
0x79: {  	[sflag:s2] =	ssyncset.done $0x0  }
0x7a: {  	[sflag:s2] =	ssyncadd.s32 $0xFFFFFC00  }
0x7b: {  	_ =	swait.ge [sflag:s2], $0x400  }
0x7c: {  	[sflag:s2] =	ssyncset.done $0x0  }
0x7d: {  	[sflag:s2] =	ssyncadd.s32 $0xFFFFFC00  }
0x7e: {  	_ =	swait.ge [sflag:s2], $0x400  }
0x7f: {  	[sflag:s2] =	ssyncset.done $0x0  }
0x80: {  	[sflag:s2] =	ssyncadd.s32 $0xFFFFFC00  }
0x81: {  	_ =	swait.ge [sflag:s2], $0x400  }
0x82: {  	[sflag:s2] =	ssyncset.done $0x0  }
0x83: {  	[sflag:s2] =	ssyncadd.s32 $0xFFFFFC00  }
0x84: {  	_ =	swait.ge [sflag:s2], $0x400  }
0x85: {  	[sflag:s2] =	ssyncset.done $0x0  }
0x86: {  	[sflag:s2] =	ssyncadd.s32 $0xFFFFFC00  }
.Ltmp1:
0x87: {  	_ =	swait.ge [sflag:s2], $0x400;
	(pc) =	sbr.rel @p1 .LBB2_4-.Ltmp1, $4  }
0x88: {  	[sflag:s2] =	ssyncset.done $0x0  }
0x89: {  	[sflag:s2] =	ssyncadd.s32 $0xFFFFFC00  }
0x8a: {  	_ =	swait.ge [sflag:s2], $0x400  }
0x8b: {  	s9 =	sshra.s32 s9, $0x2;
	s11 =	smov.u32 s8;
	[sflag:s2] =	ssyncset.done $0x0  }
0x8c: {  	s8 =	sadd.s32 s9, s10;
	[sflag:s2] =	ssyncadd.s32 $0xFFFFFC00  }
0x8d: {  	[spmem:s8] =	stream.linear.scatter [tilespmem:s0], [sflag:$0x4], $0x400, $0x38;
	[tilespmem:$0x1CC80] =	vst v63  }
0x8e: {  	s9 =	sadd.s32 $0x4000, s8  }
0x8f: {  	[spmem:s9] =	stream.linear.scatter [tilespmem:s0], [sflag:$0x4], $0x400, $0x38;
	[tilespmem:$0x1CC80] =	vst v63  }
0x90: {  	s15 =	sadd.s32 $0x8000, s8  }
0x91: {  	[spmem:s15] =	stream.linear.scatter [tilespmem:s0], [sflag:$0x4], $0x400, $0x38;
	[tilespmem:$0x1CC80] =	vst v63  }
0x92: {  	s16 =	sadd.s32 $0xC000, s8  }
0x93: {  	[spmem:s16] =	stream.linear.scatter [tilespmem:s0], [sflag:$0x4], $0x400, $0x38;
	[tilespmem:$0x1CC80] =	vst v63  }
0x94: {  	s17 =	sadd.s32 $0x10000, s8  }
0x95: {  	[spmem:s17] =	stream.linear.scatter [tilespmem:s0], [sflag:$0x4], $0x400, $0x38;
	[tilespmem:$0x1CC80] =	vst v63  }
0x96: {  	s20 =	sadd.s32 $0x14000, s8  }
0x97: {  	[spmem:s20] =	stream.linear.scatter [tilespmem:s0], [sflag:$0x4], $0x400, $0x38;
	[tilespmem:$0x1CC80] =	vst v63  }
0x98: {  	s11 =	sadd.s32 $0x18000, s8  }
0x99: {  	[spmem:s11] =	stream.linear.scatter [tilespmem:s0], [sflag:$0x4], $0x400, $0x38;
	[tilespmem:$0x1CC80] =	vst v63  }
0x9a: {  	s8 =	sadd.s32 $0x1C000, s8  }
0x9b: {  	[spmem:s8] =	stream.linear.scatter [tilespmem:s0], [sflag:$0x4], $0x400, $0x38;
	[tilespmem:$0x1CC80] =	vst v63  }
0x9c: {  	_ =	swait.ge [sflag:s2], $0x400  }
0x9d: {  	[sflag:s2] =	ssyncset.done $0x0  }
0x9e: {  	[sflag:s2] =	ssyncadd.s32 $0xFFFFFC00  }
0x9f: {  	_ =	swait.ge [sflag:s2], $0x400  }
0xa0: {  	[sflag:s2] =	ssyncset.done $0x0  }
0xa1: {  	[sflag:s2] =	ssyncadd.s32 $0xFFFFFC00  }
0xa2: {  	_ =	swait.ge [sflag:s2], $0x400  }
0xa3: {  	[sflag:s2] =	ssyncset.done $0x0  }
0xa4: {  	[sflag:s2] =	ssyncadd.s32 $0xFFFFFC00  }
0xa5: {  	_ =	swait.ge [sflag:s2], $0x400  }
0xa6: {  	[sflag:s2] =	ssyncset.done $0x0  }
0xa7: {  	[sflag:s2] =	ssyncadd.s32 $0xFFFFFC00  }
0xa8: {  	_ =	swait.ge [sflag:s2], $0x400  }
0xa9: {  	[sflag:s2] =	ssyncset.done $0x0  }
0xaa: {  	[sflag:s2] =	ssyncadd.s32 $0xFFFFFC00  }
0xab: {  	_ =	swait.ge [sflag:s2], $0x400  }
0xac: {  	[sflag:s2] =	ssyncset.done $0x0  }
0xad: {  	[sflag:s2] =	ssyncadd.s32 $0xFFFFFC00  }
0xae: {  	_ =	swait.ge [sflag:s2], $0x400  }
0xaf: {  	[sflag:s2] =	ssyncset.done $0x0  }
0xb0: {  	[sflag:s2] =	ssyncadd.s32 $0xFFFFFC00  }
0xb1: {  	_ =	swait.ge [sflag:s2], $0x400  }
0xb2: {  	[sflag:s2] =	ssyncset.done $0x0  }
0xb3: {  	s12 =	rddreg [dreg:$0x11];
	[sflag:s2] =	ssyncadd.s32 $0xFFFFFC00  }
0xb4: {  	[spmem:s12] =	stream.linear.scatter [tilespmem:s0], [sflag:$0x4], $0x400, $0x38;
	[tilespmem:$0x1CC80] =	vst v63  }
0xb5: {  	s13 =	rddreg [dreg:$0x12]  }
0xb6: {  	[spmem:s13] =	stream.linear.scatter [tilespmem:s0], [sflag:$0x4], $0x400, $0x38;
	[tilespmem:$0x1CC80] =	vst v63  }
0xb7: {  	s15 =	rddreg [dreg:$0x13]  }
0xb8: {  	[spmem:s15] =	stream.linear.scatter [tilespmem:s0], [sflag:$0x4], $0x400, $0x38;
	[tilespmem:$0x1CC80] =	vst v63  }
0xb9: {  	s16 =	rddreg [dreg:$0x15]  }
0xba: {  	[spmem:s16] =	stream.linear.scatter [tilespmem:s0], [sflag:$0x4], $0x400, $0x38;
	[tilespmem:$0x1CC80] =	vst v63  }
0xbb: {  	s17 =	rddreg [dreg:$0x16]  }
0xbc: {  	[spmem:s17] =	stream.linear.scatter [tilespmem:s0], [sflag:$0x4], $0x400, $0x38;
	[tilespmem:$0x1CC80] =	vst v63  }
0xbd: {  	s20 =	rddreg [dreg:$0x17]  }
0xbe: {  	[spmem:s20] =	stream.linear.scatter [tilespmem:s0], [sflag:$0x4], $0x400, $0x38;
	[tilespmem:$0x1CC80] =	vst v63  }
0xbf: {  	s8 =	simm.s32 @!p0 $0x9000;
	s9 =	rddreg [dreg:$0x18]  }
0xc0: {  	[spmem:s9] =	stream.linear.scatter @!p0 [tilespmem:s8], [sflag:$0x4], $0x400, $0x38;
	[tilespmem:$0x1CC80] =	vst v63  }
0xc1: {  	_ =	swait.ge [sflag:s2], $0x400  }
0xc2: {  	[sflag:s2] =	ssyncset.done $0x0  }
0xc3: {  	[sflag:s2] =	ssyncadd.s32 $0xFFFFFC00  }
0xc4: {  	_ =	swait.ge [sflag:s2], $0x400  }
0xc5: {  	[sflag:s2] =	ssyncset.done $0x0  }
0xc6: {  	[sflag:s2] =	ssyncadd.s32 $0xFFFFFC00  }
0xc7: {  	_ =	swait.ge [sflag:s2], $0x400  }
0xc8: {  	[sflag:s2] =	ssyncset.done $0x0  }
0xc9: {  	[sflag:s2] =	ssyncadd.s32 $0xFFFFFC00  }
0xca: {  	_ =	swait.ge [sflag:s2], $0x400  }
0xcb: {  	[sflag:s2] =	ssyncset.done $0x0  }
0xcc: {  	[sflag:s2] =	ssyncadd.s32 $0xFFFFFC00  }
0xcd: {  	_ =	swait.ge [sflag:s2], $0x400  }
0xce: {  	[sflag:s2] =	ssyncset.done $0x0  }
0xcf: {  	[sflag:s2] =	ssyncadd.s32 $0xFFFFFC00  }
0xd0: {  	_ =	swait.ge [sflag:s2], $0x400  }
0xd1: {  	[sflag:s2] =	ssyncset.done $0x0  }
0xd2: {  	s8 =	simm.s32 @!p0 $0x4;
	[sflag:s2] =	ssyncadd.s32 $0xFFFFFC00  }
0xd3: {  	_ =	swait.ge @!p0 [sflag:s8], $0x400  }
0xd4: {  	[sflag:s8] =	ssyncset.done @!p0 $0x0  }
0xd5: {  	[sflag:s8] =	ssyncadd.s32 @!p0 $0xFFFFFC00  }
0xd6: {  	[bflag:$0x0] =	sbarrier.arrive $0xFFFF  }
0xd7: {  	s29 =	simm.s32 $0x0;
	s8 =	simm.s32 $0x1;
	s9 =	rddreg [dreg:$0x14]  }
.LBB2_6:
0xd8: {  	p1 =	sgt.u32 s9, $0x9C3  }
.Ltmp2:
0xd9: {  	_ = 	snop;
	(pc) =	sbr.rel @p1 .LBB2_8-.Ltmp2, $1  }
0xda: {  	_ =	sdelay $0x3  }
0xdb: {  	_ =	swait.ge [sflag:s6], $0x4000  }
0xdc: {  	p1 =	seq.s32 s29, $0x0;
	[sflag:s6] =	ssyncset.done $0x0  }
0xdd: {  	s11 =	simm.s32 @!p1 $0x4;
	[sflag:s6] =	ssyncadd.s32 $0xFFFFC000  }
0xde: {  	_ =	swait.ge @!p1 [sflag:s11], $0x4000  }
0xdf: {  	[sflag:s11] =	ssyncset.done @!p1 $0x0  }
0xe0: {  	[sflag:s11] =	ssyncadd.s32 @!p1 $0xFFFFC000  }
0xe1: {  	[spmem:s1] =	stream.indirect.scatter.add.f32 [tilespmem:s31], [sflag:$0x4], $0x80, s25, s30, $0xb8;
	[tilespmem:$0x1CC80] =	vst v63  }
0xe2: {  	_ = 	snop  }
0xe3: {  	[tilespmem:s7], [sflag:$0x3] =	stream.indirect.gather [hbm4b:s4+s30], $0x80, s30, s30, $0xb8;
	[tilespmem:$0x1CC80] =	vst v63  }
0xe4: {  	_ =	swait.ge [sflag:s6], $0x4000  }
0xe5: {  	[sflag:s6] =	ssyncset.done $0x0  }
0xe6: {  	[sflag:s6] =	ssyncadd.s32 $0xFFFFC000  }
0xe7: {  	_ =	swait.ge [sflag:s2], $0x4000  }
0xe8: {  	[sflag:s2] =	ssyncset.done $0x0  }
0xe9: {  	s13 =	simm.s32 $0x880;
	[sflag:s2] =	ssyncadd.s32 $0xFFFFC000  }
0xea: {  	[spmem:s1] =	stream.indirect.scatter.add.f32 [tilespmem:s7], [sflag:$0x4], $0x80, s13, s30, $0xb8;
	[tilespmem:$0x1CC80] =	vst v63  }
0xeb: {  	s15 =	simm.s32 $0x100  }
0xec: {  	[tilespmem:s31], [sflag:$0x3] =	stream.indirect.gather [hbm4b:s4+s30], $0x80, s15, s30, $0xb8;
	[tilespmem:$0x1CC80] =	vst v63  }
0xed: {  	_ =	swait.ge [sflag:s6], $0x4000  }
0xee: {  	[sflag:s6] =	ssyncset.done $0x0  }
0xef: {  	[sflag:s6] =	ssyncadd.s32 $0xFFFFC000  }
0xf0: {  	_ =	swait.ge [sflag:s2], $0x4000  }
0xf1: {  	[sflag:s2] =	ssyncset.done $0x0  }
0xf2: {  	s16 =	simm.s32 $0x900;
	[sflag:s2] =	ssyncadd.s32 $0xFFFFC000  }
0xf3: {  	[spmem:s1] =	stream.indirect.scatter.add.f32 [tilespmem:s31], [sflag:$0x4], $0x80, s16, s30, $0xb8;
	[tilespmem:$0x1CC80] =	vst v63  }
0xf4: {  	s17 =	simm.s32 $0x180  }
0xf5: {  	[tilespmem:s7], [sflag:$0x3] =	stream.indirect.gather [hbm4b:s4+s30], $0x80, s17, s30, $0xb8;
	[tilespmem:$0x1CC80] =	vst v63  }
0xf6: {  	_ =	swait.ge [sflag:s6], $0x4000  }
0xf7: {  	[sflag:s6] =	ssyncset.done $0x0  }
0xf8: {  	[sflag:s6] =	ssyncadd.s32 $0xFFFFC000  }
0xf9: {  	_ =	swait.ge [sflag:s2], $0x4000  }
0xfa: {  	[sflag:s2] =	ssyncset.done $0x0  }
0xfb: {  	s20 =	simm.s32 $0x980;
	p1 =	sgt.u32 s9, $0x9BF;
	[sflag:s2] =	ssyncadd.s32 $0xFFFFC000  }
0xfc: {  	[spmem:s1] =	stream.indirect.scatter.add.f32 [tilespmem:s7], [sflag:$0x4], $0x80, s20, s30, $0xb8;
	[tilespmem:$0x1CC80] =	vst v63  }
0xfd: {  	s11 =	simm.s32 @!p1 $0x80;
	s12 =	simm.s32 @!p1 $0x200;
	s13 =	simm.s32 @!p1 $0x1000  }
0xfe: {  	[tilespmem:s13], [sflag:$0x3] =	stream.indirect.gather @!p1 [hbm4b:s4+s11], $0x80, s12, s11, $0xb8;
	[tilespmem:$0x1CC80] =	vst v63  }
0xff: {  	s12 =	simm.s32 @!p1 $0x3  }
0x100: {  	_ =	swait.ge @!p1 [sflag:s12], $0x4000  }
0x101: {  	[sflag:s12] =	ssyncset.done @!p1 $0x0  }
0x102: {  	s16 =	simm.s32 @!p1 $0x4;
	[sflag:s12] =	ssyncadd.s32 @!p1 $0xFFFFC000  }
0x103: {  	_ =	swait.ge @!p1 [sflag:s16], $0x4000  }
0x104: {  	[sflag:s16] =	ssyncset.done @!p1 $0x0  }
0x105: {  	s17 =	simm.s32 @!p1 $0xA00;
	[sflag:s16] =	ssyncadd.s32 @!p1 $0xFFFFC000  }
0x106: {  	[spmem:s1] =	stream.indirect.scatter.add.f32 @!p1 [tilespmem:s13], [sflag:$0x4], $0x80, s17, s11, $0xb8;
	[tilespmem:$0x1CC80] =	vst v63  }
0x107: {  	s20 =	simm.s32 @!p1 $0x5000;
	s17 =	simm.s32 @!p1 $0x280  }
0x108: {  	[tilespmem:s20], [sflag:$0x3] =	stream.indirect.gather @!p1 [hbm4b:s4+s11], $0x80, s17, s11, $0xb8;
	[tilespmem:$0x1CC80] =	vst v63  }
0x109: {  	_ =	swait.ge @!p1 [sflag:s12], $0x4000  }
0x10a: {  	[sflag:s12] =	ssyncset.done @!p1 $0x0  }
0x10b: {  	[sflag:s12] =	ssyncadd.s32 @!p1 $0xFFFFC000  }
0x10c: {  	_ =	swait.ge @!p1 [sflag:s16], $0x4000  }
0x10d: {  	[sflag:s16] =	ssyncset.done @!p1 $0x0  }
0x10e: {  	s17 =	simm.s32 @!p1 $0xA80;
	[sflag:s16] =	ssyncadd.s32 @!p1 $0xFFFFC000  }
0x10f: {  	[spmem:s1] =	stream.indirect.scatter.add.f32 @!p1 [tilespmem:s20], [sflag:$0x4], $0x80, s17, s11, $0xb8;
	[tilespmem:$0x1CC80] =	vst v63  }
0x110: {  	s17 =	simm.s32 @!p1 $0x300  }
0x111: {  	[tilespmem:s13], [sflag:$0x3] =	stream.indirect.gather @!p1 [hbm4b:s4+s11], $0x80, s17, s11, $0xb8;
	[tilespmem:$0x1CC80] =	vst v63  }
0x112: {  	_ =	swait.ge @!p1 [sflag:s12], $0x4000  }
0x113: {  	[sflag:s12] =	ssyncset.done @!p1 $0x0  }
0x114: {  	[sflag:s12] =	ssyncadd.s32 @!p1 $0xFFFFC000  }
0x115: {  	_ =	swait.ge @!p1 [sflag:s16], $0x4000  }
0x116: {  	[sflag:s16] =	ssyncset.done @!p1 $0x0  }
0x117: {  	s17 =	simm.s32 @!p1 $0xB00;
	[sflag:s16] =	ssyncadd.s32 @!p1 $0xFFFFC000  }
0x118: {  	[spmem:s1] =	stream.indirect.scatter.add.f32 @!p1 [tilespmem:s13], [sflag:$0x4], $0x80, s17, s11, $0xb8;
	[tilespmem:$0x1CC80] =	vst v63  }
0x119: {  	s13 =	simm.s32 @!p1 $0x380  }
0x11a: {  	[tilespmem:s20], [sflag:$0x3] =	stream.indirect.gather @!p1 [hbm4b:s4+s11], $0x80, s13, s11, $0xb8;
	[tilespmem:$0x1CC80] =	vst v63  }
0x11b: {  	_ =	swait.ge @!p1 [sflag:s12], $0x4000  }
0x11c: {  	[sflag:s12] =	ssyncset.done @!p1 $0x0  }
0x11d: {  	[sflag:s12] =	ssyncadd.s32 @!p1 $0xFFFFC000  }
0x11e: {  	_ =	swait.ge @!p1 [sflag:s16], $0x4000  }
0x11f: {  	[sflag:s16] =	ssyncset.done @!p1 $0x0  }
0x120: {  	s12 =	simm.s32 @!p1 $0xB80;
	[sflag:s16] =	ssyncadd.s32 @!p1 $0xFFFFC000  }
0x121: {  	[spmem:s1] =	stream.indirect.scatter.add.f32 @!p1 [tilespmem:s20], [sflag:$0x4], $0x80, s12, s11, $0xb8;
	[tilespmem:$0x1CC80] =	vst v63  }
.LBB2_8:
0x122: {  	_ =	swait.ge [sflag:s14], $0x400  }
0x123: {  	[sflag:s14] =	ssyncset.done $0x0  }
0x124: {  	[sflag:s14] =	ssyncadd.s32 $0xFFFFFC00  }
0x125: {  	p1 =	sgt.u32 s9, $0x9BB;
	_ =	swait.ge [sflag:s14], $0x400  }
0x126: {  	s11 =	simm.s32 @!p1 $0x80;
	[sflag:s14] =	ssyncset.done $0x0  }
0x127: {  	s12 =	simm.s32 @!p1 $0x400;
	s13 =	simm.s32 @!p1 $0x1000;
	[sflag:s14] =	ssyncadd.s32 $0xFFFFFC00  }
0x128: {  	[tilespmem:s13], [sflag:$0x3] =	stream.indirect.gather @!p1 [hbm4b:s4+s11], $0x80, s12, s11, $0xb8;
	[tilespmem:$0x1CC80] =	vst v63  }
0x129: {  	p1 =	seq.s32 s29, $0x400  }
0x12a: {  	s11 =	sadd.s32 @!p1 s29, s18;
	s12 =	simm.s32 @!p1 $0x0  }
0x12b: {  	[tilespmem:s12], [sflag:$0x1] =	stream.linear.gather @!p1 [hbm4b:s11+s12], $0x400, $0x38;
	[tilespmem:$0x1CC80] =	vst v63  }
0x12c: {  	s13 =	simm.s32 @!p1 $0x800;
	s11 =	sadd.s32 @!p1 s29, s19  }
0x12d: {  	[tilespmem:s13], [sflag:$0x1] =	stream.linear.gather @!p1 [hbm4b:s11+s12], $0x400, $0x38;
	[tilespmem:$0x1CC80] =	vst v63  }
0x12e: {  	s11 =	sadd.s32 $0x8, s9  }
0x12f: {  	p2 =	sgt.u32 s11, $0x9C3  }
.Ltmp3:
0x130: {  	_ = 	snop;
	(pc) =	sbr.rel @p2 .LBB2_10-.Ltmp3, $1  }
0x131: {  	_ =	sdelay $0x3  }
0x132: {  	_ =	swait.ge [sflag:s6], $0x4000  }
0x133: {  	[sflag:s6] =	ssyncset.done $0x0  }
0x134: {  	[sflag:s6] =	ssyncadd.s32 $0xFFFFC000  }
0x135: {  	_ =	swait.ge [sflag:s2], $0x4000  }
0x136: {  	[sflag:s2] =	ssyncset.done $0x0  }
0x137: {  	[sflag:s2] =	ssyncadd.s32 $0xFFFFC000  }
0x138: {  	[spmem:s1] =	stream.indirect.scatter.add.f32 [tilespmem:s31], [sflag:$0x4], $0x80, s28, s30, $0xb8;
	[tilespmem:$0x1CC80] =	vst v63  }
0x139: {  	s12 =	simm.s32 $0x480  }
0x13a: {  	[tilespmem:s7], [sflag:$0x3] =	stream.indirect.gather [hbm4b:s4+s30], $0x80, s12, s30, $0xb8;
	[tilespmem:$0x1CC80] =	vst v63  }
0x13b: {  	_ =	swait.ge [sflag:s6], $0x4000  }
0x13c: {  	[sflag:s6] =	ssyncset.done $0x0  }
0x13d: {  	[sflag:s6] =	ssyncadd.s32 $0xFFFFC000  }
0x13e: {  	_ =	swait.ge [sflag:s2], $0x4000  }
0x13f: {  	[sflag:s2] =	ssyncset.done $0x0  }
0x140: {  	s16 =	simm.s32 $0xC80;
	[sflag:s2] =	ssyncadd.s32 $0xFFFFC000  }
0x141: {  	[spmem:s1] =	stream.indirect.scatter.add.f32 [tilespmem:s7], [sflag:$0x4], $0x80, s16, s30, $0xb8;
	[tilespmem:$0x1CC80] =	vst v63  }
0x142: {  	s17 =	simm.s32 $0x500  }
0x143: {  	[tilespmem:s31], [sflag:$0x3] =	stream.indirect.gather [hbm4b:s4+s30], $0x80, s17, s30, $0xb8;
	[tilespmem:$0x1CC80] =	vst v63  }
0x144: {  	_ =	swait.ge [sflag:s6], $0x4000  }
0x145: {  	[sflag:s6] =	ssyncset.done $0x0  }
0x146: {  	[sflag:s6] =	ssyncadd.s32 $0xFFFFC000  }
0x147: {  	_ =	swait.ge [sflag:s2], $0x4000  }
0x148: {  	[sflag:s2] =	ssyncset.done $0x0  }
0x149: {  	s20 =	simm.s32 $0xD00;
	[sflag:s2] =	ssyncadd.s32 $0xFFFFC000  }
0x14a: {  	[spmem:s1] =	stream.indirect.scatter.add.f32 [tilespmem:s31], [sflag:$0x4], $0x80, s20, s30, $0xb8;
	[tilespmem:$0x1CC80] =	vst v63  }
0x14b: {  	_ = 	snop  }
0x14c: {  	[tilespmem:s7], [sflag:$0x3] =	stream.indirect.gather [hbm4b:s4+s30], $0x80, s21, s30, $0xb8;
	[tilespmem:$0x1CC80] =	vst v63  }
0x14d: {  	_ =	swait.ge [sflag:s6], $0x4000  }
0x14e: {  	[sflag:s6] =	ssyncset.done $0x0  }
0x14f: {  	[sflag:s6] =	ssyncadd.s32 $0xFFFFC000  }
0x150: {  	_ =	swait.ge [sflag:s2], $0x4000  }
0x151: {  	[sflag:s2] =	ssyncset.done $0x0  }
0x152: {  	p2 =	sgt.u32 s11, $0x9BF;
	[sflag:s2] =	ssyncadd.s32 $0xFFFFC000  }
0x153: {  	[spmem:s1] =	stream.indirect.scatter.add.f32 [tilespmem:s7], [sflag:$0x4], $0x80, s24, s30, $0xb8;
	[tilespmem:$0x1CC80] =	vst v63  }
0x154: {  	s13 =	simm.s32 @!p2 $0x600;
	s12 =	simm.s32 @!p2 $0x80;
	s16 =	simm.s32 @!p2 $0x1000  }
0x155: {  	[tilespmem:s16], [sflag:$0x3] =	stream.indirect.gather @!p2 [hbm4b:s4+s12], $0x80, s13, s12, $0xb8;
	[tilespmem:$0x1CC80] =	vst v63  }
0x156: {  	s13 =	simm.s32 @!p2 $0x3  }
0x157: {  	_ =	swait.ge @!p2 [sflag:s13], $0x4000  }
0x158: {  	[sflag:s13] =	ssyncset.done @!p2 $0x0  }
0x159: {  	s17 =	simm.s32 @!p2 $0x4;
	[sflag:s13] =	ssyncadd.s32 @!p2 $0xFFFFC000  }
0x15a: {  	_ =	swait.ge @!p2 [sflag:s17], $0x4000  }
0x15b: {  	[sflag:s17] =	ssyncset.done @!p2 $0x0  }
0x15c: {  	s20 =	simm.s32 @!p2 $0xE00;
	[sflag:s17] =	ssyncadd.s32 @!p2 $0xFFFFC000  }
0x15d: {  	[spmem:s1] =	stream.indirect.scatter.add.f32 @!p2 [tilespmem:s16], [sflag:$0x4], $0x80, s20, s12, $0xb8;
	[tilespmem:$0x1CC80] =	vst v63  }
0x15e: {  	s15 =	simm.s32 @!p2 $0x5000;
	s20 =	simm.s32 @!p2 $0x680  }
0x15f: {  	[tilespmem:s15], [sflag:$0x3] =	stream.indirect.gather @!p2 [hbm4b:s4+s12], $0x80, s20, s12, $0xb8;
	[tilespmem:$0x1CC80] =	vst v63  }
0x160: {  	_ =	swait.ge @!p2 [sflag:s13], $0x4000  }
0x161: {  	[sflag:s13] =	ssyncset.done @!p2 $0x0  }
0x162: {  	[sflag:s13] =	ssyncadd.s32 @!p2 $0xFFFFC000  }
0x163: {  	_ =	swait.ge @!p2 [sflag:s17], $0x4000  }
0x164: {  	[sflag:s17] =	ssyncset.done @!p2 $0x0  }
0x165: {  	s20 =	simm.s32 @!p2 $0xE80;
	[sflag:s17] =	ssyncadd.s32 @!p2 $0xFFFFC000  }
0x166: {  	[spmem:s1] =	stream.indirect.scatter.add.f32 @!p2 [tilespmem:s15], [sflag:$0x4], $0x80, s20, s12, $0xb8;
	[tilespmem:$0x1CC80] =	vst v63  }
0x167: {  	s20 =	simm.s32 @!p2 $0x700  }
0x168: {  	[tilespmem:s16], [sflag:$0x3] =	stream.indirect.gather @!p2 [hbm4b:s4+s12], $0x80, s20, s12, $0xb8;
	[tilespmem:$0x1CC80] =	vst v63  }
0x169: {  	_ =	swait.ge @!p2 [sflag:s13], $0x4000  }
0x16a: {  	[sflag:s13] =	ssyncset.done @!p2 $0x0  }
0x16b: {  	[sflag:s13] =	ssyncadd.s32 @!p2 $0xFFFFC000  }
0x16c: {  	_ =	swait.ge @!p2 [sflag:s17], $0x4000  }
0x16d: {  	[sflag:s17] =	ssyncset.done @!p2 $0x0  }
0x16e: {  	s20 =	simm.s32 @!p2 $0xF00;
	[sflag:s17] =	ssyncadd.s32 @!p2 $0xFFFFC000  }
0x16f: {  	[spmem:s1] =	stream.indirect.scatter.add.f32 @!p2 [tilespmem:s16], [sflag:$0x4], $0x80, s20, s12, $0xb8;
	[tilespmem:$0x1CC80] =	vst v63  }
0x170: {  	s16 =	simm.s32 @!p2 $0x780  }
0x171: {  	[tilespmem:s15], [sflag:$0x3] =	stream.indirect.gather @!p2 [hbm4b:s4+s12], $0x80, s16, s12, $0xb8;
	[tilespmem:$0x1CC80] =	vst v63  }
0x172: {  	_ =	swait.ge @!p2 [sflag:s13], $0x4000  }
0x173: {  	[sflag:s13] =	ssyncset.done @!p2 $0x0  }
0x174: {  	[sflag:s13] =	ssyncadd.s32 @!p2 $0xFFFFC000  }
0x175: {  	_ =	swait.ge @!p2 [sflag:s17], $0x4000  }
0x176: {  	[sflag:s17] =	ssyncset.done @!p2 $0x0  }
0x177: {  	s13 =	simm.s32 @!p2 $0xF80;
	[sflag:s17] =	ssyncadd.s32 @!p2 $0xFFFFC000  }
0x178: {  	[spmem:s1] =	stream.indirect.scatter.add.f32 @!p2 [tilespmem:s15], [sflag:$0x4], $0x80, s13, s12, $0xb8;
	[tilespmem:$0x1CC80] =	vst v63  }
.LBB2_10:
0x179: {  	p2 =	sgt.u32 s8, $0x8  }
0x17a: {  	s12 =	simm.s32 @!p2 $0x1  }
0x17b: {  	_ =	swait.ge @!p2 [sflag:s12], $0x400  }
0x17c: {  	[sflag:s12] =	ssyncset.done @!p2 $0x0  }
0x17d: {  	[sflag:s12] =	ssyncadd.s32 @!p2 $0xFFFFFC00  }
.Ltmp4:
0x17e: {  	_ =	swait.ge @!p2 [sflag:s12], $0x400;
	(pc) =	sbr.rel @p1 .LBB2_12-.Ltmp4, $4  }
0x17f: {  	p3 =	sgt.u32 @!p2 s11, $0x9BB;
	[sflag:s12] =	ssyncset.done @!p2 $0x0  }
0x180: {  	[sflag:s12] =	ssyncadd.s32 @!p2 $0xFFFFFC00;
	p2 =	por p3, p2  }
0x181: {  	s11 =	simm.s32 @!p2 $0x80;
	s12 =	simm.s32 @!p2 $0x0;
	s13 =	simm.s32 @!p2 $0x1000  }
0x182: {  	[tilespmem:s13], [sflag:$0x3] =	stream.indirect.gather @!p2 [hbm4b:s4+s11], $0x80, s12, s11, $0xb8;
	[tilespmem:$0x1CC80] =	vst v63  }
.Ltmp5:
0x183: {  	(pc) =	sbr.rel .LBB2_6-.Ltmp5, $4  }
0x184: {  	s11 =	sadd.s32 s29, s23;
	s20 =	sadd.s32 s29, s22  }
0x185: {  	[tilespmem:s26], [sflag:$0x2] =	stream.linear.gather [hbm4b:s11+s3], $0x400, $0x38;
	[tilespmem:$0x1CC80] =	vst v63  }
0x186: {  	s9 =	sadd.s32 $0x10, s9;
	s29 =	sadd.s32 $0x100, s29;
	s8 =	sadd.s32 $0x2, s8  }
0x187: {  	[tilespmem:s28], [sflag:$0x2] =	stream.linear.gather [hbm4b:s20+s3], $0x400, $0x38;
	[tilespmem:$0x1CC80] =	vst v63  }
.LBB2_12:
0x188: {  	_ =	swait.ge [sflag:s2], $0x4000  }
0x189: {  	[sflag:s2] =	ssyncset.done $0x0  }
0x18a: {  	[sflag:s2] =	ssyncadd.s32 $0xFFFFC000  }
0x18b: {  	s11 =	stileid.u32;
	[bflag:$0x0] =	sbarrier.arrive $0xFFFF  }
0x18c: {  	s9 =	sadd.s32 $0x0, s10;
	s11 =	sshll.u32 s11, $0x6;
	s8 =	rddreg [dreg:$0x4]  }
0x18d: {  	s12 =	sshrl.u32 s9, $0x3;
	s29 =	sor.u32 $0x1C03, s11;
	s8 =	sadd.s32 s5, s8  }
0x18e: {  	[hbm:s8], [sflag:s29] =	dma.local [spmem:s12], $0x80  }
0x18f: {  	s13 =	sadd.s32 $0x4000, s9;
	s8 =	rddreg [dreg:$0x5]  }
0x190: {  	s11 =	sshrl.u32 s13, $0x3;
	s8 =	sadd.s32 s5, s8  }
0x191: {  	[hbm:s8], [sflag:s29] =	dma.local [spmem:s11], $0x80  }
0x192: {  	s15 =	sadd.s32 $0x8000, s9;
	s8 =	rddreg [dreg:$0x6]  }
0x193: {  	s11 =	sshrl.u32 s15, $0x3;
	s8 =	sadd.s32 s5, s8  }
0x194: {  	[hbm:s8], [sflag:s29] =	dma.local [spmem:s11], $0x80  }
0x195: {  	s16 =	sadd.s32 $0xC000, s9;
	s8 =	rddreg [dreg:$0x7]  }
0x196: {  	s11 =	sshrl.u32 s16, $0x3;
	s8 =	sadd.s32 s5, s8  }
0x197: {  	[hbm:s8], [sflag:s29] =	dma.local [spmem:s11], $0x80  }
0x198: {  	s17 =	sadd.s32 $0x10000, s9;
	s8 =	rddreg [dreg:$0x8]  }
0x199: {  	s11 =	sshrl.u32 s17, $0x3;
	s8 =	sadd.s32 s5, s8  }
0x19a: {  	[hbm:s8], [sflag:s29] =	dma.local [spmem:s11], $0x80  }
0x19b: {  	s8 =	rddreg [dreg:$0x9]  }
0x19c: {  	s9 =	sadd.s32 $0x14000, s9;
	s13 =	rddreg [dreg:$0x19]  }
0x19d: {  	s9 =	sshrl.u32 s9, $0x3;
	s20 =	sadd.s32 $0xFFFFFFF0, s13;
	s8 =	sadd.s32 s5, s8  }
0x19e: {  	[hbm:s8], [sflag:s29] =	dma.local [spmem:s9], $0x80  }
0x19f: {  	p1 =	sgt.u32 s20, $0x4E1  }
0x1a0: {  	s9 =	sadd.s32 @!p1 $0x0, s10  }
0x1a1: {  	s8 =	rddreg [dreg:$0xa];
	s9 =	sadd.s32 @!p1 $0x18000, s9  }
0x1a2: {  	p2 =	sgt.u32 s13, $0x4E1;
	s8 =	sadd.s32 @!p1 s5, s8;
	s9 =	sshrl.u32 @!p1 s9, $0x3  }
0x1a3: {  	[hbm:s8], [sflag:s29] =	dma.local @!p1 [spmem:s9], $0x80  }
0x1a4: {  	s9 =	sadd.s32 @!p2 $0x0, s10  }
0x1a5: {  	s8 =	rddreg [dreg:$0xb];
	s9 =	sadd.s32 @!p2 $0x1C000, s9  }
0x1a6: {  	s8 =	sadd.s32 @!p2 s5, s8;
	s9 =	sshrl.u32 @!p2 s9, $0x3  }
0x1a7: {  	[hbm:s8], [sflag:s29] =	dma.local @!p2 [spmem:s9], $0x80  }
0x1a8: {  	_ =	swait.ge [sflag:s6], $0x80  }
0x1a9: {  	[sflag:s6] =	ssyncset.done $0x0  }
0x1aa: {  	[sflag:s6] =	ssyncadd.s32 $0xFFFFFF80  }
0x1ab: {  	_ =	swait.ge [sflag:s6], $0x80  }
0x1ac: {  	[sflag:s6] =	ssyncset.done $0x0  }
0x1ad: {  	[sflag:s6] =	ssyncadd.s32 $0xFFFFFF80  }
0x1ae: {  	_ =	swait.ge [sflag:s6], $0x80  }
0x1af: {  	[sflag:s6] =	ssyncset.done $0x0  }
0x1b0: {  	[sflag:s6] =	ssyncadd.s32 $0xFFFFFF80  }
0x1b1: {  	_ =	swait.ge [sflag:s6], $0x80  }
0x1b2: {  	[sflag:s6] =	ssyncset.done $0x0  }
0x1b3: {  	[sflag:s6] =	ssyncadd.s32 $0xFFFFFF80  }
0x1b4: {  	_ =	swait.ge [sflag:s6], $0x80  }
0x1b5: {  	[sflag:s6] =	ssyncset.done $0x0  }
0x1b6: {  	[sflag:s6] =	ssyncadd.s32 $0xFFFFFF80  }
0x1b7: {  	_ =	swait.ge [sflag:s6], $0x80  }
0x1b8: {  	[sflag:s6] =	ssyncset.done $0x0  }
0x1b9: {  	s9 =	simm.s32 @!p1 $0x3;
	[sflag:s6] =	ssyncadd.s32 $0xFFFFFF80  }
0x1ba: {  	_ =	swait.ge @!p1 [sflag:s9], $0x80  }
0x1bb: {  	s12 =	simm.s32 $0x100000;
	[sflag:s9] =	ssyncset.done @!p1 $0x0  }
0x1bc: {  	s11 =	sadd.s32 $0x80, s13;
	s16 =	simm.s32 @!p2 $0x3;
	[sflag:s9] =	ssyncadd.s32 @!p1 $0xFFFFFF80  }
0x1bd: {  	s8 =	simm.s32 $0x80000;
	s9 =	sadd.s32 $0x4000, s5;
	_ =	swait.ge @!p2 [sflag:s16], $0x80  }
.LBB2_13:
0x1be: {  	s17 =	sshra.s32 s8, $0x2  }
0x1bf: {  	s15 =	rddreg [dreg:$0x4];
	[sflag:s16] =	ssyncset.done @!p2 $0x0;
	s17 =	sadd.s32 s17, s10  }
0x1c0: {  	[sflag:s16] =	ssyncadd.s32 @!p2 $0xFFFFFF80;
	s15 =	sadd.s32 s9, s15;
	s20 =	sshrl.u32 s17, $0x3  }
0x1c1: {  	[hbm:s15], [sflag:s29] =	dma.local [spmem:s20], $0x80  }
0x1c2: {  	s20 =	sadd.s32 $0x4000, s17;
	s15 =	rddreg [dreg:$0x5]  }
0x1c3: {  	s16 =	sshrl.u32 s20, $0x3;
	s15 =	sadd.s32 s9, s15  }
0x1c4: {  	[hbm:s15], [sflag:s29] =	dma.local [spmem:s16], $0x80  }
0x1c5: {  	s20 =	sadd.s32 $0x8000, s17;
	s15 =	rddreg [dreg:$0x6]  }
0x1c6: {  	s16 =	sshrl.u32 s20, $0x3;
	s15 =	sadd.s32 s9, s15  }
0x1c7: {  	[hbm:s15], [sflag:s29] =	dma.local [spmem:s16], $0x80  }
0x1c8: {  	s20 =	sadd.s32 $0xC000, s17;
	s15 =	rddreg [dreg:$0x7]  }
0x1c9: {  	s16 =	sshrl.u32 s20, $0x3;
	s15 =	sadd.s32 s9, s15  }
0x1ca: {  	[hbm:s15], [sflag:s29] =	dma.local [spmem:s16], $0x80  }
0x1cb: {  	s20 =	sadd.s32 $0x10000, s17;
	s15 =	rddreg [dreg:$0x8]  }
0x1cc: {  	s16 =	sshrl.u32 s20, $0x3;
	s15 =	sadd.s32 s9, s15  }
0x1cd: {  	[hbm:s15], [sflag:s29] =	dma.local [spmem:s16], $0x80  }
0x1ce: {  	s17 =	sadd.s32 $0x14000, s17;
	s20 =	sadd.s32 $0xFFFFFFF0, s11;
	s15 =	rddreg [dreg:$0x9]  }
0x1cf: {  	p3 =	sgt.u32 s20, $0x4E1;
	s16 =	sshrl.u32 s17, $0x3;
	s15 =	sadd.s32 s9, s15  }
0x1d0: {  	[hbm:s15], [sflag:s29] =	dma.local [spmem:s16], $0x80  }
0x1d1: {  	s16 =	sshra.s32 @!p3 s8, $0x2  }
0x1d2: {  	s16 =	sadd.s32 @!p3 s16, s10  }
0x1d3: {  	s15 =	rddreg [dreg:$0xa];
	s16 =	sadd.s32 @!p3 $0x18000, s16  }
0x1d4: {  	p2 =	sgt.u32 s11, $0x4E1;
	s15 =	sadd.s32 @!p3 s9, s15;
	s16 =	sshrl.u32 @!p3 s16, $0x3  }
0x1d5: {  	[hbm:s15], [sflag:s29] =	dma.local @!p3 [spmem:s16], $0x80  }
0x1d6: {  	s13 =	smov.u32 s12;
	s16 =	sshra.s32 @!p2 s8, $0x2  }
0x1d7: {  	s8 =	smov.u32 s13;
	s13 =	sadd.s32 @!p2 s16, s10  }
0x1d8: {  	s15 =	rddreg [dreg:$0xb];
	s13 =	sadd.s32 @!p2 $0x1C000, s13  }
0x1d9: {  	s15 =	sadd.s32 @!p2 s9, s15;
	s13 =	sshrl.u32 @!p2 s13, $0x3  }
0x1da: {  	[hbm:s15], [sflag:s29] =	dma.local @!p2 [spmem:s13], $0x80  }
0x1db: {  	_ =	swait.ge [sflag:s6], $0x80  }
0x1dc: {  	[sflag:s6] =	ssyncset.done $0x0  }
0x1dd: {  	[sflag:s6] =	ssyncadd.s32 $0xFFFFFF80  }
0x1de: {  	_ =	swait.ge [sflag:s6], $0x80  }
0x1df: {  	[sflag:s6] =	ssyncset.done $0x0  }
0x1e0: {  	[sflag:s6] =	ssyncadd.s32 $0xFFFFFF80  }
0x1e1: {  	_ =	swait.ge [sflag:s6], $0x80  }
0x1e2: {  	[sflag:s6] =	ssyncset.done $0x0  }
0x1e3: {  	[sflag:s6] =	ssyncadd.s32 $0xFFFFFF80  }
0x1e4: {  	_ =	swait.ge [sflag:s6], $0x80  }
0x1e5: {  	[sflag:s6] =	ssyncset.done $0x0  }
0x1e6: {  	[sflag:s6] =	ssyncadd.s32 $0xFFFFFF80  }
0x1e7: {  	_ =	swait.ge [sflag:s6], $0x80  }
0x1e8: {  	[sflag:s6] =	ssyncset.done $0x0  }
0x1e9: {  	[sflag:s6] =	ssyncadd.s32 $0xFFFFFF80  }
0x1ea: {  	s12 =	sadd.s32 $0x80000, s12;
	_ =	swait.ge [sflag:s6], $0x80  }
0x1eb: {  	p1 =	sne.s32 s12, $0x500000;
	[sflag:s6] =	ssyncset.done $0x0  }
.Ltmp6:
0x1ec: {  	s13 =	simm.s32 @!p3 $0x3;
	[sflag:s6] =	ssyncadd.s32 $0xFFFFFF80;
	(pc) =	sbr.rel @p1 .LBB2_13-.Ltmp6, $4  }
0x1ed: {  	_ =	swait.ge @!p3 [sflag:s13], $0x80  }
0x1ee: {  	[sflag:s13] =	ssyncset.done @!p3 $0x0  }
0x1ef: {  	s16 =	simm.s32 @!p2 $0x3;
	[sflag:s13] =	ssyncadd.s32 @!p3 $0xFFFFFF80  }
0x1f0: {  	s11 =	sadd.s32 $0x80, s11;
	s9 =	sadd.s32 $0x4000, s9;
	_ =	swait.ge @!p2 [sflag:s16], $0x80  }
0x1f1: {  	s13 =	sshra.s32 s8, $0x2  }
0x1f2: {  	s12 =	rddreg [dreg:$0x4];
	[sflag:s16] =	ssyncset.done @!p2 $0x0;
	s13 =	sadd.s32 s13, s10  }
0x1f3: {  	[sflag:s16] =	ssyncadd.s32 @!p2 $0xFFFFFF80;
	s12 =	sadd.s32 s9, s12;
	s15 =	sshrl.u32 s13, $0x3  }
0x1f4: {  	[hbm:s12], [sflag:s29] =	dma.local [spmem:s15], $0x80  }
0x1f5: {  	s16 =	sadd.s32 $0x4000, s13;
	s12 =	rddreg [dreg:$0x5]  }
0x1f6: {  	s15 =	sshrl.u32 s16, $0x3;
	s12 =	sadd.s32 s9, s12  }
0x1f7: {  	[hbm:s12], [sflag:s29] =	dma.local [spmem:s15], $0x80  }
0x1f8: {  	s17 =	sadd.s32 $0x8000, s13;
	s12 =	rddreg [dreg:$0x6]  }
0x1f9: {  	s15 =	sshrl.u32 s17, $0x3;
	s12 =	sadd.s32 s9, s12  }
0x1fa: {  	[hbm:s12], [sflag:s29] =	dma.local [spmem:s15], $0x80  }
0x1fb: {  	s20 =	sadd.s32 $0xC000, s13;
	s12 =	rddreg [dreg:$0x7]  }
0x1fc: {  	s15 =	sshrl.u32 s20, $0x3;
	s12 =	sadd.s32 s9, s12  }
0x1fd: {  	[hbm:s12], [sflag:s29] =	dma.local [spmem:s15], $0x80  }
0x1fe: {  	s16 =	sadd.s32 $0x10000, s13;
	s12 =	rddreg [dreg:$0x8]  }
0x1ff: {  	s15 =	sshrl.u32 s16, $0x3;
	s12 =	sadd.s32 s9, s12  }
0x200: {  	[hbm:s12], [sflag:s29] =	dma.local [spmem:s15], $0x80  }
0x201: {  	s13 =	sadd.s32 $0x14000, s13;
	s17 =	sadd.s32 $0xFFFFFFF0, s11;
	s12 =	rddreg [dreg:$0x9]  }
0x202: {  	s13 =	sshrl.u32 s13, $0x3;
	p1 =	sgt.u32 s17, $0x4E1;
	s12 =	sadd.s32 s9, s12  }
0x203: {  	[hbm:s12], [sflag:s29] =	dma.local [spmem:s13], $0x80  }
0x204: {  	s13 =	sshra.s32 @!p1 s8, $0x2  }
0x205: {  	p2 =	sgt.u32 s11, $0x4E1;
	s13 =	sadd.s32 @!p1 s13, s10  }
0x206: {  	s8 =	sshra.s32 @!p2 s8, $0x2;
	s12 =	rddreg [dreg:$0xa];
	s13 =	sadd.s32 @!p1 $0x18000, s13  }
0x207: {  	s8 =	sadd.s32 @!p2 s8, s10;
	s12 =	sadd.s32 @!p1 s9, s12;
	s13 =	sshrl.u32 @!p1 s13, $0x3  }
0x208: {  	[hbm:s12], [sflag:s29] =	dma.local @!p1 [spmem:s13], $0x80  }
0x209: {  	s8 =	sadd.s32 @!p2 $0x1C000, s8;
	s11 =	rddreg [dreg:$0xb]  }
0x20a: {  	s8 =	sshrl.u32 @!p2 s8, $0x3;
	s9 =	sadd.s32 @!p2 s9, s11  }
0x20b: {  	[hbm:s9], [sflag:s29] =	dma.local @!p2 [spmem:s8], $0x80  }
0x20c: {  	_ =	swait.ge [sflag:s6], $0x80  }
0x20d: {  	[sflag:s6] =	ssyncset.done $0x0  }
0x20e: {  	[sflag:s6] =	ssyncadd.s32 $0xFFFFFF80  }
0x20f: {  	_ =	swait.ge [sflag:s6], $0x80  }
0x210: {  	[sflag:s6] =	ssyncset.done $0x0  }
0x211: {  	[sflag:s6] =	ssyncadd.s32 $0xFFFFFF80  }
0x212: {  	_ =	swait.ge [sflag:s6], $0x80  }
0x213: {  	[sflag:s6] =	ssyncset.done $0x0  }
0x214: {  	[sflag:s6] =	ssyncadd.s32 $0xFFFFFF80  }
0x215: {  	_ =	swait.ge [sflag:s6], $0x80  }
0x216: {  	[sflag:s6] =	ssyncset.done $0x0  }
0x217: {  	[sflag:s6] =	ssyncadd.s32 $0xFFFFFF80  }
0x218: {  	_ =	swait.ge [sflag:s6], $0x80  }
0x219: {  	[sflag:s6] =	ssyncset.done $0x0  }
0x21a: {  	[sflag:s6] =	ssyncadd.s32 $0xFFFFFF80  }
0x21b: {  	_ =	swait.ge [sflag:s6], $0x80  }
0x21c: {  	[sflag:s6] =	ssyncset.done $0x0  }
0x21d: {  	s8 =	simm.s32 @!p1 $0x3;
	[sflag:s6] =	ssyncadd.s32 $0xFFFFFF80  }
0x21e: {  	_ =	swait.ge @!p1 [sflag:s8], $0x80  }
0x21f: {  	[sflag:s8] =	ssyncset.done @!p1 $0x0  }
0x220: {  	[sflag:s8] =	ssyncadd.s32 @!p1 $0xFFFFFF80;
	s8 =	simm.s32 @!p2 $0x3  }
0x221: {  	_ =	swait.ge @!p2 [sflag:s8], $0x80  }
0x222: {  	s20 =	rddreg [dreg:$0x1a]  }
0x223: {  	s29 =	rddreg [dreg:$0x10];
	s11 =	sadd.s32 $0x1, s20  }
0x224: {  	p1 =	sne.s32 s11, s29  }
.Ltmp7:
0x225: {  	_ = 	snop;
	(pc) =	sbr.rel @p1 .LBB2_1-.Ltmp7, $3  }
0x226: {  	_ =	sdelay $0x1  }
0x227: {  	[sflag:s8] =	ssyncset.done @!p2 $0x0  }
0x228: {  	[sflag:s8] =	ssyncadd.s32 @!p2 $0xFFFFFF80  }
0x229: {  	_ =	sfence.sel $0x180000  }
0x22a: {  	[bflag:$0x0] =	sbarrier.arrive $0xFFFF  }
0x22b: {  	_ =	strace $0x9000004A  }
0x22c: {  	s0 =	stileid.u32;
	[bflag:$0x2] =	sbarrier.arrive $0xFFFF  }
0x22d: {  	p0 =	sne.s32 s0, $0x0;
	s0 =	rddreg [dreg:$0x3]  }
0x22e: {  	s0 =	sadd.s32 @!p0 $0x100000, s0  }
0x22f: {  	[sflag:s0] =	ssyncadd.tile.s32 @!p0 $0x1;
	_ =	shalt  }
.Lfunc_end2:
_tile_overlayer_lowered:
.L_overlay_start_2:
0x230: {  	(tag) =	ssettag $0x2  }
0x231: {  	s0 =	rddreg [dreg:$0x0];
	s2 =	stileid.u32  }
0x232: {  	s1 =	rddreg [dreg:$0x1];
	p0 =	sne.s32 s2, $0x0  }
0x233: {  	s3 =	rddreg [dreg:$0x2];
	[bflag:$0x3] =	sbarrier.arrive $0xFFFF;
	s2 =	simm.s32 @!p0 $0x1C05  }
0x234: {  	[timem:s3], [sflag:s2] =	dma.local @!p0 [hbm:s0], s1  }
0x235: {  	s0 =	simm.s32 @!p0 $0x5  }
0x236: {  	_ =	swait.ge @!p0 [sflag:s0], s1  }
0x237: {  	s1 =	ssub.s32 @!p0 $0x0, s1;
	[sflag:s0] =	ssyncset.done @!p0 $0x0  }
0x238: {  	[sflag:s0] =	ssyncadd.s32 @!p0 s1  }
0x239: {  	[bflag:$0x3] =	sbarrier.arrive $0xFFFF  }
0x23a: {  	_ =	shalt  }

</sc_bundles>
